<compile_context>
chip_gen: v7x
topology: tpu7x:2x2x1
jax: 0.10.2.dev20260603
libtpu: 0.0.44.dev20260713+nightly
codegen_flags: <defaults>
</compile_context>

<pallas_src>
import functools

import jax
import jax.numpy as jnp
from jax import lax
from jax.experimental import pallas as pl
from jax.experimental.pallas import tpu as pltpu
from jax.experimental.pallas import tpu_sc as plsc

_POOL = 100000
_D = 128
_B = 4096
_S = 26
_NW = 32
_BPW = _B // _NW
_NBUF = 6
_PRIME = _NBUF - 2


def _make_kernel():
    mesh = plsc.VectorSubcoreMesh(core_axis_name="c", subcore_axis_name="s")

    @functools.partial(
        pl.kernel,
        mesh=mesh,
        out_type=jax.ShapeDtypeStruct((_S, _B, _D), jnp.float32),
        scratch_types=(
            [pltpu.VMEM((_S, _BPW), jnp.int32),
             pltpu.VMEM((_NBUF, _BPW, _D), jnp.float32)]
            + [pltpu.SemaphoreType.DMA] * (2 * _NBUF)
        ),
    )
    def gather_kernel(idx_hbm, table_hbm, out_hbm, idx_v, bufs, *sems):
        gsems = sems[:_NBUF]
        wsems = sems[_NBUF:]
        wid = lax.axis_index("s") * 2 + lax.axis_index("c")
        wb = wid * _BPW
        pltpu.sync_copy(idx_hbm.at[wid], idx_v)

        def g_copy(s, b):
            return pltpu.make_async_copy(
                table_hbm.at[idx_v.at[s]], bufs.at[b], gsems[b])

        def w_copy(s, b):
            return pltpu.make_async_copy(
                bufs.at[b], out_hbm.at[s, pl.ds(wb, _BPW)], wsems[b])

        for s in range(_PRIME):
            g_copy(s, s).start()

        for s in range(_S):
            b = s % _NBUF
            g_copy(s, b).wait()
            if s >= 1:
                w_copy(s - 1, (s - 1) % _NBUF).start()
            ns = s + _PRIME
            if ns < _S:
                nb = ns % _NBUF
                if ns >= _NBUF:
                    w_copy(ns - _NBUF, nb).wait()
                g_copy(ns, nb).start()

        w_copy(_S - 1, (_S - 1) % _NBUF).start()
        for s in range(_S - _NBUF, _S):
            w_copy(s, s % _NBUF).wait()

    return gather_kernel


_gather = _make_kernel()


def kernel(indices, embedding):
    idx = indices.astype(jnp.int32).T.reshape(_S, _NW, _BPW).transpose(1, 0, 2)
    out = _gather(idx, embedding)
    return out.transpose(1, 0, 2)

# --- scband reference (transcript-rebuilt; emitter-appended) ---
"""Pipeline reference for scband-parameter-pool-48515950576545 (READ-ONLY COPY).

The authoritative reference and input builder live on the scoring server;
editing this copy changes nothing except your own understanding.
"""

import jax, jax.numpy as jnp
import numpy as np

POOL_SIZE = 100000
PARAM_DIM = 128
BATCH = 4096
NUM_SELECTED = 26

def setup_inputs(seed: int = 0) -> dict:
    key = jax.random.key(seed)
    k_idx, k_tab = jax.random.split(key)
    indices = jax.random.randint(k_idx, (BATCH, NUM_SELECTED), 0, POOL_SIZE, dtype=jnp.int64 if jax.config.jax_enable_x64 else jnp.int32)
    # nnx.Embed default initializer is variance-scaling-like; use scaled normal
    embedding = jax.random.normal(k_tab, (POOL_SIZE, PARAM_DIM), dtype=jnp.float32) * (1.0 / np.sqrt(PARAM_DIM))
    return {"indices": indices, "embedding": embedding}

def reference(indices, embedding):
    # ParameterPool.__call__ -> get_params -> nnx.Embed lookup (gather rows)
    out = jnp.take(embedding, indices, axis=0)  # [B, num_selected, param_dim]
    return out

if __name__ == "__main__":
    import jax
    _d = setup_inputs()
    print(jax.jit(kernel)(*tuple(_d.values())))

</pallas_src>

<mosaic_0001>
#map = affine_map<(d0, d1) -> (0, 0, 0)>
#map1 = affine_map<(d0, d1) -> (0, 0)>
module attributes {stable_mosaic.version = 14 : i64} {
  func.func @gather_kernel(%arg0: i32, %arg1: i32, %arg2: memref<32x26x128xi32, #tpu.memory_space<hbm>>, %arg3: memref<100000x128xf32, #tpu.memory_space<hbm>>, %arg4: memref<26x4096x128xf32, #tpu.memory_space<hbm>>, %arg5: memref<26x128xi32, #tpu.memory_space<vmem>>, %arg6: memref<6x128x128xf32, #tpu.memory_space<vmem>>, %arg7: memref<!tpu.dma_semaphore, #tpu.memory_space<semaphore_mem>>, %arg8: memref<!tpu.dma_semaphore, #tpu.memory_space<semaphore_mem>>, %arg9: memref<!tpu.dma_semaphore, #tpu.memory_space<semaphore_mem>>, %arg10: memref<!tpu.dma_semaphore, #tpu.memory_space<semaphore_mem>>, %arg11: memref<!tpu.dma_semaphore, #tpu.memory_space<semaphore_mem>>, %arg12: memref<!tpu.dma_semaphore, #tpu.memory_space<semaphore_mem>>, %arg13: memref<!tpu.dma_semaphore, #tpu.memory_space<semaphore_mem>>, %arg14: memref<!tpu.dma_semaphore, #tpu.memory_space<semaphore_mem>>, %arg15: memref<!tpu.dma_semaphore, #tpu.memory_space<semaphore_mem>>, %arg16: memref<!tpu.dma_semaphore, #tpu.memory_space<semaphore_mem>>, %arg17: memref<!tpu.dma_semaphore, #tpu.memory_space<semaphore_mem>>, %arg18: memref<!tpu.dma_semaphore, #tpu.memory_space<semaphore_mem>>) attributes {dimension_semantics = [#tpu.dimension_semantics<core_parallel>, #tpu.dimension_semantics<subcore_parallel>], iteration_bounds = array<i64: 2, 16>, scalar_prefetch = 0 : i64, scratch_operands = 14 : i64, tpu.core_type = #tpu.core_type<sc_vector_subcore>, window_params = [{transform_indices = #map}, {transform_indices = #map1}, {transform_indices = #map}]} {
    %mul3A = arith.constant 2 : i32
    %mul3A_0 = arith.muli %arg1, %mul3A : i32
    %add3A = arith.addi %mul3A_0, %arg0 : i32
    %mul3A_1 = arith.constant 128 : i32
    %mul3A_2 = arith.muli %add3A, %mul3A_1 : i32
    "tpu.region"() ({
      %run_scoped3A = tpu.sem_alloc : memref<!tpu.dma_semaphore, #tpu.memory_space<semaphore_mem>>
      %dma_start3A_1457 = arith.constant 0 : i32
      %dma_start3A_1458 = arith.constant 0 : i32
      %dma_start3A_1459 = tpu.memref_slice %arg2[%add3A, %dma_start3A_1457, %dma_start3A_1458] : memref<32x26x128xi32, #tpu.memory_space<hbm>> -> memref<1x26x128xi32, #tpu.memory_space<hbm>>
      %dma_start3A_1460 = tpu.memref_squeeze %dma_start3A_1459 : memref<1x26x128xi32, #tpu.memory_space<hbm>> -> memref<26x128xi32, #tpu.memory_space<hbm>>
      %dma_start3A_1461 = arith.constant 0 : i32
      %dma_start3A_1462 = arith.constant 0 : i32
      %dma_start3A_1463 = tpu.memref_slice %arg2[%add3A, %dma_start3A_1461, %dma_start3A_1462] : memref<32x26x128xi32, #tpu.memory_space<hbm>> -> memref<1x26x128xi32, #tpu.memory_space<hbm>>
      %dma_start3A_1464 = tpu.memref_squeeze %dma_start3A_1463 : memref<1x26x128xi32, #tpu.memory_space<hbm>> -> memref<26x128xi32, #tpu.memory_space<hbm>>
      tpu.enqueue_dma source(%dma_start3A_1464 : memref<26x128xi32, #tpu.memory_space<hbm>>) target(%arg5 : memref<26x128xi32, #tpu.memory_space<vmem>>) target_semaphore(%run_scoped3A : memref<!tpu.dma_semaphore, #tpu.memory_space<semaphore_mem>>)
      %dma_wait3A_1465 = arith.constant 0 : i32
      %dma_wait3A_1466 = arith.constant 0 : i32
      %dma_wait3A_1467 = tpu.memref_slice %arg2[%add3A, %dma_wait3A_1465, %dma_wait3A_1466] : memref<32x26x128xi32, #tpu.memory_space<hbm>> -> memref<1x26x128xi32, #tpu.memory_space<hbm>>
      %dma_wait3A_1468 = tpu.memref_squeeze %dma_wait3A_1467 : memref<1x26x128xi32, #tpu.memory_space<hbm>> -> memref<26x128xi32, #tpu.memory_space<hbm>>
      %dma_wait3A_1469 = arith.constant 0 : i32
      %dma_wait3A_1470 = arith.constant 0 : i32
      %dma_wait3A_1471 = tpu.memref_slice %arg2[%add3A, %dma_wait3A_1469, %dma_wait3A_1470] : memref<32x26x128xi32, #tpu.memory_space<hbm>> -> memref<1x26x128xi32, #tpu.memory_space<hbm>>
      %dma_wait3A_1472 = tpu.memref_squeeze %dma_wait3A_1471 : memref<1x26x128xi32, #tpu.memory_space<hbm>> -> memref<26x128xi32, #tpu.memory_space<hbm>>
      tpu.wait_dma2 semaphore(%run_scoped3A : memref<!tpu.dma_semaphore, #tpu.memory_space<semaphore_mem>>) src(%dma_wait3A_1472 : memref<26x128xi32, #tpu.memory_space<hbm>>) dst(%arg5 : memref<26x128xi32, #tpu.memory_space<vmem>>)
      tpu.yield
    }) : () -> ()
    %dma_start3A = arith.constant 0 : i32
    %dma_start3A_3 = arith.constant 0 : i32
    %dma_start3A_4 = arith.constant 0 : i32
    %dma_start3A_5 = arith.constant 0 : i32
    %dma_start3A_6 = tpu.memref_slice %arg6[%dma_start3A_3, %dma_start3A_4, %dma_start3A_5] : memref<6x128x128xf32, #tpu.memory_space<vmem>> -> memref<1x128x128xf32, #tpu.memory_space<vmem>>
    %dma_start3A_7 = tpu.memref_squeeze %dma_start3A_6 : memref<1x128x128xf32, #tpu.memory_space<vmem>> -> memref<128x128xf32, #tpu.memory_space<vmem>>
    %dma_start3A_8 = arith.constant 0 : i32
    %dma_start3A_9 = tpu.memref_slice %arg5[%dma_start3A, %dma_start3A_8] : memref<26x128xi32, #tpu.memory_space<vmem>> -> memref<1x128xi32, #tpu.memory_space<vmem>>
    %dma_start3A_10 = tpu.memref_squeeze %dma_start3A_9 : memref<1x128xi32, #tpu.memory_space<vmem>> -> memref<128xi32, #tpu.memory_space<vmem>>
    %dma_start3A_11 = arith.constant 0 : i32
    %dma_start3A_12 = arith.constant 0 : i32
    %dma_start3A_13 = tpu.memref_slice %arg3[%dma_start3A_11, %dma_start3A_12] : memref<100000x128xf32, #tpu.memory_space<hbm>> -> memref<100000x128xf32, #tpu.memory_space<hbm>>
    tpu.enqueue_indirect_dma source(%dma_start3A_13 : memref<100000x128xf32, #tpu.memory_space<hbm>>) target(%dma_start3A_7 : memref<128x128xf32, #tpu.memory_space<vmem>>) offsets(%dma_start3A_10 : memref<128xi32, #tpu.memory_space<vmem>>) semaphore(%arg7 : memref<!tpu.dma_semaphore, #tpu.memory_space<semaphore_mem>>)
    %dma_start3A_14 = arith.constant 1 : i32
    %dma_start3A_15 = arith.constant 1 : i32
    %dma_start3A_16 = arith.constant 0 : i32
    %dma_start3A_17 = arith.constant 0 : i32
    %dma_start3A_18 = tpu.memref_slice %arg6[%dma_start3A_15, %dma_start3A_16, %dma_start3A_17] : memref<6x128x128xf32, #tpu.memory_space<vmem>> -> memref<1x128x128xf32, #tpu.memory_space<vmem>>
    %dma_start3A_19 = tpu.memref_squeeze %dma_start3A_18 : memref<1x128x128xf32, #tpu.memory_space<vmem>> -> memref<128x128xf32, #tpu.memory_space<vmem>>
    %dma_start3A_20 = arith.constant 0 : i32
    %dma_start3A_21 = tpu.memref_slice %arg5[%dma_start3A_14, %dma_start3A_20] : memref<26x128xi32, #tpu.memory_space<vmem>> -> memref<1x128xi32, #tpu.memory_space<vmem>>
    %dma_start3A_22 = tpu.memref_squeeze %dma_start3A_21 : memref<1x128xi32, #tpu.memory_space<vmem>> -> memref<128xi32, #tpu.memory_space<vmem>>
    %dma_start3A_23 = arith.constant 0 : i32
    %dma_start3A_24 = arith.constant 0 : i32
    %dma_start3A_25 = tpu.memref_slice %arg3[%dma_start3A_23, %dma_start3A_24] : memref<100000x128xf32, #tpu.memory_space<hbm>> -> memref<100000x128xf32, #tpu.memory_space<hbm>>
    tpu.enqueue_indirect_dma source(%dma_start3A_25 : memref<100000x128xf32, #tpu.memory_space<hbm>>) target(%dma_start3A_19 : memref<128x128xf32, #tpu.memory_space<vmem>>) offsets(%dma_start3A_22 : memref<128xi32, #tpu.memory_space<vmem>>) semaphore(%arg8 : memref<!tpu.dma_semaphore, #tpu.memory_space<semaphore_mem>>)
    %dma_start3A_26 = arith.constant 2 : i32
    %dma_start3A_27 = arith.constant 2 : i32
    %dma_start3A_28 = arith.constant 0 : i32
    %dma_start3A_29 = arith.constant 0 : i32
    %dma_start3A_30 = tpu.memref_slice %arg6[%dma_start3A_27, %dma_start3A_28, %dma_start3A_29] : memref<6x128x128xf32, #tpu.memory_space<vmem>> -> memref<1x128x128xf32, #tpu.memory_space<vmem>>
    %dma_start3A_31 = tpu.memref_squeeze %dma_start3A_30 : memref<1x128x128xf32, #tpu.memory_space<vmem>> -> memref<128x128xf32, #tpu.memory_space<vmem>>
    %dma_start3A_32 = arith.constant 0 : i32
    %dma_start3A_33 = tpu.memref_slice %arg5[%dma_start3A_26, %dma_start3A_32] : memref<26x128xi32, #tpu.memory_space<vmem>> -> memref<1x128xi32, #tpu.memory_space<vmem>>
    %dma_start3A_34 = tpu.memref_squeeze %dma_start3A_33 : memref<1x128xi32, #tpu.memory_space<vmem>> -> memref<128xi32, #tpu.memory_space<vmem>>
    %dma_start3A_35 = arith.constant 0 : i32
    %dma_start3A_36 = arith.constant 0 : i32
    %dma_start3A_37 = tpu.memref_slice %arg3[%dma_start3A_35, %dma_start3A_36] : memref<100000x128xf32, #tpu.memory_space<hbm>> -> memref<100000x128xf32, #tpu.memory_space<hbm>>
    tpu.enqueue_indirect_dma source(%dma_start3A_37 : memref<100000x128xf32, #tpu.memory_space<hbm>>) target(%dma_start3A_31 : memref<128x128xf32, #tpu.memory_space<vmem>>) offsets(%dma_start3A_34 : memref<128xi32, #tpu.memory_space<vmem>>) semaphore(%arg9 : memref<!tpu.dma_semaphore, #tpu.memory_space<semaphore_mem>>)
    %dma_start3A_38 = arith.constant 3 : i32
    %dma_start3A_39 = arith.constant 3 : i32
    %dma_start3A_40 = arith.constant 0 : i32
    %dma_start3A_41 = arith.constant 0 : i32
    %dma_start3A_42 = tpu.memref_slice %arg6[%dma_start3A_39, %dma_start3A_40, %dma_start3A_41] : memref<6x128x128xf32, #tpu.memory_space<vmem>> -> memref<1x128x128xf32, #tpu.memory_space<vmem>>
    %dma_start3A_43 = tpu.memref_squeeze %dma_start3A_42 : memref<1x128x128xf32, #tpu.memory_space<vmem>> -> memref<128x128xf32, #tpu.memory_space<vmem>>
    %dma_start3A_44 = arith.constant 0 : i32
    %dma_start3A_45 = tpu.memref_slice %arg5[%dma_start3A_38, %dma_start3A_44] : memref<26x128xi32, #tpu.memory_space<vmem>> -> memref<1x128xi32, #tpu.memory_space<vmem>>
    %dma_start3A_46 = tpu.memref_squeeze %dma_start3A_45 : memref<1x128xi32, #tpu.memory_space<vmem>> -> memref<128xi32, #tpu.memory_space<vmem>>
    %dma_start3A_47 = arith.constant 0 : i32
    %dma_start3A_48 = arith.constant 0 : i32
    %dma_start3A_49 = tpu.memref_slice %arg3[%dma_start3A_47, %dma_start3A_48] : memref<100000x128xf32, #tpu.memory_space<hbm>> -> memref<100000x128xf32, #tpu.memory_space<hbm>>
    tpu.enqueue_indirect_dma source(%dma_start3A_49 : memref<100000x128xf32, #tpu.memory_space<hbm>>) target(%dma_start3A_43 : memref<128x128xf32, #tpu.memory_space<vmem>>) offsets(%dma_start3A_46 : memref<128xi32, #tpu.memory_space<vmem>>) semaphore(%arg10 : memref<!tpu.dma_semaphore, #tpu.memory_space<semaphore_mem>>)
    %dma_wait3A = arith.constant 0 : i32
    %dma_wait3A_50 = arith.constant 0 : i32
    %dma_wait3A_51 = arith.constant 0 : i32
    %dma_wait3A_52 = arith.constant 0 : i32
    %dma_wait3A_53 = tpu.memref_slice %arg6[%dma_wait3A_50, %dma_wait3A_51, %dma_wait3A_52] : memref<6x128x128xf32, #tpu.memory_space<vmem>> -> memref<1x128x128xf32, #tpu.memory_space<vmem>>
    %dma_wait3A_54 = tpu.memref_squeeze %dma_wait3A_53 : memref<1x128x128xf32, #tpu.memory_space<vmem>> -> memref<128x128xf32, #tpu.memory_space<vmem>>
    %dma_wait3A_55 = arith.constant 0 : i32
    %dma_wait3A_56 = tpu.memref_slice %arg5[%dma_wait3A, %dma_wait3A_55] : memref<26x128xi32, #tpu.memory_space<vmem>> -> memref<1x128xi32, #tpu.memory_space<vmem>>
    %dma_wait3A_57 = tpu.memref_squeeze %dma_wait3A_56 : memref<1x128xi32, #tpu.memory_space<vmem>> -> memref<128xi32, #tpu.memory_space<vmem>>
    %dma_wait3A_58 = arith.constant 0 : i32
    %dma_wait3A_59 = arith.constant 0 : i32
    %dma_wait3A_60 = tpu.memref_slice %arg3[%dma_wait3A_58, %dma_wait3A_59] : memref<100000x128xf32, #tpu.memory_space<hbm>> -> memref<100000x128xf32, #tpu.memory_space<hbm>>
    tpu.wait_indirect_dma semaphore(%arg7 : memref<!tpu.dma_semaphore, #tpu.memory_space<semaphore_mem>>) src(%dma_wait3A_60 : memref<100000x128xf32, #tpu.memory_space<hbm>>) dst(%dma_wait3A_54 : memref<128x128xf32, #tpu.memory_space<vmem>>)
    %dma_start3A_61 = arith.constant 4 : i32
    %dma_start3A_62 = arith.constant 4 : i32
    %dma_start3A_63 = arith.constant 0 : i32
    %dma_start3A_64 = arith.constant 0 : i32
    %dma_start3A_65 = tpu.memref_slice %arg6[%dma_start3A_62, %dma_start3A_63, %dma_start3A_64] : memref<6x128x128xf32, #tpu.memory_space<vmem>> -> memref<1x128x128xf32, #tpu.memory_space<vmem>>
    %dma_start3A_66 = tpu.memref_squeeze %dma_start3A_65 : memref<1x128x128xf32, #tpu.memory_space<vmem>> -> memref<128x128xf32, #tpu.memory_space<vmem>>
    %dma_start3A_67 = arith.constant 0 : i32
    %dma_start3A_68 = tpu.memref_slice %arg5[%dma_start3A_61, %dma_start3A_67] : memref<26x128xi32, #tpu.memory_space<vmem>> -> memref<1x128xi32, #tpu.memory_space<vmem>>
    %dma_start3A_69 = tpu.memref_squeeze %dma_start3A_68 : memref<1x128xi32, #tpu.memory_space<vmem>> -> memref<128xi32, #tpu.memory_space<vmem>>
    %dma_start3A_70 = arith.constant 0 : i32
    %dma_start3A_71 = arith.constant 0 : i32
    %dma_start3A_72 = tpu.memref_slice %arg3[%dma_start3A_70, %dma_start3A_71] : memref<100000x128xf32, #tpu.memory_space<hbm>> -> memref<100000x128xf32, #tpu.memory_space<hbm>>
    tpu.enqueue_indirect_dma source(%dma_start3A_72 : memref<100000x128xf32, #tpu.memory_space<hbm>>) target(%dma_start3A_66 : memref<128x128xf32, #tpu.memory_space<vmem>>) offsets(%dma_start3A_69 : memref<128xi32, #tpu.memory_space<vmem>>) semaphore(%arg11 : memref<!tpu.dma_semaphore, #tpu.memory_space<semaphore_mem>>)
    %dma_wait3A_73 = arith.constant 1 : i32
    %dma_wait3A_74 = arith.constant 1 : i32
    %dma_wait3A_75 = arith.constant 0 : i32
    %dma_wait3A_76 = arith.constant 0 : i32
    %dma_wait3A_77 = tpu.memref_slice %arg6[%dma_wait3A_74, %dma_wait3A_75, %dma_wait3A_76] : memref<6x128x128xf32, #tpu.memory_space<vmem>> -> memref<1x128x128xf32, #tpu.memory_space<vmem>>
    %dma_wait3A_78 = tpu.memref_squeeze %dma_wait3A_77 : memref<1x128x128xf32, #tpu.memory_space<vmem>> -> memref<128x128xf32, #tpu.memory_space<vmem>>
    %dma_wait3A_79 = arith.constant 0 : i32
    %dma_wait3A_80 = tpu.memref_slice %arg5[%dma_wait3A_73, %dma_wait3A_79] : memref<26x128xi32, #tpu.memory_space<vmem>> -> memref<1x128xi32, #tpu.memory_space<vmem>>
    %dma_wait3A_81 = tpu.memref_squeeze %dma_wait3A_80 : memref<1x128xi32, #tpu.memory_space<vmem>> -> memref<128xi32, #tpu.memory_space<vmem>>
    %dma_wait3A_82 = arith.constant 0 : i32
    %dma_wait3A_83 = arith.constant 0 : i32
    %dma_wait3A_84 = tpu.memref_slice %arg3[%dma_wait3A_82, %dma_wait3A_83] : memref<100000x128xf32, #tpu.memory_space<hbm>> -> memref<100000x128xf32, #tpu.memory_space<hbm>>
    tpu.wait_indirect_dma semaphore(%arg8 : memref<!tpu.dma_semaphore, #tpu.memory_space<semaphore_mem>>) src(%dma_wait3A_84 : memref<100000x128xf32, #tpu.memory_space<hbm>>) dst(%dma_wait3A_78 : memref<128x128xf32, #tpu.memory_space<vmem>>)
    %dma_start3A_85 = arith.constant 0 : i32
    %dma_start3A_86 = arith.constant 0 : i32
    %dma_start3A_87 = arith.constant 0 : i32
    %dma_start3A_88 = arith.constant 0 : i32
    %dma_start3A_89 = tpu.memref_slice %arg6[%dma_start3A_85, %dma_start3A_87, %dma_start3A_88] : memref<6x128x128xf32, #tpu.memory_space<vmem>> -> memref<1x128x128xf32, #tpu.memory_space<vmem>>
    %dma_start3A_90 = tpu.memref_squeeze %dma_start3A_89 : memref<1x128x128xf32, #tpu.memory_space<vmem>> -> memref<128x128xf32, #tpu.memory_space<vmem>>
    %dma_start3A_91 = arith.constant 0 : i32
    %dma_start3A_92 = tpu.memref_slice %arg4[%dma_start3A_86, %mul3A_2, %dma_start3A_91] : memref<26x4096x128xf32, #tpu.memory_space<hbm>> -> memref<1x128x128xf32, #tpu.memory_space<hbm>>
    %dma_start3A_93 = tpu.memref_squeeze %dma_start3A_92 : memref<1x128x128xf32, #tpu.memory_space<hbm>> -> memref<128x128xf32, #tpu.memory_space<hbm>>
    %dma_start3A_94 = arith.constant 0 : i32
    %dma_start3A_95 = tpu.memref_slice %arg4[%dma_start3A_86, %mul3A_2, %dma_start3A_94] : memref<26x4096x128xf32, #tpu.memory_space<hbm>> -> memref<1x128x128xf32, #tpu.memory_space<hbm>>
    %dma_start3A_96 = tpu.memref_squeeze %dma_start3A_95 : memref<1x128x128xf32, #tpu.memory_space<hbm>> -> memref<128x128xf32, #tpu.memory_space<hbm>>
    %dma_start3A_97 = arith.constant 0 : i32
    %dma_start3A_98 = arith.constant 0 : i32
    %dma_start3A_99 = tpu.memref_slice %arg6[%dma_start3A_85, %dma_start3A_97, %dma_start3A_98] : memref<6x128x128xf32, #tpu.memory_space<vmem>> -> memref<1x128x128xf32, #tpu.memory_space<vmem>>
    %dma_start3A_100 = tpu.memref_squeeze %dma_start3A_99 : memref<1x128x128xf32, #tpu.memory_space<vmem>> -> memref<128x128xf32, #tpu.memory_space<vmem>>
    tpu.enqueue_dma source(%dma_start3A_100 : memref<128x128xf32, #tpu.memory_space<vmem>>) target(%dma_start3A_96 : memref<128x128xf32, #tpu.memory_space<hbm>>) target_semaphore(%arg13 : memref<!tpu.dma_semaphore, #tpu.memory_space<semaphore_mem>>)
    %dma_start3A_101 = arith.constant 5 : i32
    %dma_start3A_102 = arith.constant 5 : i32
    %dma_start3A_103 = arith.constant 0 : i32
    %dma_start3A_104 = arith.constant 0 : i32
    %dma_start3A_105 = tpu.memref_slice %arg6[%dma_start3A_102, %dma_start3A_103, %dma_start3A_104] : memref<6x128x128xf32, #tpu.memory_space<vmem>> -> memref<1x128x128xf32, #tpu.memory_space<vmem>>
    %dma_start3A_106 = tpu.memref_squeeze %dma_start3A_105 : memref<1x128x128xf32, #tpu.memory_space<vmem>> -> memref<128x128xf32, #tpu.memory_space<vmem>>
    %dma_start3A_107 = arith.constant 0 : i32
    %dma_start3A_108 = tpu.memref_slice %arg5[%dma_start3A_101, %dma_start3A_107] : memref<26x128xi32, #tpu.memory_space<vmem>> -> memref<1x128xi32, #tpu.memory_space<vmem>>
    %dma_start3A_109 = tpu.memref_squeeze %dma_start3A_108 : memref<1x128xi32, #tpu.memory_space<vmem>> -> memref<128xi32, #tpu.memory_space<vmem>>
    %dma_start3A_110 = arith.constant 0 : i32
    %dma_start3A_111 = arith.constant 0 : i32
    %dma_start3A_112 = tpu.memref_slice %arg3[%dma_start3A_110, %dma_start3A_111] : memref<100000x128xf32, #tpu.memory_space<hbm>> -> memref<100000x128xf32, #tpu.memory_space<hbm>>
    tpu.enqueue_indirect_dma source(%dma_start3A_112 : memref<100000x128xf32, #tpu.memory_space<hbm>>) target(%dma_start3A_106 : memref<128x128xf32, #tpu.memory_space<vmem>>) offsets(%dma_start3A_109 : memref<128xi32, #tpu.memory_space<vmem>>) semaphore(%arg12 : memref<!tpu.dma_semaphore, #tpu.memory_space<semaphore_mem>>)
    %dma_wait3A_113 = arith.constant 2 : i32
    %dma_wait3A_114 = arith.constant 2 : i32
    %dma_wait3A_115 = arith.constant 0 : i32
    %dma_wait3A_116 = arith.constant 0 : i32
    %dma_wait3A_117 = tpu.memref_slice %arg6[%dma_wait3A_114, %dma_wait3A_115, %dma_wait3A_116] : memref<6x128x128xf32, #tpu.memory_space<vmem>> -> memref<1x128x128xf32, #tpu.memory_space<vmem>>
    %dma_wait3A_118 = tpu.memref_squeeze %dma_wait3A_117 : memref<1x128x128xf32, #tpu.memory_space<vmem>> -> memref<128x128xf32, #tpu.memory_space<vmem>>
    %dma_wait3A_119 = arith.constant 0 : i32
    %dma_wait3A_120 = tpu.memref_slice %arg5[%dma_wait3A_113, %dma_wait3A_119] : memref<26x128xi32, #tpu.memory_space<vmem>> -> memref<1x128xi32, #tpu.memory_space<vmem>>
    %dma_wait3A_121 = tpu.memref_squeeze %dma_wait3A_120 : memref<1x128xi32, #tpu.memory_space<vmem>> -> memref<128xi32, #tpu.memory_space<vmem>>
    %dma_wait3A_122 = arith.constant 0 : i32
    %dma_wait3A_123 = arith.constant 0 : i32
    %dma_wait3A_124 = tpu.memref_slice %arg3[%dma_wait3A_122, %dma_wait3A_123] : memref<100000x128xf32, #tpu.memory_space<hbm>> -> memref<100000x128xf32, #tpu.memory_space<hbm>>
    tpu.wait_indirect_dma semaphore(%arg9 : memref<!tpu.dma_semaphore, #tpu.memory_space<semaphore_mem>>) src(%dma_wait3A_124 : memref<100000x128xf32, #tpu.memory_space<hbm>>) dst(%dma_wait3A_118 : memref<128x128xf32, #tpu.memory_space<vmem>>)
    %dma_start3A_125 = arith.constant 1 : i32
    %dma_start3A_126 = arith.constant 1 : i32
    %dma_start3A_127 = arith.constant 0 : i32
    %dma_start3A_128 = arith.constant 0 : i32
    %dma_start3A_129 = tpu.memref_slice %arg6[%dma_start3A_125, %dma_start3A_127, %dma_start3A_128] : memref<6x128x128xf32, #tpu.memory_space<vmem>> -> memref<1x128x128xf32, #tpu.memory_space<vmem>>
    %dma_start3A_130 = tpu.memref_squeeze %dma_start3A_129 : memref<1x128x128xf32, #tpu.memory_space<vmem>> -> memref<128x128xf32, #tpu.memory_space<vmem>>
    %dma_start3A_131 = arith.constant 0 : i32
    %dma_start3A_132 = tpu.memref_slice %arg4[%dma_start3A_126, %mul3A_2, %dma_start3A_131] : memref<26x4096x128xf32, #tpu.memory_space<hbm>> -> memref<1x128x128xf32, #tpu.memory_space<hbm>>
    %dma_start3A_133 = tpu.memref_squeeze %dma_start3A_132 : memref<1x128x128xf32, #tpu.memory_space<hbm>> -> memref<128x128xf32, #tpu.memory_space<hbm>>
    %dma_start3A_134 = arith.constant 0 : i32
    %dma_start3A_135 = tpu.memref_slice %arg4[%dma_start3A_126, %mul3A_2, %dma_start3A_134] : memref<26x4096x128xf32, #tpu.memory_space<hbm>> -> memref<1x128x128xf32, #tpu.memory_space<hbm>>
    %dma_start3A_136 = tpu.memref_squeeze %dma_start3A_135 : memref<1x128x128xf32, #tpu.memory_space<hbm>> -> memref<128x128xf32, #tpu.memory_space<hbm>>
    %dma_start3A_137 = arith.constant 0 : i32
    %dma_start3A_138 = arith.constant 0 : i32
    %dma_start3A_139 = tpu.memref_slice %arg6[%dma_start3A_125, %dma_start3A_137, %dma_start3A_138] : memref<6x128x128xf32, #tpu.memory_space<vmem>> -> memref<1x128x128xf32, #tpu.memory_space<vmem>>
    %dma_start3A_140 = tpu.memref_squeeze %dma_start3A_139 : memref<1x128x128xf32, #tpu.memory_space<vmem>> -> memref<128x128xf32, #tpu.memory_space<vmem>>
    tpu.enqueue_dma source(%dma_start3A_140 : memref<128x128xf32, #tpu.memory_space<vmem>>) target(%dma_start3A_136 : memref<128x128xf32, #tpu.memory_space<hbm>>) target_semaphore(%arg14 : memref<!tpu.dma_semaphore, #tpu.memory_space<semaphore_mem>>)
    %dma_wait3A_141 = arith.constant 0 : i32
    %dma_wait3A_142 = arith.constant 0 : i32
    %dma_wait3A_143 = arith.constant 0 : i32
    %dma_wait3A_144 = arith.constant 0 : i32
    %dma_wait3A_145 = tpu.memref_slice %arg6[%dma_wait3A_141, %dma_wait3A_143, %dma_wait3A_144] : memref<6x128x128xf32, #tpu.memory_space<vmem>> -> memref<1x128x128xf32, #tpu.memory_space<vmem>>
    %dma_wait3A_146 = tpu.memref_squeeze %dma_wait3A_145 : memref<1x128x128xf32, #tpu.memory_space<vmem>> -> memref<128x128xf32, #tpu.memory_space<vmem>>
    %dma_wait3A_147 = arith.constant 0 : i32
    %dma_wait3A_148 = tpu.memref_slice %arg4[%dma_wait3A_142, %mul3A_2, %dma_wait3A_147] : memref<26x4096x128xf32, #tpu.memory_space<hbm>> -> memref<1x128x128xf32, #tpu.memory_space<hbm>>
    %dma_wait3A_149 = tpu.memref_squeeze %dma_wait3A_148 : memref<1x128x128xf32, #tpu.memory_space<hbm>> -> memref<128x128xf32, #tpu.memory_space<hbm>>
    %dma_wait3A_150 = arith.constant 0 : i32
    %dma_wait3A_151 = tpu.memref_slice %arg4[%dma_wait3A_142, %mul3A_2, %dma_wait3A_150] : memref<26x4096x128xf32, #tpu.memory_space<hbm>> -> memref<1x128x128xf32, #tpu.memory_space<hbm>>
    %dma_wait3A_152 = tpu.memref_squeeze %dma_wait3A_151 : memref<1x128x128xf32, #tpu.memory_space<hbm>> -> memref<128x128xf32, #tpu.memory_space<hbm>>
    %dma_wait3A_153 = arith.constant 0 : i32
    %dma_wait3A_154 = arith.constant 0 : i32
    %dma_wait3A_155 = tpu.memref_slice %arg6[%dma_wait3A_141, %dma_wait3A_153, %dma_wait3A_154] : memref<6x128x128xf32, #tpu.memory_space<vmem>> -> memref<1x128x128xf32, #tpu.memory_space<vmem>>
    %dma_wait3A_156 = tpu.memref_squeeze %dma_wait3A_155 : memref<1x128x128xf32, #tpu.memory_space<vmem>> -> memref<128x128xf32, #tpu.memory_space<vmem>>
    tpu.wait_dma2 semaphore(%arg13 : memref<!tpu.dma_semaphore, #tpu.memory_space<semaphore_mem>>) src(%dma_wait3A_156 : memref<128x128xf32, #tpu.memory_space<vmem>>) dst(%dma_wait3A_152 : memref<128x128xf32, #tpu.memory_space<hbm>>)
    %dma_start3A_157 = arith.constant 6 : i32
    %dma_start3A_158 = arith.constant 0 : i32
    %dma_start3A_159 = arith.constant 0 : i32
    %dma_start3A_160 = arith.constant 0 : i32
    %dma_start3A_161 = tpu.memref_slice %arg6[%dma_start3A_158, %dma_start3A_159, %dma_start3A_160] : memref<6x128x128xf32, #tpu.memory_space<vmem>> -> memref<1x128x128xf32, #tpu.memory_space<vmem>>
    %dma_start3A_162 = tpu.memref_squeeze %dma_start3A_161 : memref<1x128x128xf32, #tpu.memory_space<vmem>> -> memref<128x128xf32, #tpu.memory_space<vmem>>
    %dma_start3A_163 = arith.constant 0 : i32
    %dma_start3A_164 = tpu.memref_slice %arg5[%dma_start3A_157, %dma_start3A_163] : memref<26x128xi32, #tpu.memory_space<vmem>> -> memref<1x128xi32, #tpu.memory_space<vmem>>
    %dma_start3A_165 = tpu.memref_squeeze %dma_start3A_164 : memref<1x128xi32, #tpu.memory_space<vmem>> -> memref<128xi32, #tpu.memory_space<vmem>>
    %dma_start3A_166 = arith.constant 0 : i32
    %dma_start3A_167 = arith.constant 0 : i32
    %dma_start3A_168 = tpu.memref_slice %arg3[%dma_start3A_166, %dma_start3A_167] : memref<100000x128xf32, #tpu.memory_space<hbm>> -> memref<100000x128xf32, #tpu.memory_space<hbm>>
    tpu.enqueue_indirect_dma source(%dma_start3A_168 : memref<100000x128xf32, #tpu.memory_space<hbm>>) target(%dma_start3A_162 : memref<128x128xf32, #tpu.memory_space<vmem>>) offsets(%dma_start3A_165 : memref<128xi32, #tpu.memory_space<vmem>>) semaphore(%arg7 : memref<!tpu.dma_semaphore, #tpu.memory_space<semaphore_mem>>)
    %dma_wait3A_169 = arith.constant 3 : i32
    %dma_wait3A_170 = arith.constant 3 : i32
    %dma_wait3A_171 = arith.constant 0 : i32
    %dma_wait3A_172 = arith.constant 0 : i32
    %dma_wait3A_173 = tpu.memref_slice %arg6[%dma_wait3A_170, %dma_wait3A_171, %dma_wait3A_172] : memref<6x128x128xf32, #tpu.memory_space<vmem>> -> memref<1x128x128xf32, #tpu.memory_space<vmem>>
    %dma_wait3A_174 = tpu.memref_squeeze %dma_wait3A_173 : memref<1x128x128xf32, #tpu.memory_space<vmem>> -> memref<128x128xf32, #tpu.memory_space<vmem>>
    %dma_wait3A_175 = arith.constant 0 : i32
    %dma_wait3A_176 = tpu.memref_slice %arg5[%dma_wait3A_169, %dma_wait3A_175] : memref<26x128xi32, #tpu.memory_space<vmem>> -> memref<1x128xi32, #tpu.memory_space<vmem>>
    %dma_wait3A_177 = tpu.memref_squeeze %dma_wait3A_176 : memref<1x128xi32, #tpu.memory_space<vmem>> -> memref<128xi32, #tpu.memory_space<vmem>>
    %dma_wait3A_178 = arith.constant 0 : i32
    %dma_wait3A_179 = arith.constant 0 : i32
    %dma_wait3A_180 = tpu.memref_slice %arg3[%dma_wait3A_178, %dma_wait3A_179] : memref<100000x128xf32, #tpu.memory_space<hbm>> -> memref<100000x128xf32, #tpu.memory_space<hbm>>
    tpu.wait_indirect_dma semaphore(%arg10 : memref<!tpu.dma_semaphore, #tpu.memory_space<semaphore_mem>>) src(%dma_wait3A_180 : memref<100000x128xf32, #tpu.memory_space<hbm>>) dst(%dma_wait3A_174 : memref<128x128xf32, #tpu.memory_space<vmem>>)
    %dma_start3A_181 = arith.constant 2 : i32
    %dma_start3A_182 = arith.constant 2 : i32
    %dma_start3A_183 = arith.constant 0 : i32
    %dma_start3A_184 = arith.constant 0 : i32
    %dma_start3A_185 = tpu.memref_slice %arg6[%dma_start3A_181, %dma_start3A_183, %dma_start3A_184] : memref<6x128x128xf32, #tpu.memory_space<vmem>> -> memref<1x128x128xf32, #tpu.memory_space<vmem>>
    %dma_start3A_186 = tpu.memref_squeeze %dma_start3A_185 : memref<1x128x128xf32, #tpu.memory_space<vmem>> -> memref<128x128xf32, #tpu.memory_space<vmem>>
    %dma_start3A_187 = arith.constant 0 : i32
    %dma_start3A_188 = tpu.memref_slice %arg4[%dma_start3A_182, %mul3A_2, %dma_start3A_187] : memref<26x4096x128xf32, #tpu.memory_space<hbm>> -> memref<1x128x128xf32, #tpu.memory_space<hbm>>
    %dma_start3A_189 = tpu.memref_squeeze %dma_start3A_188 : memref<1x128x128xf32, #tpu.memory_space<hbm>> -> memref<128x128xf32, #tpu.memory_space<hbm>>
    %dma_start3A_190 = arith.constant 0 : i32
    %dma_start3A_191 = tpu.memref_slice %arg4[%dma_start3A_182, %mul3A_2, %dma_start3A_190] : memref<26x4096x128xf32, #tpu.memory_space<hbm>> -> memref<1x128x128xf32, #tpu.memory_space<hbm>>
    %dma_start3A_192 = tpu.memref_squeeze %dma_start3A_191 : memref<1x128x128xf32, #tpu.memory_space<hbm>> -> memref<128x128xf32, #tpu.memory_space<hbm>>
    %dma_start3A_193 = arith.constant 0 : i32
    %dma_start3A_194 = arith.constant 0 : i32
    %dma_start3A_195 = tpu.memref_slice %arg6[%dma_start3A_181, %dma_start3A_193, %dma_start3A_194] : memref<6x128x128xf32, #tpu.memory_space<vmem>> -> memref<1x128x128xf32, #tpu.memory_space<vmem>>
    %dma_start3A_196 = tpu.memref_squeeze %dma_start3A_195 : memref<1x128x128xf32, #tpu.memory_space<vmem>> -> memref<128x128xf32, #tpu.memory_space<vmem>>
    tpu.enqueue_dma source(%dma_start3A_196 : memref<128x128xf32, #tpu.memory_space<vmem>>) target(%dma_start3A_192 : memref<128x128xf32, #tpu.memory_space<hbm>>) target_semaphore(%arg15 : memref<!tpu.dma_semaphore, #tpu.memory_space<semaphore_mem>>)
    %dma_wait3A_197 = arith.constant 1 : i32
    %dma_wait3A_198 = arith.constant 1 : i32
    %dma_wait3A_199 = arith.constant 0 : i32
    %dma_wait3A_200 = arith.constant 0 : i32
    %dma_wait3A_201 = tpu.memref_slice %arg6[%dma_wait3A_197, %dma_wait3A_199, %dma_wait3A_200] : memref<6x128x128xf32, #tpu.memory_space<vmem>> -> memref<1x128x128xf32, #tpu.memory_space<vmem>>
    %dma_wait3A_202 = tpu.memref_squeeze %dma_wait3A_201 : memref<1x128x128xf32, #tpu.memory_space<vmem>> -> memref<128x128xf32, #tpu.memory_space<vmem>>
    %dma_wait3A_203 = arith.constant 0 : i32
    %dma_wait3A_204 = tpu.memref_slice %arg4[%dma_wait3A_198, %mul3A_2, %dma_wait3A_203] : memref<26x4096x128xf32, #tpu.memory_space<hbm>> -> memref<1x128x128xf32, #tpu.memory_space<hbm>>
    %dma_wait3A_205 = tpu.memref_squeeze %dma_wait3A_204 : memref<1x128x128xf32, #tpu.memory_space<hbm>> -> memref<128x128xf32, #tpu.memory_space<hbm>>
    %dma_wait3A_206 = arith.constant 0 : i32
    %dma_wait3A_207 = tpu.memref_slice %arg4[%dma_wait3A_198, %mul3A_2, %dma_wait3A_206] : memref<26x4096x128xf32, #tpu.memory_space<hbm>> -> memref<1x128x128xf32, #tpu.memory_space<hbm>>
    %dma_wait3A_208 = tpu.memref_squeeze %dma_wait3A_207 : memref<1x128x128xf32, #tpu.memory_space<hbm>> -> memref<128x128xf32, #tpu.memory_space<hbm>>
    %dma_wait3A_209 = arith.constant 0 : i32
    %dma_wait3A_210 = arith.constant 0 : i32
    %dma_wait3A_211 = tpu.memref_slice %arg6[%dma_wait3A_197, %dma_wait3A_209, %dma_wait3A_210] : memref<6x128x128xf32, #tpu.memory_space<vmem>> -> memref<1x128x128xf32, #tpu.memory_space<vmem>>
    %dma_wait3A_212 = tpu.memref_squeeze %dma_wait3A_211 : memref<1x128x128xf32, #tpu.memory_space<vmem>> -> memref<128x128xf32, #tpu.memory_space<vmem>>
    tpu.wait_dma2 semaphore(%arg14 : memref<!tpu.dma_semaphore, #tpu.memory_space<semaphore_mem>>) src(%dma_wait3A_212 : memref<128x128xf32, #tpu.memory_space<vmem>>) dst(%dma_wait3A_208 : memref<128x128xf32, #tpu.memory_space<hbm>>)
    %dma_start3A_213 = arith.constant 7 : i32
    %dma_start3A_214 = arith.constant 1 : i32
    %dma_start3A_215 = arith.constant 0 : i32
    %dma_start3A_216 = arith.constant 0 : i32
    %dma_start3A_217 = tpu.memref_slice %arg6[%dma_start3A_214, %dma_start3A_215, %dma_start3A_216] : memref<6x128x128xf32, #tpu.memory_space<vmem>> -> memref<1x128x128xf32, #tpu.memory_space<vmem>>
    %dma_start3A_218 = tpu.memref_squeeze %dma_start3A_217 : memref<1x128x128xf32, #tpu.memory_space<vmem>> -> memref<128x128xf32, #tpu.memory_space<vmem>>
    %dma_start3A_219 = arith.constant 0 : i32
    %dma_start3A_220 = tpu.memref_slice %arg5[%dma_start3A_213, %dma_start3A_219] : memref<26x128xi32, #tpu.memory_space<vmem>> -> memref<1x128xi32, #tpu.memory_space<vmem>>
    %dma_start3A_221 = tpu.memref_squeeze %dma_start3A_220 : memref<1x128xi32, #tpu.memory_space<vmem>> -> memref<128xi32, #tpu.memory_space<vmem>>
    %dma_start3A_222 = arith.constant 0 : i32
    %dma_start3A_223 = arith.constant 0 : i32
    %dma_start3A_224 = tpu.memref_slice %arg3[%dma_start3A_222, %dma_start3A_223] : memref<100000x128xf32, #tpu.memory_space<hbm>> -> memref<100000x128xf32, #tpu.memory_space<hbm>>
    tpu.enqueue_indirect_dma source(%dma_start3A_224 : memref<100000x128xf32, #tpu.memory_space<hbm>>) target(%dma_start3A_218 : memref<128x128xf32, #tpu.memory_space<vmem>>) offsets(%dma_start3A_221 : memref<128xi32, #tpu.memory_space<vmem>>) semaphore(%arg8 : memref<!tpu.dma_semaphore, #tpu.memory_space<semaphore_mem>>)
    %dma_wait3A_225 = arith.constant 4 : i32
    %dma_wait3A_226 = arith.constant 4 : i32
    %dma_wait3A_227 = arith.constant 0 : i32
    %dma_wait3A_228 = arith.constant 0 : i32
    %dma_wait3A_229 = tpu.memref_slice %arg6[%dma_wait3A_226, %dma_wait3A_227, %dma_wait3A_228] : memref<6x128x128xf32, #tpu.memory_space<vmem>> -> memref<1x128x128xf32, #tpu.memory_space<vmem>>
    %dma_wait3A_230 = tpu.memref_squeeze %dma_wait3A_229 : memref<1x128x128xf32, #tpu.memory_space<vmem>> -> memref<128x128xf32, #tpu.memory_space<vmem>>
    %dma_wait3A_231 = arith.constant 0 : i32
    %dma_wait3A_232 = tpu.memref_slice %arg5[%dma_wait3A_225, %dma_wait3A_231] : memref<26x128xi32, #tpu.memory_space<vmem>> -> memref<1x128xi32, #tpu.memory_space<vmem>>
    %dma_wait3A_233 = tpu.memref_squeeze %dma_wait3A_232 : memref<1x128xi32, #tpu.memory_space<vmem>> -> memref<128xi32, #tpu.memory_space<vmem>>
    %dma_wait3A_234 = arith.constant 0 : i32
    %dma_wait3A_235 = arith.constant 0 : i32
    %dma_wait3A_236 = tpu.memref_slice %arg3[%dma_wait3A_234, %dma_wait3A_235] : memref<100000x128xf32, #tpu.memory_space<hbm>> -> memref<100000x128xf32, #tpu.memory_space<hbm>>
    tpu.wait_indirect_dma semaphore(%arg11 : memref<!tpu.dma_semaphore, #tpu.memory_space<semaphore_mem>>) src(%dma_wait3A_236 : memref<100000x128xf32, #tpu.memory_space<hbm>>) dst(%dma_wait3A_230 : memref<128x128xf32, #tpu.memory_space<vmem>>)
    %dma_start3A_237 = arith.constant 3 : i32
    %dma_start3A_238 = arith.constant 3 : i32
    %dma_start3A_239 = arith.constant 0 : i32
    %dma_start3A_240 = arith.constant 0 : i32
    %dma_start3A_241 = tpu.memref_slice %arg6[%dma_start3A_237, %dma_start3A_239, %dma_start3A_240] : memref<6x128x128xf32, #tpu.memory_space<vmem>> -> memref<1x128x128xf32, #tpu.memory_space<vmem>>
    %dma_start3A_242 = tpu.memref_squeeze %dma_start3A_241 : memref<1x128x128xf32, #tpu.memory_space<vmem>> -> memref<128x128xf32, #tpu.memory_space<vmem>>
    %dma_start3A_243 = arith.constant 0 : i32
    %dma_start3A_244 = tpu.memref_slice %arg4[%dma_start3A_238, %mul3A_2, %dma_start3A_243] : memref<26x4096x128xf32, #tpu.memory_space<hbm>> -> memref<1x128x128xf32, #tpu.memory_space<hbm>>
    %dma_start3A_245 = tpu.memref_squeeze %dma_start3A_244 : memref<1x128x128xf32, #tpu.memory_space<hbm>> -> memref<128x128xf32, #tpu.memory_space<hbm>>
    %dma_start3A_246 = arith.constant 0 : i32
    %dma_start3A_247 = tpu.memref_slice %arg4[%dma_start3A_238, %mul3A_2, %dma_start3A_246] : memref<26x4096x128xf32, #tpu.memory_space<hbm>> -> memref<1x128x128xf32, #tpu.memory_space<hbm>>
    %dma_start3A_248 = tpu.memref_squeeze %dma_start3A_247 : memref<1x128x128xf32, #tpu.memory_space<hbm>> -> memref<128x128xf32, #tpu.memory_space<hbm>>
    %dma_start3A_249 = arith.constant 0 : i32
    %dma_start3A_250 = arith.constant 0 : i32
    %dma_start3A_251 = tpu.memref_slice %arg6[%dma_start3A_237, %dma_start3A_249, %dma_start3A_250] : memref<6x128x128xf32, #tpu.memory_space<vmem>> -> memref<1x128x128xf32, #tpu.memory_space<vmem>>
    %dma_start3A_252 = tpu.memref_squeeze %dma_start3A_251 : memref<1x128x128xf32, #tpu.memory_space<vmem>> -> memref<128x128xf32, #tpu.memory_space<vmem>>
    tpu.enqueue_dma source(%dma_start3A_252 : memref<128x128xf32, #tpu.memory_space<vmem>>) target(%dma_start3A_248 : memref<128x128xf32, #tpu.memory_space<hbm>>) target_semaphore(%arg16 : memref<!tpu.dma_semaphore, #tpu.memory_space<semaphore_mem>>)
    %dma_wait3A_253 = arith.constant 2 : i32
    %dma_wait3A_254 = arith.constant 2 : i32
    %dma_wait3A_255 = arith.constant 0 : i32
    %dma_wait3A_256 = arith.constant 0 : i32
    %dma_wait3A_257 = tpu.memref_slice %arg6[%dma_wait3A_253, %dma_wait3A_255, %dma_wait3A_256] : memref<6x128x128xf32, #tpu.memory_space<vmem>> -> memref<1x128x128xf32, #tpu.memory_space<vmem>>
    %dma_wait3A_258 = tpu.memref_squeeze %dma_wait3A_257 : memref<1x128x128xf32, #tpu.memory_space<vmem>> -> memref<128x128xf32, #tpu.memory_space<vmem>>
    %dma_wait3A_259 = arith.constant 0 : i32
    %dma_wait3A_260 = tpu.memref_slice %arg4[%dma_wait3A_254, %mul3A_2, %dma_wait3A_259] : memref<26x4096x128xf32, #tpu.memory_space<hbm>> -> memref<1x128x128xf32, #tpu.memory_space<hbm>>
    %dma_wait3A_261 = tpu.memref_squeeze %dma_wait3A_260 : memref<1x128x128xf32, #tpu.memory_space<hbm>> -> memref<128x128xf32, #tpu.memory_space<hbm>>
    %dma_wait3A_262 = arith.constant 0 : i32
    %dma_wait3A_263 = tpu.memref_slice %arg4[%dma_wait3A_254, %mul3A_2, %dma_wait3A_262] : memref<26x4096x128xf32, #tpu.memory_space<hbm>> -> memref<1x128x128xf32, #tpu.memory_space<hbm>>
    %dma_wait3A_264 = tpu.memref_squeeze %dma_wait3A_263 : memref<1x128x128xf32, #tpu.memory_space<hbm>> -> memref<128x128xf32, #tpu.memory_space<hbm>>
    %dma_wait3A_265 = arith.constant 0 : i32
    %dma_wait3A_266 = arith.constant 0 : i32
    %dma_wait3A_267 = tpu.memref_slice %arg6[%dma_wait3A_253, %dma_wait3A_265, %dma_wait3A_266] : memref<6x128x128xf32, #tpu.memory_space<vmem>> -> memref<1x128x128xf32, #tpu.memory_space<vmem>>
    %dma_wait3A_268 = tpu.memref_squeeze %dma_wait3A_267 : memref<1x128x128xf32, #tpu.memory_space<vmem>> -> memref<128x128xf32, #tpu.memory_space<vmem>>
    tpu.wait_dma2 semaphore(%arg15 : memref<!tpu.dma_semaphore, #tpu.memory_space<semaphore_mem>>) src(%dma_wait3A_268 : memref<128x128xf32, #tpu.memory_space<vmem>>) dst(%dma_wait3A_264 : memref<128x128xf32, #tpu.memory_space<hbm>>)
    %dma_start3A_269 = arith.constant 8 : i32
    %dma_start3A_270 = arith.constant 2 : i32
    %dma_start3A_271 = arith.constant 0 : i32
    %dma_start3A_272 = arith.constant 0 : i32
    %dma_start3A_273 = tpu.memref_slice %arg6[%dma_start3A_270, %dma_start3A_271, %dma_start3A_272] : memref<6x128x128xf32, #tpu.memory_space<vmem>> -> memref<1x128x128xf32, #tpu.memory_space<vmem>>
    %dma_start3A_274 = tpu.memref_squeeze %dma_start3A_273 : memref<1x128x128xf32, #tpu.memory_space<vmem>> -> memref<128x128xf32, #tpu.memory_space<vmem>>
    %dma_start3A_275 = arith.constant 0 : i32
    %dma_start3A_276 = tpu.memref_slice %arg5[%dma_start3A_269, %dma_start3A_275] : memref<26x128xi32, #tpu.memory_space<vmem>> -> memref<1x128xi32, #tpu.memory_space<vmem>>
    %dma_start3A_277 = tpu.memref_squeeze %dma_start3A_276 : memref<1x128xi32, #tpu.memory_space<vmem>> -> memref<128xi32, #tpu.memory_space<vmem>>
    %dma_start3A_278 = arith.constant 0 : i32
    %dma_start3A_279 = arith.constant 0 : i32
    %dma_start3A_280 = tpu.memref_slice %arg3[%dma_start3A_278, %dma_start3A_279] : memref<100000x128xf32, #tpu.memory_space<hbm>> -> memref<100000x128xf32, #tpu.memory_space<hbm>>
    tpu.enqueue_indirect_dma source(%dma_start3A_280 : memref<100000x128xf32, #tpu.memory_space<hbm>>) target(%dma_start3A_274 : memref<128x128xf32, #tpu.memory_space<vmem>>) offsets(%dma_start3A_277 : memref<128xi32, #tpu.memory_space<vmem>>) semaphore(%arg9 : memref<!tpu.dma_semaphore, #tpu.memory_space<semaphore_mem>>)
    %dma_wait3A_281 = arith.constant 5 : i32
    %dma_wait3A_282 = arith.constant 5 : i32
    %dma_wait3A_283 = arith.constant 0 : i32
    %dma_wait3A_284 = arith.constant 0 : i32
    %dma_wait3A_285 = tpu.memref_slice %arg6[%dma_wait3A_282, %dma_wait3A_283, %dma_wait3A_284] : memref<6x128x128xf32, #tpu.memory_space<vmem>> -> memref<1x128x128xf32, #tpu.memory_space<vmem>>
    %dma_wait3A_286 = tpu.memref_squeeze %dma_wait3A_285 : memref<1x128x128xf32, #tpu.memory_space<vmem>> -> memref<128x128xf32, #tpu.memory_space<vmem>>
    %dma_wait3A_287 = arith.constant 0 : i32
    %dma_wait3A_288 = tpu.memref_slice %arg5[%dma_wait3A_281, %dma_wait3A_287] : memref<26x128xi32, #tpu.memory_space<vmem>> -> memref<1x128xi32, #tpu.memory_space<vmem>>
    %dma_wait3A_289 = tpu.memref_squeeze %dma_wait3A_288 : memref<1x128xi32, #tpu.memory_space<vmem>> -> memref<128xi32, #tpu.memory_space<vmem>>
    %dma_wait3A_290 = arith.constant 0 : i32
    %dma_wait3A_291 = arith.constant 0 : i32
    %dma_wait3A_292 = tpu.memref_slice %arg3[%dma_wait3A_290, %dma_wait3A_291] : memref<100000x128xf32, #tpu.memory_space<hbm>> -> memref<100000x128xf32, #tpu.memory_space<hbm>>
    tpu.wait_indirect_dma semaphore(%arg12 : memref<!tpu.dma_semaphore, #tpu.memory_space<semaphore_mem>>) src(%dma_wait3A_292 : memref<100000x128xf32, #tpu.memory_space<hbm>>) dst(%dma_wait3A_286 : memref<128x128xf32, #tpu.memory_space<vmem>>)
    %dma_start3A_293 = arith.constant 4 : i32
    %dma_start3A_294 = arith.constant 4 : i32
    %dma_start3A_295 = arith.constant 0 : i32
    %dma_start3A_296 = arith.constant 0 : i32
    %dma_start3A_297 = tpu.memref_slice %arg6[%dma_start3A_293, %dma_start3A_295, %dma_start3A_296] : memref<6x128x128xf32, #tpu.memory_space<vmem>> -> memref<1x128x128xf32, #tpu.memory_space<vmem>>
    %dma_start3A_298 = tpu.memref_squeeze %dma_start3A_297 : memref<1x128x128xf32, #tpu.memory_space<vmem>> -> memref<128x128xf32, #tpu.memory_space<vmem>>
    %dma_start3A_299 = arith.constant 0 : i32
    %dma_start3A_300 = tpu.memref_slice %arg4[%dma_start3A_294, %mul3A_2, %dma_start3A_299] : memref<26x4096x128xf32, #tpu.memory_space<hbm>> -> memref<1x128x128xf32, #tpu.memory_space<hbm>>
    %dma_start3A_301 = tpu.memref_squeeze %dma_start3A_300 : memref<1x128x128xf32, #tpu.memory_space<hbm>> -> memref<128x128xf32, #tpu.memory_space<hbm>>
    %dma_start3A_302 = arith.constant 0 : i32
    %dma_start3A_303 = tpu.memref_slice %arg4[%dma_start3A_294, %mul3A_2, %dma_start3A_302] : memref<26x4096x128xf32, #tpu.memory_space<hbm>> -> memref<1x128x128xf32, #tpu.memory_space<hbm>>
    %dma_start3A_304 = tpu.memref_squeeze %dma_start3A_303 : memref<1x128x128xf32, #tpu.memory_space<hbm>> -> memref<128x128xf32, #tpu.memory_space<hbm>>
    %dma_start3A_305 = arith.constant 0 : i32
    %dma_start3A_306 = arith.constant 0 : i32
    %dma_start3A_307 = tpu.memref_slice %arg6[%dma_start3A_293, %dma_start3A_305, %dma_start3A_306] : memref<6x128x128xf32, #tpu.memory_space<vmem>> -> memref<1x128x128xf32, #tpu.memory_space<vmem>>
    %dma_start3A_308 = tpu.memref_squeeze %dma_start3A_307 : memref<1x128x128xf32, #tpu.memory_space<vmem>> -> memref<128x128xf32, #tpu.memory_space<vmem>>
    tpu.enqueue_dma source(%dma_start3A_308 : memref<128x128xf32, #tpu.memory_space<vmem>>) target(%dma_start3A_304 : memref<128x128xf32, #tpu.memory_space<hbm>>) target_semaphore(%arg17 : memref<!tpu.dma_semaphore, #tpu.memory_space<semaphore_mem>>)
    %dma_wait3A_309 = arith.constant 3 : i32
    %dma_wait3A_310 = arith.constant 3 : i32
    %dma_wait3A_311 = arith.constant 0 : i32
    %dma_wait3A_312 = arith.constant 0 : i32
    %dma_wait3A_313 = tpu.memref_slice %arg6[%dma_wait3A_309, %dma_wait3A_311, %dma_wait3A_312] : memref<6x128x128xf32, #tpu.memory_space<vmem>> -> memref<1x128x128xf32, #tpu.memory_space<vmem>>
    %dma_wait3A_314 = tpu.memref_squeeze %dma_wait3A_313 : memref<1x128x128xf32, #tpu.memory_space<vmem>> -> memref<128x128xf32, #tpu.memory_space<vmem>>
    %dma_wait3A_315 = arith.constant 0 : i32
    %dma_wait3A_316 = tpu.memref_slice %arg4[%dma_wait3A_310, %mul3A_2, %dma_wait3A_315] : memref<26x4096x128xf32, #tpu.memory_space<hbm>> -> memref<1x128x128xf32, #tpu.memory_space<hbm>>
    %dma_wait3A_317 = tpu.memref_squeeze %dma_wait3A_316 : memref<1x128x128xf32, #tpu.memory_space<hbm>> -> memref<128x128xf32, #tpu.memory_space<hbm>>
    %dma_wait3A_318 = arith.constant 0 : i32
    %dma_wait3A_319 = tpu.memref_slice %arg4[%dma_wait3A_310, %mul3A_2, %dma_wait3A_318] : memref<26x4096x128xf32, #tpu.memory_space<hbm>> -> memref<1x128x128xf32, #tpu.memory_space<hbm>>
    %dma_wait3A_320 = tpu.memref_squeeze %dma_wait3A_319 : memref<1x128x128xf32, #tpu.memory_space<hbm>> -> memref<128x128xf32, #tpu.memory_space<hbm>>
    %dma_wait3A_321 = arith.constant 0 : i32
    %dma_wait3A_322 = arith.constant 0 : i32
    %dma_wait3A_323 = tpu.memref_slice %arg6[%dma_wait3A_309, %dma_wait3A_321, %dma_wait3A_322] : memref<6x128x128xf32, #tpu.memory_space<vmem>> -> memref<1x128x128xf32, #tpu.memory_space<vmem>>
    %dma_wait3A_324 = tpu.memref_squeeze %dma_wait3A_323 : memref<1x128x128xf32, #tpu.memory_space<vmem>> -> memref<128x128xf32, #tpu.memory_space<vmem>>
    tpu.wait_dma2 semaphore(%arg16 : memref<!tpu.dma_semaphore, #tpu.memory_space<semaphore_mem>>) src(%dma_wait3A_324 : memref<128x128xf32, #tpu.memory_space<vmem>>) dst(%dma_wait3A_320 : memref<128x128xf32, #tpu.memory_space<hbm>>)
    %dma_start3A_325 = arith.constant 9 : i32
    %dma_start3A_326 = arith.constant 3 : i32
    %dma_start3A_327 = arith.constant 0 : i32
    %dma_start3A_328 = arith.constant 0 : i32
    %dma_start3A_329 = tpu.memref_slice %arg6[%dma_start3A_326, %dma_start3A_327, %dma_start3A_328] : memref<6x128x128xf32, #tpu.memory_space<vmem>> -> memref<1x128x128xf32, #tpu.memory_space<vmem>>
    %dma_start3A_330 = tpu.memref_squeeze %dma_start3A_329 : memref<1x128x128xf32, #tpu.memory_space<vmem>> -> memref<128x128xf32, #tpu.memory_space<vmem>>
    %dma_start3A_331 = arith.constant 0 : i32
    %dma_start3A_332 = tpu.memref_slice %arg5[%dma_start3A_325, %dma_start3A_331] : memref<26x128xi32, #tpu.memory_space<vmem>> -> memref<1x128xi32, #tpu.memory_space<vmem>>
    %dma_start3A_333 = tpu.memref_squeeze %dma_start3A_332 : memref<1x128xi32, #tpu.memory_space<vmem>> -> memref<128xi32, #tpu.memory_space<vmem>>
    %dma_start3A_334 = arith.constant 0 : i32
    %dma_start3A_335 = arith.constant 0 : i32
    %dma_start3A_336 = tpu.memref_slice %arg3[%dma_start3A_334, %dma_start3A_335] : memref<100000x128xf32, #tpu.memory_space<hbm>> -> memref<100000x128xf32, #tpu.memory_space<hbm>>
    tpu.enqueue_indirect_dma source(%dma_start3A_336 : memref<100000x128xf32, #tpu.memory_space<hbm>>) target(%dma_start3A_330 : memref<128x128xf32, #tpu.memory_space<vmem>>) offsets(%dma_start3A_333 : memref<128xi32, #tpu.memory_space<vmem>>) semaphore(%arg10 : memref<!tpu.dma_semaphore, #tpu.memory_space<semaphore_mem>>)
    %dma_wait3A_337 = arith.constant 6 : i32
    %dma_wait3A_338 = arith.constant 0 : i32
    %dma_wait3A_339 = arith.constant 0 : i32
    %dma_wait3A_340 = arith.constant 0 : i32
    %dma_wait3A_341 = tpu.memref_slice %arg6[%dma_wait3A_338, %dma_wait3A_339, %dma_wait3A_340] : memref<6x128x128xf32, #tpu.memory_space<vmem>> -> memref<1x128x128xf32, #tpu.memory_space<vmem>>
    %dma_wait3A_342 = tpu.memref_squeeze %dma_wait3A_341 : memref<1x128x128xf32, #tpu.memory_space<vmem>> -> memref<128x128xf32, #tpu.memory_space<vmem>>
    %dma_wait3A_343 = arith.constant 0 : i32
    %dma_wait3A_344 = tpu.memref_slice %arg5[%dma_wait3A_337, %dma_wait3A_343] : memref<26x128xi32, #tpu.memory_space<vmem>> -> memref<1x128xi32, #tpu.memory_space<vmem>>
    %dma_wait3A_345 = tpu.memref_squeeze %dma_wait3A_344 : memref<1x128xi32, #tpu.memory_space<vmem>> -> memref<128xi32, #tpu.memory_space<vmem>>
    %dma_wait3A_346 = arith.constant 0 : i32
    %dma_wait3A_347 = arith.constant 0 : i32
    %dma_wait3A_348 = tpu.memref_slice %arg3[%dma_wait3A_346, %dma_wait3A_347] : memref<100000x128xf32, #tpu.memory_space<hbm>> -> memref<100000x128xf32, #tpu.memory_space<hbm>>
    tpu.wait_indirect_dma semaphore(%arg7 : memref<!tpu.dma_semaphore, #tpu.memory_space<semaphore_mem>>) src(%dma_wait3A_348 : memref<100000x128xf32, #tpu.memory_space<hbm>>) dst(%dma_wait3A_342 : memref<128x128xf32, #tpu.memory_space<vmem>>)
    %dma_start3A_349 = arith.constant 5 : i32
    %dma_start3A_350 = arith.constant 5 : i32
    %dma_start3A_351 = arith.constant 0 : i32
    %dma_start3A_352 = arith.constant 0 : i32
    %dma_start3A_353 = tpu.memref_slice %arg6[%dma_start3A_349, %dma_start3A_351, %dma_start3A_352] : memref<6x128x128xf32, #tpu.memory_space<vmem>> -> memref<1x128x128xf32, #tpu.memory_space<vmem>>
    %dma_start3A_354 = tpu.memref_squeeze %dma_start3A_353 : memref<1x128x128xf32, #tpu.memory_space<vmem>> -> memref<128x128xf32, #tpu.memory_space<vmem>>
    %dma_start3A_355 = arith.constant 0 : i32
    %dma_start3A_356 = tpu.memref_slice %arg4[%dma_start3A_350, %mul3A_2, %dma_start3A_355] : memref<26x4096x128xf32, #tpu.memory_space<hbm>> -> memref<1x128x128xf32, #tpu.memory_space<hbm>>
    %dma_start3A_357 = tpu.memref_squeeze %dma_start3A_356 : memref<1x128x128xf32, #tpu.memory_space<hbm>> -> memref<128x128xf32, #tpu.memory_space<hbm>>
    %dma_start3A_358 = arith.constant 0 : i32
    %dma_start3A_359 = tpu.memref_slice %arg4[%dma_start3A_350, %mul3A_2, %dma_start3A_358] : memref<26x4096x128xf32, #tpu.memory_space<hbm>> -> memref<1x128x128xf32, #tpu.memory_space<hbm>>
    %dma_start3A_360 = tpu.memref_squeeze %dma_start3A_359 : memref<1x128x128xf32, #tpu.memory_space<hbm>> -> memref<128x128xf32, #tpu.memory_space<hbm>>
    %dma_start3A_361 = arith.constant 0 : i32
    %dma_start3A_362 = arith.constant 0 : i32
    %dma_start3A_363 = tpu.memref_slice %arg6[%dma_start3A_349, %dma_start3A_361, %dma_start3A_362] : memref<6x128x128xf32, #tpu.memory_space<vmem>> -> memref<1x128x128xf32, #tpu.memory_space<vmem>>
    %dma_start3A_364 = tpu.memref_squeeze %dma_start3A_363 : memref<1x128x128xf32, #tpu.memory_space<vmem>> -> memref<128x128xf32, #tpu.memory_space<vmem>>
    tpu.enqueue_dma source(%dma_start3A_364 : memref<128x128xf32, #tpu.memory_space<vmem>>) target(%dma_start3A_360 : memref<128x128xf32, #tpu.memory_space<hbm>>) target_semaphore(%arg18 : memref<!tpu.dma_semaphore, #tpu.memory_space<semaphore_mem>>)
    %dma_wait3A_365 = arith.constant 4 : i32
    %dma_wait3A_366 = arith.constant 4 : i32
    %dma_wait3A_367 = arith.constant 0 : i32
    %dma_wait3A_368 = arith.constant 0 : i32
    %dma_wait3A_369 = tpu.memref_slice %arg6[%dma_wait3A_365, %dma_wait3A_367, %dma_wait3A_368] : memref<6x128x128xf32, #tpu.memory_space<vmem>> -> memref<1x128x128xf32, #tpu.memory_space<vmem>>
    %dma_wait3A_370 = tpu.memref_squeeze %dma_wait3A_369 : memref<1x128x128xf32, #tpu.memory_space<vmem>> -> memref<128x128xf32, #tpu.memory_space<vmem>>
    %dma_wait3A_371 = arith.constant 0 : i32
    %dma_wait3A_372 = tpu.memref_slice %arg4[%dma_wait3A_366, %mul3A_2, %dma_wait3A_371] : memref<26x4096x128xf32, #tpu.memory_space<hbm>> -> memref<1x128x128xf32, #tpu.memory_space<hbm>>
    %dma_wait3A_373 = tpu.memref_squeeze %dma_wait3A_372 : memref<1x128x128xf32, #tpu.memory_space<hbm>> -> memref<128x128xf32, #tpu.memory_space<hbm>>
    %dma_wait3A_374 = arith.constant 0 : i32
    %dma_wait3A_375 = tpu.memref_slice %arg4[%dma_wait3A_366, %mul3A_2, %dma_wait3A_374] : memref<26x4096x128xf32, #tpu.memory_space<hbm>> -> memref<1x128x128xf32, #tpu.memory_space<hbm>>
    %dma_wait3A_376 = tpu.memref_squeeze %dma_wait3A_375 : memref<1x128x128xf32, #tpu.memory_space<hbm>> -> memref<128x128xf32, #tpu.memory_space<hbm>>
    %dma_wait3A_377 = arith.constant 0 : i32
    %dma_wait3A_378 = arith.constant 0 : i32
    %dma_wait3A_379 = tpu.memref_slice %arg6[%dma_wait3A_365, %dma_wait3A_377, %dma_wait3A_378] : memref<6x128x128xf32, #tpu.memory_space<vmem>> -> memref<1x128x128xf32, #tpu.memory_space<vmem>>
    %dma_wait3A_380 = tpu.memref_squeeze %dma_wait3A_379 : memref<1x128x128xf32, #tpu.memory_space<vmem>> -> memref<128x128xf32, #tpu.memory_space<vmem>>
    tpu.wait_dma2 semaphore(%arg17 : memref<!tpu.dma_semaphore, #tpu.memory_space<semaphore_mem>>) src(%dma_wait3A_380 : memref<128x128xf32, #tpu.memory_space<vmem>>) dst(%dma_wait3A_376 : memref<128x128xf32, #tpu.memory_space<hbm>>)
    %dma_start3A_381 = arith.constant 10 : i32
    %dma_start3A_382 = arith.constant 4 : i32
    %dma_start3A_383 = arith.constant 0 : i32
    %dma_start3A_384 = arith.constant 0 : i32
    %dma_start3A_385 = tpu.memref_slice %arg6[%dma_start3A_382, %dma_start3A_383, %dma_start3A_384] : memref<6x128x128xf32, #tpu.memory_space<vmem>> -> memref<1x128x128xf32, #tpu.memory_space<vmem>>
    %dma_start3A_386 = tpu.memref_squeeze %dma_start3A_385 : memref<1x128x128xf32, #tpu.memory_space<vmem>> -> memref<128x128xf32, #tpu.memory_space<vmem>>
    %dma_start3A_387 = arith.constant 0 : i32
    %dma_start3A_388 = tpu.memref_slice %arg5[%dma_start3A_381, %dma_start3A_387] : memref<26x128xi32, #tpu.memory_space<vmem>> -> memref<1x128xi32, #tpu.memory_space<vmem>>
    %dma_start3A_389 = tpu.memref_squeeze %dma_start3A_388 : memref<1x128xi32, #tpu.memory_space<vmem>> -> memref<128xi32, #tpu.memory_space<vmem>>
    %dma_start3A_390 = arith.constant 0 : i32
    %dma_start3A_391 = arith.constant 0 : i32
    %dma_start3A_392 = tpu.memref_slice %arg3[%dma_start3A_390, %dma_start3A_391] : memref<100000x128xf32, #tpu.memory_space<hbm>> -> memref<100000x128xf32, #tpu.memory_space<hbm>>
    tpu.enqueue_indirect_dma source(%dma_start3A_392 : memref<100000x128xf32, #tpu.memory_space<hbm>>) target(%dma_start3A_386 : memref<128x128xf32, #tpu.memory_space<vmem>>) offsets(%dma_start3A_389 : memref<128xi32, #tpu.memory_space<vmem>>) semaphore(%arg11 : memref<!tpu.dma_semaphore, #tpu.memory_space<semaphore_mem>>)
    %dma_wait3A_393 = arith.constant 7 : i32
    %dma_wait3A_394 = arith.constant 1 : i32
    %dma_wait3A_395 = arith.constant 0 : i32
    %dma_wait3A_396 = arith.constant 0 : i32
    %dma_wait3A_397 = tpu.memref_slice %arg6[%dma_wait3A_394, %dma_wait3A_395, %dma_wait3A_396] : memref<6x128x128xf32, #tpu.memory_space<vmem>> -> memref<1x128x128xf32, #tpu.memory_space<vmem>>
    %dma_wait3A_398 = tpu.memref_squeeze %dma_wait3A_397 : memref<1x128x128xf32, #tpu.memory_space<vmem>> -> memref<128x128xf32, #tpu.memory_space<vmem>>
    %dma_wait3A_399 = arith.constant 0 : i32
    %dma_wait3A_400 = tpu.memref_slice %arg5[%dma_wait3A_393, %dma_wait3A_399] : memref<26x128xi32, #tpu.memory_space<vmem>> -> memref<1x128xi32, #tpu.memory_space<vmem>>
    %dma_wait3A_401 = tpu.memref_squeeze %dma_wait3A_400 : memref<1x128xi32, #tpu.memory_space<vmem>> -> memref<128xi32, #tpu.memory_space<vmem>>
    %dma_wait3A_402 = arith.constant 0 : i32
    %dma_wait3A_403 = arith.constant 0 : i32
    %dma_wait3A_404 = tpu.memref_slice %arg3[%dma_wait3A_402, %dma_wait3A_403] : memref<100000x128xf32, #tpu.memory_space<hbm>> -> memref<100000x128xf32, #tpu.memory_space<hbm>>
    tpu.wait_indirect_dma semaphore(%arg8 : memref<!tpu.dma_semaphore, #tpu.memory_space<semaphore_mem>>) src(%dma_wait3A_404 : memref<100000x128xf32, #tpu.memory_space<hbm>>) dst(%dma_wait3A_398 : memref<128x128xf32, #tpu.memory_space<vmem>>)
    %dma_start3A_405 = arith.constant 0 : i32
    %dma_start3A_406 = arith.constant 6 : i32
    %dma_start3A_407 = arith.constant 0 : i32
    %dma_start3A_408 = arith.constant 0 : i32
    %dma_start3A_409 = tpu.memref_slice %arg6[%dma_start3A_405, %dma_start3A_407, %dma_start3A_408] : memref<6x128x128xf32, #tpu.memory_space<vmem>> -> memref<1x128x128xf32, #tpu.memory_space<vmem>>
    %dma_start3A_410 = tpu.memref_squeeze %dma_start3A_409 : memref<1x128x128xf32, #tpu.memory_space<vmem>> -> memref<128x128xf32, #tpu.memory_space<vmem>>
    %dma_start3A_411 = arith.constant 0 : i32
    %dma_start3A_412 = tpu.memref_slice %arg4[%dma_start3A_406, %mul3A_2, %dma_start3A_411] : memref<26x4096x128xf32, #tpu.memory_space<hbm>> -> memref<1x128x128xf32, #tpu.memory_space<hbm>>
    %dma_start3A_413 = tpu.memref_squeeze %dma_start3A_412 : memref<1x128x128xf32, #tpu.memory_space<hbm>> -> memref<128x128xf32, #tpu.memory_space<hbm>>
    %dma_start3A_414 = arith.constant 0 : i32
    %dma_start3A_415 = tpu.memref_slice %arg4[%dma_start3A_406, %mul3A_2, %dma_start3A_414] : memref<26x4096x128xf32, #tpu.memory_space<hbm>> -> memref<1x128x128xf32, #tpu.memory_space<hbm>>
    %dma_start3A_416 = tpu.memref_squeeze %dma_start3A_415 : memref<1x128x128xf32, #tpu.memory_space<hbm>> -> memref<128x128xf32, #tpu.memory_space<hbm>>
    %dma_start3A_417 = arith.constant 0 : i32
    %dma_start3A_418 = arith.constant 0 : i32
    %dma_start3A_419 = tpu.memref_slice %arg6[%dma_start3A_405, %dma_start3A_417, %dma_start3A_418] : memref<6x128x128xf32, #tpu.memory_space<vmem>> -> memref<1x128x128xf32, #tpu.memory_space<vmem>>
    %dma_start3A_420 = tpu.memref_squeeze %dma_start3A_419 : memref<1x128x128xf32, #tpu.memory_space<vmem>> -> memref<128x128xf32, #tpu.memory_space<vmem>>
    tpu.enqueue_dma source(%dma_start3A_420 : memref<128x128xf32, #tpu.memory_space<vmem>>) target(%dma_start3A_416 : memref<128x128xf32, #tpu.memory_space<hbm>>) target_semaphore(%arg13 : memref<!tpu.dma_semaphore, #tpu.memory_space<semaphore_mem>>)
    %dma_wait3A_421 = arith.constant 5 : i32
    %dma_wait3A_422 = arith.constant 5 : i32
    %dma_wait3A_423 = arith.constant 0 : i32
    %dma_wait3A_424 = arith.constant 0 : i32
    %dma_wait3A_425 = tpu.memref_slice %arg6[%dma_wait3A_421, %dma_wait3A_423, %dma_wait3A_424] : memref<6x128x128xf32, #tpu.memory_space<vmem>> -> memref<1x128x128xf32, #tpu.memory_space<vmem>>
    %dma_wait3A_426 = tpu.memref_squeeze %dma_wait3A_425 : memref<1x128x128xf32, #tpu.memory_space<vmem>> -> memref<128x128xf32, #tpu.memory_space<vmem>>
    %dma_wait3A_427 = arith.constant 0 : i32
    %dma_wait3A_428 = tpu.memref_slice %arg4[%dma_wait3A_422, %mul3A_2, %dma_wait3A_427] : memref<26x4096x128xf32, #tpu.memory_space<hbm>> -> memref<1x128x128xf32, #tpu.memory_space<hbm>>
    %dma_wait3A_429 = tpu.memref_squeeze %dma_wait3A_428 : memref<1x128x128xf32, #tpu.memory_space<hbm>> -> memref<128x128xf32, #tpu.memory_space<hbm>>
    %dma_wait3A_430 = arith.constant 0 : i32
    %dma_wait3A_431 = tpu.memref_slice %arg4[%dma_wait3A_422, %mul3A_2, %dma_wait3A_430] : memref<26x4096x128xf32, #tpu.memory_space<hbm>> -> memref<1x128x128xf32, #tpu.memory_space<hbm>>
    %dma_wait3A_432 = tpu.memref_squeeze %dma_wait3A_431 : memref<1x128x128xf32, #tpu.memory_space<hbm>> -> memref<128x128xf32, #tpu.memory_space<hbm>>
    %dma_wait3A_433 = arith.constant 0 : i32
    %dma_wait3A_434 = arith.constant 0 : i32
    %dma_wait3A_435 = tpu.memref_slice %arg6[%dma_wait3A_421, %dma_wait3A_433, %dma_wait3A_434] : memref<6x128x128xf32, #tpu.memory_space<vmem>> -> memref<1x128x128xf32, #tpu.memory_space<vmem>>
    %dma_wait3A_436 = tpu.memref_squeeze %dma_wait3A_435 : memref<1x128x128xf32, #tpu.memory_space<vmem>> -> memref<128x128xf32, #tpu.memory_space<vmem>>
    tpu.wait_dma2 semaphore(%arg18 : memref<!tpu.dma_semaphore, #tpu.memory_space<semaphore_mem>>) src(%dma_wait3A_436 : memref<128x128xf32, #tpu.memory_space<vmem>>) dst(%dma_wait3A_432 : memref<128x128xf32, #tpu.memory_space<hbm>>)
    %dma_start3A_437 = arith.constant 11 : i32
    %dma_start3A_438 = arith.constant 5 : i32
    %dma_start3A_439 = arith.constant 0 : i32
    %dma_start3A_440 = arith.constant 0 : i32
    %dma_start3A_441 = tpu.memref_slice %arg6[%dma_start3A_438, %dma_start3A_439, %dma_start3A_440] : memref<6x128x128xf32, #tpu.memory_space<vmem>> -> memref<1x128x128xf32, #tpu.memory_space<vmem>>
    %dma_start3A_442 = tpu.memref_squeeze %dma_start3A_441 : memref<1x128x128xf32, #tpu.memory_space<vmem>> -> memref<128x128xf32, #tpu.memory_space<vmem>>
    %dma_start3A_443 = arith.constant 0 : i32
    %dma_start3A_444 = tpu.memref_slice %arg5[%dma_start3A_437, %dma_start3A_443] : memref<26x128xi32, #tpu.memory_space<vmem>> -> memref<1x128xi32, #tpu.memory_space<vmem>>
    %dma_start3A_445 = tpu.memref_squeeze %dma_start3A_444 : memref<1x128xi32, #tpu.memory_space<vmem>> -> memref<128xi32, #tpu.memory_space<vmem>>
    %dma_start3A_446 = arith.constant 0 : i32
    %dma_start3A_447 = arith.constant 0 : i32
    %dma_start3A_448 = tpu.memref_slice %arg3[%dma_start3A_446, %dma_start3A_447] : memref<100000x128xf32, #tpu.memory_space<hbm>> -> memref<100000x128xf32, #tpu.memory_space<hbm>>
    tpu.enqueue_indirect_dma source(%dma_start3A_448 : memref<100000x128xf32, #tpu.memory_space<hbm>>) target(%dma_start3A_442 : memref<128x128xf32, #tpu.memory_space<vmem>>) offsets(%dma_start3A_445 : memref<128xi32, #tpu.memory_space<vmem>>) semaphore(%arg12 : memref<!tpu.dma_semaphore, #tpu.memory_space<semaphore_mem>>)
    %dma_wait3A_449 = arith.constant 8 : i32
    %dma_wait3A_450 = arith.constant 2 : i32
    %dma_wait3A_451 = arith.constant 0 : i32
    %dma_wait3A_452 = arith.constant 0 : i32
    %dma_wait3A_453 = tpu.memref_slice %arg6[%dma_wait3A_450, %dma_wait3A_451, %dma_wait3A_452] : memref<6x128x128xf32, #tpu.memory_space<vmem>> -> memref<1x128x128xf32, #tpu.memory_space<vmem>>
    %dma_wait3A_454 = tpu.memref_squeeze %dma_wait3A_453 : memref<1x128x128xf32, #tpu.memory_space<vmem>> -> memref<128x128xf32, #tpu.memory_space<vmem>>
    %dma_wait3A_455 = arith.constant 0 : i32
    %dma_wait3A_456 = tpu.memref_slice %arg5[%dma_wait3A_449, %dma_wait3A_455] : memref<26x128xi32, #tpu.memory_space<vmem>> -> memref<1x128xi32, #tpu.memory_space<vmem>>
    %dma_wait3A_457 = tpu.memref_squeeze %dma_wait3A_456 : memref<1x128xi32, #tpu.memory_space<vmem>> -> memref<128xi32, #tpu.memory_space<vmem>>
    %dma_wait3A_458 = arith.constant 0 : i32
    %dma_wait3A_459 = arith.constant 0 : i32
    %dma_wait3A_460 = tpu.memref_slice %arg3[%dma_wait3A_458, %dma_wait3A_459] : memref<100000x128xf32, #tpu.memory_space<hbm>> -> memref<100000x128xf32, #tpu.memory_space<hbm>>
    tpu.wait_indirect_dma semaphore(%arg9 : memref<!tpu.dma_semaphore, #tpu.memory_space<semaphore_mem>>) src(%dma_wait3A_460 : memref<100000x128xf32, #tpu.memory_space<hbm>>) dst(%dma_wait3A_454 : memref<128x128xf32, #tpu.memory_space<vmem>>)
    %dma_start3A_461 = arith.constant 1 : i32
    %dma_start3A_462 = arith.constant 7 : i32
    %dma_start3A_463 = arith.constant 0 : i32
    %dma_start3A_464 = arith.constant 0 : i32
    %dma_start3A_465 = tpu.memref_slice %arg6[%dma_start3A_461, %dma_start3A_463, %dma_start3A_464] : memref<6x128x128xf32, #tpu.memory_space<vmem>> -> memref<1x128x128xf32, #tpu.memory_space<vmem>>
    %dma_start3A_466 = tpu.memref_squeeze %dma_start3A_465 : memref<1x128x128xf32, #tpu.memory_space<vmem>> -> memref<128x128xf32, #tpu.memory_space<vmem>>
    %dma_start3A_467 = arith.constant 0 : i32
    %dma_start3A_468 = tpu.memref_slice %arg4[%dma_start3A_462, %mul3A_2, %dma_start3A_467] : memref<26x4096x128xf32, #tpu.memory_space<hbm>> -> memref<1x128x128xf32, #tpu.memory_space<hbm>>
    %dma_start3A_469 = tpu.memref_squeeze %dma_start3A_468 : memref<1x128x128xf32, #tpu.memory_space<hbm>> -> memref<128x128xf32, #tpu.memory_space<hbm>>
    %dma_start3A_470 = arith.constant 0 : i32
    %dma_start3A_471 = tpu.memref_slice %arg4[%dma_start3A_462, %mul3A_2, %dma_start3A_470] : memref<26x4096x128xf32, #tpu.memory_space<hbm>> -> memref<1x128x128xf32, #tpu.memory_space<hbm>>
    %dma_start3A_472 = tpu.memref_squeeze %dma_start3A_471 : memref<1x128x128xf32, #tpu.memory_space<hbm>> -> memref<128x128xf32, #tpu.memory_space<hbm>>
    %dma_start3A_473 = arith.constant 0 : i32
    %dma_start3A_474 = arith.constant 0 : i32
    %dma_start3A_475 = tpu.memref_slice %arg6[%dma_start3A_461, %dma_start3A_473, %dma_start3A_474] : memref<6x128x128xf32, #tpu.memory_space<vmem>> -> memref<1x128x128xf32, #tpu.memory_space<vmem>>
    %dma_start3A_476 = tpu.memref_squeeze %dma_start3A_475 : memref<1x128x128xf32, #tpu.memory_space<vmem>> -> memref<128x128xf32, #tpu.memory_space<vmem>>
    tpu.enqueue_dma source(%dma_start3A_476 : memref<128x128xf32, #tpu.memory_space<vmem>>) target(%dma_start3A_472 : memref<128x128xf32, #tpu.memory_space<hbm>>) target_semaphore(%arg14 : memref<!tpu.dma_semaphore, #tpu.memory_space<semaphore_mem>>)
    %dma_wait3A_477 = arith.constant 0 : i32
    %dma_wait3A_478 = arith.constant 6 : i32
    %dma_wait3A_479 = arith.constant 0 : i32
    %dma_wait3A_480 = arith.constant 0 : i32
    %dma_wait3A_481 = tpu.memref_slice %arg6[%dma_wait3A_477, %dma_wait3A_479, %dma_wait3A_480] : memref<6x128x128xf32, #tpu.memory_space<vmem>> -> memref<1x128x128xf32, #tpu.memory_space<vmem>>
    %dma_wait3A_482 = tpu.memref_squeeze %dma_wait3A_481 : memref<1x128x128xf32, #tpu.memory_space<vmem>> -> memref<128x128xf32, #tpu.memory_space<vmem>>
    %dma_wait3A_483 = arith.constant 0 : i32
    %dma_wait3A_484 = tpu.memref_slice %arg4[%dma_wait3A_478, %mul3A_2, %dma_wait3A_483] : memref<26x4096x128xf32, #tpu.memory_space<hbm>> -> memref<1x128x128xf32, #tpu.memory_space<hbm>>
    %dma_wait3A_485 = tpu.memref_squeeze %dma_wait3A_484 : memref<1x128x128xf32, #tpu.memory_space<hbm>> -> memref<128x128xf32, #tpu.memory_space<hbm>>
    %dma_wait3A_486 = arith.constant 0 : i32
    %dma_wait3A_487 = tpu.memref_slice %arg4[%dma_wait3A_478, %mul3A_2, %dma_wait3A_486] : memref<26x4096x128xf32, #tpu.memory_space<hbm>> -> memref<1x128x128xf32, #tpu.memory_space<hbm>>
    %dma_wait3A_488 = tpu.memref_squeeze %dma_wait3A_487 : memref<1x128x128xf32, #tpu.memory_space<hbm>> -> memref<128x128xf32, #tpu.memory_space<hbm>>
    %dma_wait3A_489 = arith.constant 0 : i32
    %dma_wait3A_490 = arith.constant 0 : i32
    %dma_wait3A_491 = tpu.memref_slice %arg6[%dma_wait3A_477, %dma_wait3A_489, %dma_wait3A_490] : memref<6x128x128xf32, #tpu.memory_space<vmem>> -> memref<1x128x128xf32, #tpu.memory_space<vmem>>
    %dma_wait3A_492 = tpu.memref_squeeze %dma_wait3A_491 : memref<1x128x128xf32, #tpu.memory_space<vmem>> -> memref<128x128xf32, #tpu.memory_space<vmem>>
    tpu.wait_dma2 semaphore(%arg13 : memref<!tpu.dma_semaphore, #tpu.memory_space<semaphore_mem>>) src(%dma_wait3A_492 : memref<128x128xf32, #tpu.memory_space<vmem>>) dst(%dma_wait3A_488 : memref<128x128xf32, #tpu.memory_space<hbm>>)
    %dma_start3A_493 = arith.constant 12 : i32
    %dma_start3A_494 = arith.constant 0 : i32
    %dma_start3A_495 = arith.constant 0 : i32
    %dma_start3A_496 = arith.constant 0 : i32
    %dma_start3A_497 = tpu.memref_slice %arg6[%dma_start3A_494, %dma_start3A_495, %dma_start3A_496] : memref<6x128x128xf32, #tpu.memory_space<vmem>> -> memref<1x128x128xf32, #tpu.memory_space<vmem>>
    %dma_start3A_498 = tpu.memref_squeeze %dma_start3A_497 : memref<1x128x128xf32, #tpu.memory_space<vmem>> -> memref<128x128xf32, #tpu.memory_space<vmem>>
    %dma_start3A_499 = arith.constant 0 : i32
    %dma_start3A_500 = tpu.memref_slice %arg5[%dma_start3A_493, %dma_start3A_499] : memref<26x128xi32, #tpu.memory_space<vmem>> -> memref<1x128xi32, #tpu.memory_space<vmem>>
    %dma_start3A_501 = tpu.memref_squeeze %dma_start3A_500 : memref<1x128xi32, #tpu.memory_space<vmem>> -> memref<128xi32, #tpu.memory_space<vmem>>
    %dma_start3A_502 = arith.constant 0 : i32
    %dma_start3A_503 = arith.constant 0 : i32
    %dma_start3A_504 = tpu.memref_slice %arg3[%dma_start3A_502, %dma_start3A_503] : memref<100000x128xf32, #tpu.memory_space<hbm>> -> memref<100000x128xf32, #tpu.memory_space<hbm>>
    tpu.enqueue_indirect_dma source(%dma_start3A_504 : memref<100000x128xf32, #tpu.memory_space<hbm>>) target(%dma_start3A_498 : memref<128x128xf32, #tpu.memory_space<vmem>>) offsets(%dma_start3A_501 : memref<128xi32, #tpu.memory_space<vmem>>) semaphore(%arg7 : memref<!tpu.dma_semaphore, #tpu.memory_space<semaphore_mem>>)
    %dma_wait3A_505 = arith.constant 9 : i32
    %dma_wait3A_506 = arith.constant 3 : i32
    %dma_wait3A_507 = arith.constant 0 : i32
    %dma_wait3A_508 = arith.constant 0 : i32
    %dma_wait3A_509 = tpu.memref_slice %arg6[%dma_wait3A_506, %dma_wait3A_507, %dma_wait3A_508] : memref<6x128x128xf32, #tpu.memory_space<vmem>> -> memref<1x128x128xf32, #tpu.memory_space<vmem>>
    %dma_wait3A_510 = tpu.memref_squeeze %dma_wait3A_509 : memref<1x128x128xf32, #tpu.memory_space<vmem>> -> memref<128x128xf32, #tpu.memory_space<vmem>>
    %dma_wait3A_511 = arith.constant 0 : i32
    %dma_wait3A_512 = tpu.memref_slice %arg5[%dma_wait3A_505, %dma_wait3A_511] : memref<26x128xi32, #tpu.memory_space<vmem>> -> memref<1x128xi32, #tpu.memory_space<vmem>>
    %dma_wait3A_513 = tpu.memref_squeeze %dma_wait3A_512 : memref<1x128xi32, #tpu.memory_space<vmem>> -> memref<128xi32, #tpu.memory_space<vmem>>
    %dma_wait3A_514 = arith.constant 0 : i32
    %dma_wait3A_515 = arith.constant 0 : i32
    %dma_wait3A_516 = tpu.memref_slice %arg3[%dma_wait3A_514, %dma_wait3A_515] : memref<100000x128xf32, #tpu.memory_space<hbm>> -> memref<100000x128xf32, #tpu.memory_space<hbm>>
    tpu.wait_indirect_dma semaphore(%arg10 : memref<!tpu.dma_semaphore, #tpu.memory_space<semaphore_mem>>) src(%dma_wait3A_516 : memref<100000x128xf32, #tpu.memory_space<hbm>>) dst(%dma_wait3A_510 : memref<128x128xf32, #tpu.memory_space<vmem>>)
    %dma_start3A_517 = arith.constant 2 : i32
    %dma_start3A_518 = arith.constant 8 : i32
    %dma_start3A_519 = arith.constant 0 : i32
    %dma_start3A_520 = arith.constant 0 : i32
    %dma_start3A_521 = tpu.memref_slice %arg6[%dma_start3A_517, %dma_start3A_519, %dma_start3A_520] : memref<6x128x128xf32, #tpu.memory_space<vmem>> -> memref<1x128x128xf32, #tpu.memory_space<vmem>>
    %dma_start3A_522 = tpu.memref_squeeze %dma_start3A_521 : memref<1x128x128xf32, #tpu.memory_space<vmem>> -> memref<128x128xf32, #tpu.memory_space<vmem>>
    %dma_start3A_523 = arith.constant 0 : i32
    %dma_start3A_524 = tpu.memref_slice %arg4[%dma_start3A_518, %mul3A_2, %dma_start3A_523] : memref<26x4096x128xf32, #tpu.memory_space<hbm>> -> memref<1x128x128xf32, #tpu.memory_space<hbm>>
    %dma_start3A_525 = tpu.memref_squeeze %dma_start3A_524 : memref<1x128x128xf32, #tpu.memory_space<hbm>> -> memref<128x128xf32, #tpu.memory_space<hbm>>
    %dma_start3A_526 = arith.constant 0 : i32
    %dma_start3A_527 = tpu.memref_slice %arg4[%dma_start3A_518, %mul3A_2, %dma_start3A_526] : memref<26x4096x128xf32, #tpu.memory_space<hbm>> -> memref<1x128x128xf32, #tpu.memory_space<hbm>>
    %dma_start3A_528 = tpu.memref_squeeze %dma_start3A_527 : memref<1x128x128xf32, #tpu.memory_space<hbm>> -> memref<128x128xf32, #tpu.memory_space<hbm>>
    %dma_start3A_529 = arith.constant 0 : i32
    %dma_start3A_530 = arith.constant 0 : i32
    %dma_start3A_531 = tpu.memref_slice %arg6[%dma_start3A_517, %dma_start3A_529, %dma_start3A_530] : memref<6x128x128xf32, #tpu.memory_space<vmem>> -> memref<1x128x128xf32, #tpu.memory_space<vmem>>
    %dma_start3A_532 = tpu.memref_squeeze %dma_start3A_531 : memref<1x128x128xf32, #tpu.memory_space<vmem>> -> memref<128x128xf32, #tpu.memory_space<vmem>>
    tpu.enqueue_dma source(%dma_start3A_532 : memref<128x128xf32, #tpu.memory_space<vmem>>) target(%dma_start3A_528 : memref<128x128xf32, #tpu.memory_space<hbm>>) target_semaphore(%arg15 : memref<!tpu.dma_semaphore, #tpu.memory_space<semaphore_mem>>)
    %dma_wait3A_533 = arith.constant 1 : i32
    %dma_wait3A_534 = arith.constant 7 : i32
    %dma_wait3A_535 = arith.constant 0 : i32
    %dma_wait3A_536 = arith.constant 0 : i32
    %dma_wait3A_537 = tpu.memref_slice %arg6[%dma_wait3A_533, %dma_wait3A_535, %dma_wait3A_536] : memref<6x128x128xf32, #tpu.memory_space<vmem>> -> memref<1x128x128xf32, #tpu.memory_space<vmem>>
    %dma_wait3A_538 = tpu.memref_squeeze %dma_wait3A_537 : memref<1x128x128xf32, #tpu.memory_space<vmem>> -> memref<128x128xf32, #tpu.memory_space<vmem>>
    %dma_wait3A_539 = arith.constant 0 : i32
    %dma_wait3A_540 = tpu.memref_slice %arg4[%dma_wait3A_534, %mul3A_2, %dma_wait3A_539] : memref<26x4096x128xf32, #tpu.memory_space<hbm>> -> memref<1x128x128xf32, #tpu.memory_space<hbm>>
    %dma_wait3A_541 = tpu.memref_squeeze %dma_wait3A_540 : memref<1x128x128xf32, #tpu.memory_space<hbm>> -> memref<128x128xf32, #tpu.memory_space<hbm>>
    %dma_wait3A_542 = arith.constant 0 : i32
    %dma_wait3A_543 = tpu.memref_slice %arg4[%dma_wait3A_534, %mul3A_2, %dma_wait3A_542] : memref<26x4096x128xf32, #tpu.memory_space<hbm>> -> memref<1x128x128xf32, #tpu.memory_space<hbm>>
    %dma_wait3A_544 = tpu.memref_squeeze %dma_wait3A_543 : memref<1x128x128xf32, #tpu.memory_space<hbm>> -> memref<128x128xf32, #tpu.memory_space<hbm>>
    %dma_wait3A_545 = arith.constant 0 : i32
    %dma_wait3A_546 = arith.constant 0 : i32
    %dma_wait3A_547 = tpu.memref_slice %arg6[%dma_wait3A_533, %dma_wait3A_545, %dma_wait3A_546] : memref<6x128x128xf32, #tpu.memory_space<vmem>> -> memref<1x128x128xf32, #tpu.memory_space<vmem>>
    %dma_wait3A_548 = tpu.memref_squeeze %dma_wait3A_547 : memref<1x128x128xf32, #tpu.memory_space<vmem>> -> memref<128x128xf32, #tpu.memory_space<vmem>>
    tpu.wait_dma2 semaphore(%arg14 : memref<!tpu.dma_semaphore, #tpu.memory_space<semaphore_mem>>) src(%dma_wait3A_548 : memref<128x128xf32, #tpu.memory_space<vmem>>) dst(%dma_wait3A_544 : memref<128x128xf32, #tpu.memory_space<hbm>>)
    %dma_start3A_549 = arith.constant 13 : i32
    %dma_start3A_550 = arith.constant 1 : i32
    %dma_start3A_551 = arith.constant 0 : i32
    %dma_start3A_552 = arith.constant 0 : i32
    %dma_start3A_553 = tpu.memref_slice %arg6[%dma_start3A_550, %dma_start3A_551, %dma_start3A_552] : memref<6x128x128xf32, #tpu.memory_space<vmem>> -> memref<1x128x128xf32, #tpu.memory_space<vmem>>
    %dma_start3A_554 = tpu.memref_squeeze %dma_start3A_553 : memref<1x128x128xf32, #tpu.memory_space<vmem>> -> memref<128x128xf32, #tpu.memory_space<vmem>>
    %dma_start3A_555 = arith.constant 0 : i32
    %dma_start3A_556 = tpu.memref_slice %arg5[%dma_start3A_549, %dma_start3A_555] : memref<26x128xi32, #tpu.memory_space<vmem>> -> memref<1x128xi32, #tpu.memory_space<vmem>>
    %dma_start3A_557 = tpu.memref_squeeze %dma_start3A_556 : memref<1x128xi32, #tpu.memory_space<vmem>> -> memref<128xi32, #tpu.memory_space<vmem>>
    %dma_start3A_558 = arith.constant 0 : i32
    %dma_start3A_559 = arith.constant 0 : i32
    %dma_start3A_560 = tpu.memref_slice %arg3[%dma_start3A_558, %dma_start3A_559] : memref<100000x128xf32, #tpu.memory_space<hbm>> -> memref<100000x128xf32, #tpu.memory_space<hbm>>
    tpu.enqueue_indirect_dma source(%dma_start3A_560 : memref<100000x128xf32, #tpu.memory_space<hbm>>) target(%dma_start3A_554 : memref<128x128xf32, #tpu.memory_space<vmem>>) offsets(%dma_start3A_557 : memref<128xi32, #tpu.memory_space<vmem>>) semaphore(%arg8 : memref<!tpu.dma_semaphore, #tpu.memory_space<semaphore_mem>>)
    %dma_wait3A_561 = arith.constant 10 : i32
    %dma_wait3A_562 = arith.constant 4 : i32
    %dma_wait3A_563 = arith.constant 0 : i32
    %dma_wait3A_564 = arith.constant 0 : i32
    %dma_wait3A_565 = tpu.memref_slice %arg6[%dma_wait3A_562, %dma_wait3A_563, %dma_wait3A_564] : memref<6x128x128xf32, #tpu.memory_space<vmem>> -> memref<1x128x128xf32, #tpu.memory_space<vmem>>
    %dma_wait3A_566 = tpu.memref_squeeze %dma_wait3A_565 : memref<1x128x128xf32, #tpu.memory_space<vmem>> -> memref<128x128xf32, #tpu.memory_space<vmem>>
    %dma_wait3A_567 = arith.constant 0 : i32
    %dma_wait3A_568 = tpu.memref_slice %arg5[%dma_wait3A_561, %dma_wait3A_567] : memref<26x128xi32, #tpu.memory_space<vmem>> -> memref<1x128xi32, #tpu.memory_space<vmem>>
    %dma_wait3A_569 = tpu.memref_squeeze %dma_wait3A_568 : memref<1x128xi32, #tpu.memory_space<vmem>> -> memref<128xi32, #tpu.memory_space<vmem>>
    %dma_wait3A_570 = arith.constant 0 : i32
    %dma_wait3A_571 = arith.constant 0 : i32
    %dma_wait3A_572 = tpu.memref_slice %arg3[%dma_wait3A_570, %dma_wait3A_571] : memref<100000x128xf32, #tpu.memory_space<hbm>> -> memref<100000x128xf32, #tpu.memory_space<hbm>>
    tpu.wait_indirect_dma semaphore(%arg11 : memref<!tpu.dma_semaphore, #tpu.memory_space<semaphore_mem>>) src(%dma_wait3A_572 : memref<100000x128xf32, #tpu.memory_space<hbm>>) dst(%dma_wait3A_566 : memref<128x128xf32, #tpu.memory_space<vmem>>)
    %dma_start3A_573 = arith.constant 3 : i32
    %dma_start3A_574 = arith.constant 9 : i32
    %dma_start3A_575 = arith.constant 0 : i32
    %dma_start3A_576 = arith.constant 0 : i32
    %dma_start3A_577 = tpu.memref_slice %arg6[%dma_start3A_573, %dma_start3A_575, %dma_start3A_576] : memref<6x128x128xf32, #tpu.memory_space<vmem>> -> memref<1x128x128xf32, #tpu.memory_space<vmem>>
    %dma_start3A_578 = tpu.memref_squeeze %dma_start3A_577 : memref<1x128x128xf32, #tpu.memory_space<vmem>> -> memref<128x128xf32, #tpu.memory_space<vmem>>
    %dma_start3A_579 = arith.constant 0 : i32
    %dma_start3A_580 = tpu.memref_slice %arg4[%dma_start3A_574, %mul3A_2, %dma_start3A_579] : memref<26x4096x128xf32, #tpu.memory_space<hbm>> -> memref<1x128x128xf32, #tpu.memory_space<hbm>>
    %dma_start3A_581 = tpu.memref_squeeze %dma_start3A_580 : memref<1x128x128xf32, #tpu.memory_space<hbm>> -> memref<128x128xf32, #tpu.memory_space<hbm>>
    %dma_start3A_582 = arith.constant 0 : i32
    %dma_start3A_583 = tpu.memref_slice %arg4[%dma_start3A_574, %mul3A_2, %dma_start3A_582] : memref<26x4096x128xf32, #tpu.memory_space<hbm>> -> memref<1x128x128xf32, #tpu.memory_space<hbm>>
    %dma_start3A_584 = tpu.memref_squeeze %dma_start3A_583 : memref<1x128x128xf32, #tpu.memory_space<hbm>> -> memref<128x128xf32, #tpu.memory_space<hbm>>
    %dma_start3A_585 = arith.constant 0 : i32
    %dma_start3A_586 = arith.constant 0 : i32
    %dma_start3A_587 = tpu.memref_slice %arg6[%dma_start3A_573, %dma_start3A_585, %dma_start3A_586] : memref<6x128x128xf32, #tpu.memory_space<vmem>> -> memref<1x128x128xf32, #tpu.memory_space<vmem>>
    %dma_start3A_588 = tpu.memref_squeeze %dma_start3A_587 : memref<1x128x128xf32, #tpu.memory_space<vmem>> -> memref<128x128xf32, #tpu.memory_space<vmem>>
    tpu.enqueue_dma source(%dma_start3A_588 : memref<128x128xf32, #tpu.memory_space<vmem>>) target(%dma_start3A_584 : memref<128x128xf32, #tpu.memory_space<hbm>>) target_semaphore(%arg16 : memref<!tpu.dma_semaphore, #tpu.memory_space<semaphore_mem>>)
    %dma_wait3A_589 = arith.constant 2 : i32
    %dma_wait3A_590 = arith.constant 8 : i32
    %dma_wait3A_591 = arith.constant 0 : i32
    %dma_wait3A_592 = arith.constant 0 : i32
    %dma_wait3A_593 = tpu.memref_slice %arg6[%dma_wait3A_589, %dma_wait3A_591, %dma_wait3A_592] : memref<6x128x128xf32, #tpu.memory_space<vmem>> -> memref<1x128x128xf32, #tpu.memory_space<vmem>>
    %dma_wait3A_594 = tpu.memref_squeeze %dma_wait3A_593 : memref<1x128x128xf32, #tpu.memory_space<vmem>> -> memref<128x128xf32, #tpu.memory_space<vmem>>
    %dma_wait3A_595 = arith.constant 0 : i32
    %dma_wait3A_596 = tpu.memref_slice %arg4[%dma_wait3A_590, %mul3A_2, %dma_wait3A_595] : memref<26x4096x128xf32, #tpu.memory_space<hbm>> -> memref<1x128x128xf32, #tpu.memory_space<hbm>>
    %dma_wait3A_597 = tpu.memref_squeeze %dma_wait3A_596 : memref<1x128x128xf32, #tpu.memory_space<hbm>> -> memref<128x128xf32, #tpu.memory_space<hbm>>
    %dma_wait3A_598 = arith.constant 0 : i32
    %dma_wait3A_599 = tpu.memref_slice %arg4[%dma_wait3A_590, %mul3A_2, %dma_wait3A_598] : memref<26x4096x128xf32, #tpu.memory_space<hbm>> -> memref<1x128x128xf32, #tpu.memory_space<hbm>>
    %dma_wait3A_600 = tpu.memref_squeeze %dma_wait3A_599 : memref<1x128x128xf32, #tpu.memory_space<hbm>> -> memref<128x128xf32, #tpu.memory_space<hbm>>
    %dma_wait3A_601 = arith.constant 0 : i32
    %dma_wait3A_602 = arith.constant 0 : i32
    %dma_wait3A_603 = tpu.memref_slice %arg6[%dma_wait3A_589, %dma_wait3A_601, %dma_wait3A_602] : memref<6x128x128xf32, #tpu.memory_space<vmem>> -> memref<1x128x128xf32, #tpu.memory_space<vmem>>
    %dma_wait3A_604 = tpu.memref_squeeze %dma_wait3A_603 : memref<1x128x128xf32, #tpu.memory_space<vmem>> -> memref<128x128xf32, #tpu.memory_space<vmem>>
    tpu.wait_dma2 semaphore(%arg15 : memref<!tpu.dma_semaphore, #tpu.memory_space<semaphore_mem>>) src(%dma_wait3A_604 : memref<128x128xf32, #tpu.memory_space<vmem>>) dst(%dma_wait3A_600 : memref<128x128xf32, #tpu.memory_space<hbm>>)
    %dma_start3A_605 = arith.constant 14 : i32
    %dma_start3A_606 = arith.constant 2 : i32
    %dma_start3A_607 = arith.constant 0 : i32
    %dma_start3A_608 = arith.constant 0 : i32
    %dma_start3A_609 = tpu.memref_slice %arg6[%dma_start3A_606, %dma_start3A_607, %dma_start3A_608] : memref<6x128x128xf32, #tpu.memory_space<vmem>> -> memref<1x128x128xf32, #tpu.memory_space<vmem>>
    %dma_start3A_610 = tpu.memref_squeeze %dma_start3A_609 : memref<1x128x128xf32, #tpu.memory_space<vmem>> -> memref<128x128xf32, #tpu.memory_space<vmem>>
    %dma_start3A_611 = arith.constant 0 : i32
    %dma_start3A_612 = tpu.memref_slice %arg5[%dma_start3A_605, %dma_start3A_611] : memref<26x128xi32, #tpu.memory_space<vmem>> -> memref<1x128xi32, #tpu.memory_space<vmem>>
    %dma_start3A_613 = tpu.memref_squeeze %dma_start3A_612 : memref<1x128xi32, #tpu.memory_space<vmem>> -> memref<128xi32, #tpu.memory_space<vmem>>
    %dma_start3A_614 = arith.constant 0 : i32
    %dma_start3A_615 = arith.constant 0 : i32
    %dma_start3A_616 = tpu.memref_slice %arg3[%dma_start3A_614, %dma_start3A_615] : memref<100000x128xf32, #tpu.memory_space<hbm>> -> memref<100000x128xf32, #tpu.memory_space<hbm>>
    tpu.enqueue_indirect_dma source(%dma_start3A_616 : memref<100000x128xf32, #tpu.memory_space<hbm>>) target(%dma_start3A_610 : memref<128x128xf32, #tpu.memory_space<vmem>>) offsets(%dma_start3A_613 : memref<128xi32, #tpu.memory_space<vmem>>) semaphore(%arg9 : memref<!tpu.dma_semaphore, #tpu.memory_space<semaphore_mem>>)
    %dma_wait3A_617 = arith.constant 11 : i32
    %dma_wait3A_618 = arith.constant 5 : i32
    %dma_wait3A_619 = arith.constant 0 : i32
    %dma_wait3A_620 = arith.constant 0 : i32
    %dma_wait3A_621 = tpu.memref_slice %arg6[%dma_wait3A_618, %dma_wait3A_619, %dma_wait3A_620] : memref<6x128x128xf32, #tpu.memory_space<vmem>> -> memref<1x128x128xf32, #tpu.memory_space<vmem>>
    %dma_wait3A_622 = tpu.memref_squeeze %dma_wait3A_621 : memref<1x128x128xf32, #tpu.memory_space<vmem>> -> memref<128x128xf32, #tpu.memory_space<vmem>>
    %dma_wait3A_623 = arith.constant 0 : i32
    %dma_wait3A_624 = tpu.memref_slice %arg5[%dma_wait3A_617, %dma_wait3A_623] : memref<26x128xi32, #tpu.memory_space<vmem>> -> memref<1x128xi32, #tpu.memory_space<vmem>>
    %dma_wait3A_625 = tpu.memref_squeeze %dma_wait3A_624 : memref<1x128xi32, #tpu.memory_space<vmem>> -> memref<128xi32, #tpu.memory_space<vmem>>
    %dma_wait3A_626 = arith.constant 0 : i32
    %dma_wait3A_627 = arith.constant 0 : i32
    %dma_wait3A_628 = tpu.memref_slice %arg3[%dma_wait3A_626, %dma_wait3A_627] : memref<100000x128xf32, #tpu.memory_space<hbm>> -> memref<100000x128xf32, #tpu.memory_space<hbm>>
    tpu.wait_indirect_dma semaphore(%arg12 : memref<!tpu.dma_semaphore, #tpu.memory_space<semaphore_mem>>) src(%dma_wait3A_628 : memref<100000x128xf32, #tpu.memory_space<hbm>>) dst(%dma_wait3A_622 : memref<128x128xf32, #tpu.memory_space<vmem>>)
    %dma_start3A_629 = arith.constant 4 : i32
    %dma_start3A_630 = arith.constant 10 : i32
    %dma_start3A_631 = arith.constant 0 : i32
    %dma_start3A_632 = arith.constant 0 : i32
    %dma_start3A_633 = tpu.memref_slice %arg6[%dma_start3A_629, %dma_start3A_631, %dma_start3A_632] : memref<6x128x128xf32, #tpu.memory_space<vmem>> -> memref<1x128x128xf32, #tpu.memory_space<vmem>>
    %dma_start3A_634 = tpu.memref_squeeze %dma_start3A_633 : memref<1x128x128xf32, #tpu.memory_space<vmem>> -> memref<128x128xf32, #tpu.memory_space<vmem>>
    %dma_start3A_635 = arith.constant 0 : i32
    %dma_start3A_636 = tpu.memref_slice %arg4[%dma_start3A_630, %mul3A_2, %dma_start3A_635] : memref<26x4096x128xf32, #tpu.memory_space<hbm>> -> memref<1x128x128xf32, #tpu.memory_space<hbm>>
    %dma_start3A_637 = tpu.memref_squeeze %dma_start3A_636 : memref<1x128x128xf32, #tpu.memory_space<hbm>> -> memref<128x128xf32, #tpu.memory_space<hbm>>
    %dma_start3A_638 = arith.constant 0 : i32
    %dma_start3A_639 = tpu.memref_slice %arg4[%dma_start3A_630, %mul3A_2, %dma_start3A_638] : memref<26x4096x128xf32, #tpu.memory_space<hbm>> -> memref<1x128x128xf32, #tpu.memory_space<hbm>>
    %dma_start3A_640 = tpu.memref_squeeze %dma_start3A_639 : memref<1x128x128xf32, #tpu.memory_space<hbm>> -> memref<128x128xf32, #tpu.memory_space<hbm>>
    %dma_start3A_641 = arith.constant 0 : i32
    %dma_start3A_642 = arith.constant 0 : i32
    %dma_start3A_643 = tpu.memref_slice %arg6[%dma_start3A_629, %dma_start3A_641, %dma_start3A_642] : memref<6x128x128xf32, #tpu.memory_space<vmem>> -> memref<1x128x128xf32, #tpu.memory_space<vmem>>
    %dma_start3A_644 = tpu.memref_squeeze %dma_start3A_643 : memref<1x128x128xf32, #tpu.memory_space<vmem>> -> memref<128x128xf32, #tpu.memory_space<vmem>>
    tpu.enqueue_dma source(%dma_start3A_644 : memref<128x128xf32, #tpu.memory_space<vmem>>) target(%dma_start3A_640 : memref<128x128xf32, #tpu.memory_space<hbm>>) target_semaphore(%arg17 : memref<!tpu.dma_semaphore, #tpu.memory_space<semaphore_mem>>)
    %dma_wait3A_645 = arith.constant 3 : i32
    %dma_wait3A_646 = arith.constant 9 : i32
    %dma_wait3A_647 = arith.constant 0 : i32
    %dma_wait3A_648 = arith.constant 0 : i32
    %dma_wait3A_649 = tpu.memref_slice %arg6[%dma_wait3A_645, %dma_wait3A_647, %dma_wait3A_648] : memref<6x128x128xf32, #tpu.memory_space<vmem>> -> memref<1x128x128xf32, #tpu.memory_space<vmem>>
    %dma_wait3A_650 = tpu.memref_squeeze %dma_wait3A_649 : memref<1x128x128xf32, #tpu.memory_space<vmem>> -> memref<128x128xf32, #tpu.memory_space<vmem>>
    %dma_wait3A_651 = arith.constant 0 : i32
    %dma_wait3A_652 = tpu.memref_slice %arg4[%dma_wait3A_646, %mul3A_2, %dma_wait3A_651] : memref<26x4096x128xf32, #tpu.memory_space<hbm>> -> memref<1x128x128xf32, #tpu.memory_space<hbm>>
    %dma_wait3A_653 = tpu.memref_squeeze %dma_wait3A_652 : memref<1x128x128xf32, #tpu.memory_space<hbm>> -> memref<128x128xf32, #tpu.memory_space<hbm>>
    %dma_wait3A_654 = arith.constant 0 : i32
    %dma_wait3A_655 = tpu.memref_slice %arg4[%dma_wait3A_646, %mul3A_2, %dma_wait3A_654] : memref<26x4096x128xf32, #tpu.memory_space<hbm>> -> memref<1x128x128xf32, #tpu.memory_space<hbm>>
    %dma_wait3A_656 = tpu.memref_squeeze %dma_wait3A_655 : memref<1x128x128xf32, #tpu.memory_space<hbm>> -> memref<128x128xf32, #tpu.memory_space<hbm>>
    %dma_wait3A_657 = arith.constant 0 : i32
    %dma_wait3A_658 = arith.constant 0 : i32
    %dma_wait3A_659 = tpu.memref_slice %arg6[%dma_wait3A_645, %dma_wait3A_657, %dma_wait3A_658] : memref<6x128x128xf32, #tpu.memory_space<vmem>> -> memref<1x128x128xf32, #tpu.memory_space<vmem>>
    %dma_wait3A_660 = tpu.memref_squeeze %dma_wait3A_659 : memref<1x128x128xf32, #tpu.memory_space<vmem>> -> memref<128x128xf32, #tpu.memory_space<vmem>>
    tpu.wait_dma2 semaphore(%arg16 : memref<!tpu.dma_semaphore, #tpu.memory_space<semaphore_mem>>) src(%dma_wait3A_660 : memref<128x128xf32, #tpu.memory_space<vmem>>) dst(%dma_wait3A_656 : memref<128x128xf32, #tpu.memory_space<hbm>>)
    %dma_start3A_661 = arith.constant 15 : i32
    %dma_start3A_662 = arith.constant 3 : i32
    %dma_start3A_663 = arith.constant 0 : i32
    %dma_start3A_664 = arith.constant 0 : i32
    %dma_start3A_665 = tpu.memref_slice %arg6[%dma_start3A_662, %dma_start3A_663, %dma_start3A_664] : memref<6x128x128xf32, #tpu.memory_space<vmem>> -> memref<1x128x128xf32, #tpu.memory_space<vmem>>
    %dma_start3A_666 = tpu.memref_squeeze %dma_start3A_665 : memref<1x128x128xf32, #tpu.memory_space<vmem>> -> memref<128x128xf32, #tpu.memory_space<vmem>>
    %dma_start3A_667 = arith.constant 0 : i32
    %dma_start3A_668 = tpu.memref_slice %arg5[%dma_start3A_661, %dma_start3A_667] : memref<26x128xi32, #tpu.memory_space<vmem>> -> memref<1x128xi32, #tpu.memory_space<vmem>>
    %dma_start3A_669 = tpu.memref_squeeze %dma_start3A_668 : memref<1x128xi32, #tpu.memory_space<vmem>> -> memref<128xi32, #tpu.memory_space<vmem>>
    %dma_start3A_670 = arith.constant 0 : i32
    %dma_start3A_671 = arith.constant 0 : i32
    %dma_start3A_672 = tpu.memref_slice %arg3[%dma_start3A_670, %dma_start3A_671] : memref<100000x128xf32, #tpu.memory_space<hbm>> -> memref<100000x128xf32, #tpu.memory_space<hbm>>
    tpu.enqueue_indirect_dma source(%dma_start3A_672 : memref<100000x128xf32, #tpu.memory_space<hbm>>) target(%dma_start3A_666 : memref<128x128xf32, #tpu.memory_space<vmem>>) offsets(%dma_start3A_669 : memref<128xi32, #tpu.memory_space<vmem>>) semaphore(%arg10 : memref<!tpu.dma_semaphore, #tpu.memory_space<semaphore_mem>>)
    %dma_wait3A_673 = arith.constant 12 : i32
    %dma_wait3A_674 = arith.constant 0 : i32
    %dma_wait3A_675 = arith.constant 0 : i32
    %dma_wait3A_676 = arith.constant 0 : i32
    %dma_wait3A_677 = tpu.memref_slice %arg6[%dma_wait3A_674, %dma_wait3A_675, %dma_wait3A_676] : memref<6x128x128xf32, #tpu.memory_space<vmem>> -> memref<1x128x128xf32, #tpu.memory_space<vmem>>
    %dma_wait3A_678 = tpu.memref_squeeze %dma_wait3A_677 : memref<1x128x128xf32, #tpu.memory_space<vmem>> -> memref<128x128xf32, #tpu.memory_space<vmem>>
    %dma_wait3A_679 = arith.constant 0 : i32
    %dma_wait3A_680 = tpu.memref_slice %arg5[%dma_wait3A_673, %dma_wait3A_679] : memref<26x128xi32, #tpu.memory_space<vmem>> -> memref<1x128xi32, #tpu.memory_space<vmem>>
    %dma_wait3A_681 = tpu.memref_squeeze %dma_wait3A_680 : memref<1x128xi32, #tpu.memory_space<vmem>> -> memref<128xi32, #tpu.memory_space<vmem>>
    %dma_wait3A_682 = arith.constant 0 : i32
    %dma_wait3A_683 = arith.constant 0 : i32
    %dma_wait3A_684 = tpu.memref_slice %arg3[%dma_wait3A_682, %dma_wait3A_683] : memref<100000x128xf32, #tpu.memory_space<hbm>> -> memref<100000x128xf32, #tpu.memory_space<hbm>>
    tpu.wait_indirect_dma semaphore(%arg7 : memref<!tpu.dma_semaphore, #tpu.memory_space<semaphore_mem>>) src(%dma_wait3A_684 : memref<100000x128xf32, #tpu.memory_space<hbm>>) dst(%dma_wait3A_678 : memref<128x128xf32, #tpu.memory_space<vmem>>)
    %dma_start3A_685 = arith.constant 5 : i32
    %dma_start3A_686 = arith.constant 11 : i32
    %dma_start3A_687 = arith.constant 0 : i32
    %dma_start3A_688 = arith.constant 0 : i32
    %dma_start3A_689 = tpu.memref_slice %arg6[%dma_start3A_685, %dma_start3A_687, %dma_start3A_688] : memref<6x128x128xf32, #tpu.memory_space<vmem>> -> memref<1x128x128xf32, #tpu.memory_space<vmem>>
    %dma_start3A_690 = tpu.memref_squeeze %dma_start3A_689 : memref<1x128x128xf32, #tpu.memory_space<vmem>> -> memref<128x128xf32, #tpu.memory_space<vmem>>
    %dma_start3A_691 = arith.constant 0 : i32
    %dma_start3A_692 = tpu.memref_slice %arg4[%dma_start3A_686, %mul3A_2, %dma_start3A_691] : memref<26x4096x128xf32, #tpu.memory_space<hbm>> -> memref<1x128x128xf32, #tpu.memory_space<hbm>>
    %dma_start3A_693 = tpu.memref_squeeze %dma_start3A_692 : memref<1x128x128xf32, #tpu.memory_space<hbm>> -> memref<128x128xf32, #tpu.memory_space<hbm>>
    %dma_start3A_694 = arith.constant 0 : i32
    %dma_start3A_695 = tpu.memref_slice %arg4[%dma_start3A_686, %mul3A_2, %dma_start3A_694] : memref<26x4096x128xf32, #tpu.memory_space<hbm>> -> memref<1x128x128xf32, #tpu.memory_space<hbm>>
    %dma_start3A_696 = tpu.memref_squeeze %dma_start3A_695 : memref<1x128x128xf32, #tpu.memory_space<hbm>> -> memref<128x128xf32, #tpu.memory_space<hbm>>
    %dma_start3A_697 = arith.constant 0 : i32
    %dma_start3A_698 = arith.constant 0 : i32
    %dma_start3A_699 = tpu.memref_slice %arg6[%dma_start3A_685, %dma_start3A_697, %dma_start3A_698] : memref<6x128x128xf32, #tpu.memory_space<vmem>> -> memref<1x128x128xf32, #tpu.memory_space<vmem>>
    %dma_start3A_700 = tpu.memref_squeeze %dma_start3A_699 : memref<1x128x128xf32, #tpu.memory_space<vmem>> -> memref<128x128xf32, #tpu.memory_space<vmem>>
    tpu.enqueue_dma source(%dma_start3A_700 : memref<128x128xf32, #tpu.memory_space<vmem>>) target(%dma_start3A_696 : memref<128x128xf32, #tpu.memory_space<hbm>>) target_semaphore(%arg18 : memref<!tpu.dma_semaphore, #tpu.memory_space<semaphore_mem>>)
    %dma_wait3A_701 = arith.constant 4 : i32
    %dma_wait3A_702 = arith.constant 10 : i32
    %dma_wait3A_703 = arith.constant 0 : i32
    %dma_wait3A_704 = arith.constant 0 : i32
    %dma_wait3A_705 = tpu.memref_slice %arg6[%dma_wait3A_701, %dma_wait3A_703, %dma_wait3A_704] : memref<6x128x128xf32, #tpu.memory_space<vmem>> -> memref<1x128x128xf32, #tpu.memory_space<vmem>>
    %dma_wait3A_706 = tpu.memref_squeeze %dma_wait3A_705 : memref<1x128x128xf32, #tpu.memory_space<vmem>> -> memref<128x128xf32, #tpu.memory_space<vmem>>
    %dma_wait3A_707 = arith.constant 0 : i32
    %dma_wait3A_708 = tpu.memref_slice %arg4[%dma_wait3A_702, %mul3A_2, %dma_wait3A_707] : memref<26x4096x128xf32, #tpu.memory_space<hbm>> -> memref<1x128x128xf32, #tpu.memory_space<hbm>>
    %dma_wait3A_709 = tpu.memref_squeeze %dma_wait3A_708 : memref<1x128x128xf32, #tpu.memory_space<hbm>> -> memref<128x128xf32, #tpu.memory_space<hbm>>
    %dma_wait3A_710 = arith.constant 0 : i32
    %dma_wait3A_711 = tpu.memref_slice %arg4[%dma_wait3A_702, %mul3A_2, %dma_wait3A_710] : memref<26x4096x128xf32, #tpu.memory_space<hbm>> -> memref<1x128x128xf32, #tpu.memory_space<hbm>>
    %dma_wait3A_712 = tpu.memref_squeeze %dma_wait3A_711 : memref<1x128x128xf32, #tpu.memory_space<hbm>> -> memref<128x128xf32, #tpu.memory_space<hbm>>
    %dma_wait3A_713 = arith.constant 0 : i32
    %dma_wait3A_714 = arith.constant 0 : i32
    %dma_wait3A_715 = tpu.memref_slice %arg6[%dma_wait3A_701, %dma_wait3A_713, %dma_wait3A_714] : memref<6x128x128xf32, #tpu.memory_space<vmem>> -> memref<1x128x128xf32, #tpu.memory_space<vmem>>
    %dma_wait3A_716 = tpu.memref_squeeze %dma_wait3A_715 : memref<1x128x128xf32, #tpu.memory_space<vmem>> -> memref<128x128xf32, #tpu.memory_space<vmem>>
    tpu.wait_dma2 semaphore(%arg17 : memref<!tpu.dma_semaphore, #tpu.memory_space<semaphore_mem>>) src(%dma_wait3A_716 : memref<128x128xf32, #tpu.memory_space<vmem>>) dst(%dma_wait3A_712 : memref<128x128xf32, #tpu.memory_space<hbm>>)
    %dma_start3A_717 = arith.constant 16 : i32
    %dma_start3A_718 = arith.constant 4 : i32
    %dma_start3A_719 = arith.constant 0 : i32
    %dma_start3A_720 = arith.constant 0 : i32
    %dma_start3A_721 = tpu.memref_slice %arg6[%dma_start3A_718, %dma_start3A_719, %dma_start3A_720] : memref<6x128x128xf32, #tpu.memory_space<vmem>> -> memref<1x128x128xf32, #tpu.memory_space<vmem>>
    %dma_start3A_722 = tpu.memref_squeeze %dma_start3A_721 : memref<1x128x128xf32, #tpu.memory_space<vmem>> -> memref<128x128xf32, #tpu.memory_space<vmem>>
    %dma_start3A_723 = arith.constant 0 : i32
    %dma_start3A_724 = tpu.memref_slice %arg5[%dma_start3A_717, %dma_start3A_723] : memref<26x128xi32, #tpu.memory_space<vmem>> -> memref<1x128xi32, #tpu.memory_space<vmem>>
    %dma_start3A_725 = tpu.memref_squeeze %dma_start3A_724 : memref<1x128xi32, #tpu.memory_space<vmem>> -> memref<128xi32, #tpu.memory_space<vmem>>
    %dma_start3A_726 = arith.constant 0 : i32
    %dma_start3A_727 = arith.constant 0 : i32
    %dma_start3A_728 = tpu.memref_slice %arg3[%dma_start3A_726, %dma_start3A_727] : memref<100000x128xf32, #tpu.memory_space<hbm>> -> memref<100000x128xf32, #tpu.memory_space<hbm>>
    tpu.enqueue_indirect_dma source(%dma_start3A_728 : memref<100000x128xf32, #tpu.memory_space<hbm>>) target(%dma_start3A_722 : memref<128x128xf32, #tpu.memory_space<vmem>>) offsets(%dma_start3A_725 : memref<128xi32, #tpu.memory_space<vmem>>) semaphore(%arg11 : memref<!tpu.dma_semaphore, #tpu.memory_space<semaphore_mem>>)
    %dma_wait3A_729 = arith.constant 13 : i32
    %dma_wait3A_730 = arith.constant 1 : i32
    %dma_wait3A_731 = arith.constant 0 : i32
    %dma_wait3A_732 = arith.constant 0 : i32
    %dma_wait3A_733 = tpu.memref_slice %arg6[%dma_wait3A_730, %dma_wait3A_731, %dma_wait3A_732] : memref<6x128x128xf32, #tpu.memory_space<vmem>> -> memref<1x128x128xf32, #tpu.memory_space<vmem>>
    %dma_wait3A_734 = tpu.memref_squeeze %dma_wait3A_733 : memref<1x128x128xf32, #tpu.memory_space<vmem>> -> memref<128x128xf32, #tpu.memory_space<vmem>>
    %dma_wait3A_735 = arith.constant 0 : i32
    %dma_wait3A_736 = tpu.memref_slice %arg5[%dma_wait3A_729, %dma_wait3A_735] : memref<26x128xi32, #tpu.memory_space<vmem>> -> memref<1x128xi32, #tpu.memory_space<vmem>>
    %dma_wait3A_737 = tpu.memref_squeeze %dma_wait3A_736 : memref<1x128xi32, #tpu.memory_space<vmem>> -> memref<128xi32, #tpu.memory_space<vmem>>
    %dma_wait3A_738 = arith.constant 0 : i32
    %dma_wait3A_739 = arith.constant 0 : i32
    %dma_wait3A_740 = tpu.memref_slice %arg3[%dma_wait3A_738, %dma_wait3A_739] : memref<100000x128xf32, #tpu.memory_space<hbm>> -> memref<100000x128xf32, #tpu.memory_space<hbm>>
    tpu.wait_indirect_dma semaphore(%arg8 : memref<!tpu.dma_semaphore, #tpu.memory_space<semaphore_mem>>) src(%dma_wait3A_740 : memref<100000x128xf32, #tpu.memory_space<hbm>>) dst(%dma_wait3A_734 : memref<128x128xf32, #tpu.memory_space<vmem>>)
    %dma_start3A_741 = arith.constant 0 : i32
    %dma_start3A_742 = arith.constant 12 : i32
    %dma_start3A_743 = arith.constant 0 : i32
    %dma_start3A_744 = arith.constant 0 : i32
    %dma_start3A_745 = tpu.memref_slice %arg6[%dma_start3A_741, %dma_start3A_743, %dma_start3A_744] : memref<6x128x128xf32, #tpu.memory_space<vmem>> -> memref<1x128x128xf32, #tpu.memory_space<vmem>>
    %dma_start3A_746 = tpu.memref_squeeze %dma_start3A_745 : memref<1x128x128xf32, #tpu.memory_space<vmem>> -> memref<128x128xf32, #tpu.memory_space<vmem>>
    %dma_start3A_747 = arith.constant 0 : i32
    %dma_start3A_748 = tpu.memref_slice %arg4[%dma_start3A_742, %mul3A_2, %dma_start3A_747] : memref<26x4096x128xf32, #tpu.memory_space<hbm>> -> memref<1x128x128xf32, #tpu.memory_space<hbm>>
    %dma_start3A_749 = tpu.memref_squeeze %dma_start3A_748 : memref<1x128x128xf32, #tpu.memory_space<hbm>> -> memref<128x128xf32, #tpu.memory_space<hbm>>
    %dma_start3A_750 = arith.constant 0 : i32
    %dma_start3A_751 = tpu.memref_slice %arg4[%dma_start3A_742, %mul3A_2, %dma_start3A_750] : memref<26x4096x128xf32, #tpu.memory_space<hbm>> -> memref<1x128x128xf32, #tpu.memory_space<hbm>>
    %dma_start3A_752 = tpu.memref_squeeze %dma_start3A_751 : memref<1x128x128xf32, #tpu.memory_space<hbm>> -> memref<128x128xf32, #tpu.memory_space<hbm>>
    %dma_start3A_753 = arith.constant 0 : i32
    %dma_start3A_754 = arith.constant 0 : i32
    %dma_start3A_755 = tpu.memref_slice %arg6[%dma_start3A_741, %dma_start3A_753, %dma_start3A_754] : memref<6x128x128xf32, #tpu.memory_space<vmem>> -> memref<1x128x128xf32, #tpu.memory_space<vmem>>
    %dma_start3A_756 = tpu.memref_squeeze %dma_start3A_755 : memref<1x128x128xf32, #tpu.memory_space<vmem>> -> memref<128x128xf32, #tpu.memory_space<vmem>>
    tpu.enqueue_dma source(%dma_start3A_756 : memref<128x128xf32, #tpu.memory_space<vmem>>) target(%dma_start3A_752 : memref<128x128xf32, #tpu.memory_space<hbm>>) target_semaphore(%arg13 : memref<!tpu.dma_semaphore, #tpu.memory_space<semaphore_mem>>)
    %dma_wait3A_757 = arith.constant 5 : i32
    %dma_wait3A_758 = arith.constant 11 : i32
    %dma_wait3A_759 = arith.constant 0 : i32
    %dma_wait3A_760 = arith.constant 0 : i32
    %dma_wait3A_761 = tpu.memref_slice %arg6[%dma_wait3A_757, %dma_wait3A_759, %dma_wait3A_760] : memref<6x128x128xf32, #tpu.memory_space<vmem>> -> memref<1x128x128xf32, #tpu.memory_space<vmem>>
    %dma_wait3A_762 = tpu.memref_squeeze %dma_wait3A_761 : memref<1x128x128xf32, #tpu.memory_space<vmem>> -> memref<128x128xf32, #tpu.memory_space<vmem>>
    %dma_wait3A_763 = arith.constant 0 : i32
    %dma_wait3A_764 = tpu.memref_slice %arg4[%dma_wait3A_758, %mul3A_2, %dma_wait3A_763] : memref<26x4096x128xf32, #tpu.memory_space<hbm>> -> memref<1x128x128xf32, #tpu.memory_space<hbm>>
    %dma_wait3A_765 = tpu.memref_squeeze %dma_wait3A_764 : memref<1x128x128xf32, #tpu.memory_space<hbm>> -> memref<128x128xf32, #tpu.memory_space<hbm>>
    %dma_wait3A_766 = arith.constant 0 : i32
    %dma_wait3A_767 = tpu.memref_slice %arg4[%dma_wait3A_758, %mul3A_2, %dma_wait3A_766] : memref<26x4096x128xf32, #tpu.memory_space<hbm>> -> memref<1x128x128xf32, #tpu.memory_space<hbm>>
    %dma_wait3A_768 = tpu.memref_squeeze %dma_wait3A_767 : memref<1x128x128xf32, #tpu.memory_space<hbm>> -> memref<128x128xf32, #tpu.memory_space<hbm>>
    %dma_wait3A_769 = arith.constant 0 : i32
    %dma_wait3A_770 = arith.constant 0 : i32
    %dma_wait3A_771 = tpu.memref_slice %arg6[%dma_wait3A_757, %dma_wait3A_769, %dma_wait3A_770] : memref<6x128x128xf32, #tpu.memory_space<vmem>> -> memref<1x128x128xf32, #tpu.memory_space<vmem>>
    %dma_wait3A_772 = tpu.memref_squeeze %dma_wait3A_771 : memref<1x128x128xf32, #tpu.memory_space<vmem>> -> memref<128x128xf32, #tpu.memory_space<vmem>>
    tpu.wait_dma2 semaphore(%arg18 : memref<!tpu.dma_semaphore, #tpu.memory_space<semaphore_mem>>) src(%dma_wait3A_772 : memref<128x128xf32, #tpu.memory_space<vmem>>) dst(%dma_wait3A_768 : memref<128x128xf32, #tpu.memory_space<hbm>>)
    %dma_start3A_773 = arith.constant 17 : i32
    %dma_start3A_774 = arith.constant 5 : i32
    %dma_start3A_775 = arith.constant 0 : i32
    %dma_start3A_776 = arith.constant 0 : i32
    %dma_start3A_777 = tpu.memref_slice %arg6[%dma_start3A_774, %dma_start3A_775, %dma_start3A_776] : memref<6x128x128xf32, #tpu.memory_space<vmem>> -> memref<1x128x128xf32, #tpu.memory_space<vmem>>
    %dma_start3A_778 = tpu.memref_squeeze %dma_start3A_777 : memref<1x128x128xf32, #tpu.memory_space<vmem>> -> memref<128x128xf32, #tpu.memory_space<vmem>>
    %dma_start3A_779 = arith.constant 0 : i32
    %dma_start3A_780 = tpu.memref_slice %arg5[%dma_start3A_773, %dma_start3A_779] : memref<26x128xi32, #tpu.memory_space<vmem>> -> memref<1x128xi32, #tpu.memory_space<vmem>>
    %dma_start3A_781 = tpu.memref_squeeze %dma_start3A_780 : memref<1x128xi32, #tpu.memory_space<vmem>> -> memref<128xi32, #tpu.memory_space<vmem>>
    %dma_start3A_782 = arith.constant 0 : i32
    %dma_start3A_783 = arith.constant 0 : i32
    %dma_start3A_784 = tpu.memref_slice %arg3[%dma_start3A_782, %dma_start3A_783] : memref<100000x128xf32, #tpu.memory_space<hbm>> -> memref<100000x128xf32, #tpu.memory_space<hbm>>
    tpu.enqueue_indirect_dma source(%dma_start3A_784 : memref<100000x128xf32, #tpu.memory_space<hbm>>) target(%dma_start3A_778 : memref<128x128xf32, #tpu.memory_space<vmem>>) offsets(%dma_start3A_781 : memref<128xi32, #tpu.memory_space<vmem>>) semaphore(%arg12 : memref<!tpu.dma_semaphore, #tpu.memory_space<semaphore_mem>>)
    %dma_wait3A_785 = arith.constant 14 : i32
    %dma_wait3A_786 = arith.constant 2 : i32
    %dma_wait3A_787 = arith.constant 0 : i32
    %dma_wait3A_788 = arith.constant 0 : i32
    %dma_wait3A_789 = tpu.memref_slice %arg6[%dma_wait3A_786, %dma_wait3A_787, %dma_wait3A_788] : memref<6x128x128xf32, #tpu.memory_space<vmem>> -> memref<1x128x128xf32, #tpu.memory_space<vmem>>
    %dma_wait3A_790 = tpu.memref_squeeze %dma_wait3A_789 : memref<1x128x128xf32, #tpu.memory_space<vmem>> -> memref<128x128xf32, #tpu.memory_space<vmem>>
    %dma_wait3A_791 = arith.constant 0 : i32
    %dma_wait3A_792 = tpu.memref_slice %arg5[%dma_wait3A_785, %dma_wait3A_791] : memref<26x128xi32, #tpu.memory_space<vmem>> -> memref<1x128xi32, #tpu.memory_space<vmem>>
    %dma_wait3A_793 = tpu.memref_squeeze %dma_wait3A_792 : memref<1x128xi32, #tpu.memory_space<vmem>> -> memref<128xi32, #tpu.memory_space<vmem>>
    %dma_wait3A_794 = arith.constant 0 : i32
    %dma_wait3A_795 = arith.constant 0 : i32
    %dma_wait3A_796 = tpu.memref_slice %arg3[%dma_wait3A_794, %dma_wait3A_795] : memref<100000x128xf32, #tpu.memory_space<hbm>> -> memref<100000x128xf32, #tpu.memory_space<hbm>>
    tpu.wait_indirect_dma semaphore(%arg9 : memref<!tpu.dma_semaphore, #tpu.memory_space<semaphore_mem>>) src(%dma_wait3A_796 : memref<100000x128xf32, #tpu.memory_space<hbm>>) dst(%dma_wait3A_790 : memref<128x128xf32, #tpu.memory_space<vmem>>)
    %dma_start3A_797 = arith.constant 1 : i32
    %dma_start3A_798 = arith.constant 13 : i32
    %dma_start3A_799 = arith.constant 0 : i32
    %dma_start3A_800 = arith.constant 0 : i32
    %dma_start3A_801 = tpu.memref_slice %arg6[%dma_start3A_797, %dma_start3A_799, %dma_start3A_800] : memref<6x128x128xf32, #tpu.memory_space<vmem>> -> memref<1x128x128xf32, #tpu.memory_space<vmem>>
    %dma_start3A_802 = tpu.memref_squeeze %dma_start3A_801 : memref<1x128x128xf32, #tpu.memory_space<vmem>> -> memref<128x128xf32, #tpu.memory_space<vmem>>
    %dma_start3A_803 = arith.constant 0 : i32
    %dma_start3A_804 = tpu.memref_slice %arg4[%dma_start3A_798, %mul3A_2, %dma_start3A_803] : memref<26x4096x128xf32, #tpu.memory_space<hbm>> -> memref<1x128x128xf32, #tpu.memory_space<hbm>>
    %dma_start3A_805 = tpu.memref_squeeze %dma_start3A_804 : memref<1x128x128xf32, #tpu.memory_space<hbm>> -> memref<128x128xf32, #tpu.memory_space<hbm>>
    %dma_start3A_806 = arith.constant 0 : i32
    %dma_start3A_807 = tpu.memref_slice %arg4[%dma_start3A_798, %mul3A_2, %dma_start3A_806] : memref<26x4096x128xf32, #tpu.memory_space<hbm>> -> memref<1x128x128xf32, #tpu.memory_space<hbm>>
    %dma_start3A_808 = tpu.memref_squeeze %dma_start3A_807 : memref<1x128x128xf32, #tpu.memory_space<hbm>> -> memref<128x128xf32, #tpu.memory_space<hbm>>
    %dma_start3A_809 = arith.constant 0 : i32
    %dma_start3A_810 = arith.constant 0 : i32
    %dma_start3A_811 = tpu.memref_slice %arg6[%dma_start3A_797, %dma_start3A_809, %dma_start3A_810] : memref<6x128x128xf32, #tpu.memory_space<vmem>> -> memref<1x128x128xf32, #tpu.memory_space<vmem>>
    %dma_start3A_812 = tpu.memref_squeeze %dma_start3A_811 : memref<1x128x128xf32, #tpu.memory_space<vmem>> -> memref<128x128xf32, #tpu.memory_space<vmem>>
    tpu.enqueue_dma source(%dma_start3A_812 : memref<128x128xf32, #tpu.memory_space<vmem>>) target(%dma_start3A_808 : memref<128x128xf32, #tpu.memory_space<hbm>>) target_semaphore(%arg14 : memref<!tpu.dma_semaphore, #tpu.memory_space<semaphore_mem>>)
    %dma_wait3A_813 = arith.constant 0 : i32
    %dma_wait3A_814 = arith.constant 12 : i32
    %dma_wait3A_815 = arith.constant 0 : i32
    %dma_wait3A_816 = arith.constant 0 : i32
    %dma_wait3A_817 = tpu.memref_slice %arg6[%dma_wait3A_813, %dma_wait3A_815, %dma_wait3A_816] : memref<6x128x128xf32, #tpu.memory_space<vmem>> -> memref<1x128x128xf32, #tpu.memory_space<vmem>>
    %dma_wait3A_818 = tpu.memref_squeeze %dma_wait3A_817 : memref<1x128x128xf32, #tpu.memory_space<vmem>> -> memref<128x128xf32, #tpu.memory_space<vmem>>
    %dma_wait3A_819 = arith.constant 0 : i32
    %dma_wait3A_820 = tpu.memref_slice %arg4[%dma_wait3A_814, %mul3A_2, %dma_wait3A_819] : memref<26x4096x128xf32, #tpu.memory_space<hbm>> -> memref<1x128x128xf32, #tpu.memory_space<hbm>>
    %dma_wait3A_821 = tpu.memref_squeeze %dma_wait3A_820 : memref<1x128x128xf32, #tpu.memory_space<hbm>> -> memref<128x128xf32, #tpu.memory_space<hbm>>
    %dma_wait3A_822 = arith.constant 0 : i32
    %dma_wait3A_823 = tpu.memref_slice %arg4[%dma_wait3A_814, %mul3A_2, %dma_wait3A_822] : memref<26x4096x128xf32, #tpu.memory_space<hbm>> -> memref<1x128x128xf32, #tpu.memory_space<hbm>>
    %dma_wait3A_824 = tpu.memref_squeeze %dma_wait3A_823 : memref<1x128x128xf32, #tpu.memory_space<hbm>> -> memref<128x128xf32, #tpu.memory_space<hbm>>
    %dma_wait3A_825 = arith.constant 0 : i32
    %dma_wait3A_826 = arith.constant 0 : i32
    %dma_wait3A_827 = tpu.memref_slice %arg6[%dma_wait3A_813, %dma_wait3A_825, %dma_wait3A_826] : memref<6x128x128xf32, #tpu.memory_space<vmem>> -> memref<1x128x128xf32, #tpu.memory_space<vmem>>
    %dma_wait3A_828 = tpu.memref_squeeze %dma_wait3A_827 : memref<1x128x128xf32, #tpu.memory_space<vmem>> -> memref<128x128xf32, #tpu.memory_space<vmem>>
    tpu.wait_dma2 semaphore(%arg13 : memref<!tpu.dma_semaphore, #tpu.memory_space<semaphore_mem>>) src(%dma_wait3A_828 : memref<128x128xf32, #tpu.memory_space<vmem>>) dst(%dma_wait3A_824 : memref<128x128xf32, #tpu.memory_space<hbm>>)
    %dma_start3A_829 = arith.constant 18 : i32
    %dma_start3A_830 = arith.constant 0 : i32
    %dma_start3A_831 = arith.constant 0 : i32
    %dma_start3A_832 = arith.constant 0 : i32
    %dma_start3A_833 = tpu.memref_slice %arg6[%dma_start3A_830, %dma_start3A_831, %dma_start3A_832] : memref<6x128x128xf32, #tpu.memory_space<vmem>> -> memref<1x128x128xf32, #tpu.memory_space<vmem>>
    %dma_start3A_834 = tpu.memref_squeeze %dma_start3A_833 : memref<1x128x128xf32, #tpu.memory_space<vmem>> -> memref<128x128xf32, #tpu.memory_space<vmem>>
    %dma_start3A_835 = arith.constant 0 : i32
    %dma_start3A_836 = tpu.memref_slice %arg5[%dma_start3A_829, %dma_start3A_835] : memref<26x128xi32, #tpu.memory_space<vmem>> -> memref<1x128xi32, #tpu.memory_space<vmem>>
    %dma_start3A_837 = tpu.memref_squeeze %dma_start3A_836 : memref<1x128xi32, #tpu.memory_space<vmem>> -> memref<128xi32, #tpu.memory_space<vmem>>
    %dma_start3A_838 = arith.constant 0 : i32
    %dma_start3A_839 = arith.constant 0 : i32
    %dma_start3A_840 = tpu.memref_slice %arg3[%dma_start3A_838, %dma_start3A_839] : memref<100000x128xf32, #tpu.memory_space<hbm>> -> memref<100000x128xf32, #tpu.memory_space<hbm>>
    tpu.enqueue_indirect_dma source(%dma_start3A_840 : memref<100000x128xf32, #tpu.memory_space<hbm>>) target(%dma_start3A_834 : memref<128x128xf32, #tpu.memory_space<vmem>>) offsets(%dma_start3A_837 : memref<128xi32, #tpu.memory_space<vmem>>) semaphore(%arg7 : memref<!tpu.dma_semaphore, #tpu.memory_space<semaphore_mem>>)
    %dma_wait3A_841 = arith.constant 15 : i32
    %dma_wait3A_842 = arith.constant 3 : i32
    %dma_wait3A_843 = arith.constant 0 : i32
    %dma_wait3A_844 = arith.constant 0 : i32
    %dma_wait3A_845 = tpu.memref_slice %arg6[%dma_wait3A_842, %dma_wait3A_843, %dma_wait3A_844] : memref<6x128x128xf32, #tpu.memory_space<vmem>> -> memref<1x128x128xf32, #tpu.memory_space<vmem>>
    %dma_wait3A_846 = tpu.memref_squeeze %dma_wait3A_845 : memref<1x128x128xf32, #tpu.memory_space<vmem>> -> memref<128x128xf32, #tpu.memory_space<vmem>>
    %dma_wait3A_847 = arith.constant 0 : i32
    %dma_wait3A_848 = tpu.memref_slice %arg5[%dma_wait3A_841, %dma_wait3A_847] : memref<26x128xi32, #tpu.memory_space<vmem>> -> memref<1x128xi32, #tpu.memory_space<vmem>>
    %dma_wait3A_849 = tpu.memref_squeeze %dma_wait3A_848 : memref<1x128xi32, #tpu.memory_space<vmem>> -> memref<128xi32, #tpu.memory_space<vmem>>
    %dma_wait3A_850 = arith.constant 0 : i32
    %dma_wait3A_851 = arith.constant 0 : i32
    %dma_wait3A_852 = tpu.memref_slice %arg3[%dma_wait3A_850, %dma_wait3A_851] : memref<100000x128xf32, #tpu.memory_space<hbm>> -> memref<100000x128xf32, #tpu.memory_space<hbm>>
    tpu.wait_indirect_dma semaphore(%arg10 : memref<!tpu.dma_semaphore, #tpu.memory_space<semaphore_mem>>) src(%dma_wait3A_852 : memref<100000x128xf32, #tpu.memory_space<hbm>>) dst(%dma_wait3A_846 : memref<128x128xf32, #tpu.memory_space<vmem>>)
    %dma_start3A_853 = arith.constant 2 : i32
    %dma_start3A_854 = arith.constant 14 : i32
    %dma_start3A_855 = arith.constant 0 : i32
    %dma_start3A_856 = arith.constant 0 : i32
    %dma_start3A_857 = tpu.memref_slice %arg6[%dma_start3A_853, %dma_start3A_855, %dma_start3A_856] : memref<6x128x128xf32, #tpu.memory_space<vmem>> -> memref<1x128x128xf32, #tpu.memory_space<vmem>>
    %dma_start3A_858 = tpu.memref_squeeze %dma_start3A_857 : memref<1x128x128xf32, #tpu.memory_space<vmem>> -> memref<128x128xf32, #tpu.memory_space<vmem>>
    %dma_start3A_859 = arith.constant 0 : i32
    %dma_start3A_860 = tpu.memref_slice %arg4[%dma_start3A_854, %mul3A_2, %dma_start3A_859] : memref<26x4096x128xf32, #tpu.memory_space<hbm>> -> memref<1x128x128xf32, #tpu.memory_space<hbm>>
    %dma_start3A_861 = tpu.memref_squeeze %dma_start3A_860 : memref<1x128x128xf32, #tpu.memory_space<hbm>> -> memref<128x128xf32, #tpu.memory_space<hbm>>
    %dma_start3A_862 = arith.constant 0 : i32
    %dma_start3A_863 = tpu.memref_slice %arg4[%dma_start3A_854, %mul3A_2, %dma_start3A_862] : memref<26x4096x128xf32, #tpu.memory_space<hbm>> -> memref<1x128x128xf32, #tpu.memory_space<hbm>>
    %dma_start3A_864 = tpu.memref_squeeze %dma_start3A_863 : memref<1x128x128xf32, #tpu.memory_space<hbm>> -> memref<128x128xf32, #tpu.memory_space<hbm>>
    %dma_start3A_865 = arith.constant 0 : i32
    %dma_start3A_866 = arith.constant 0 : i32
    %dma_start3A_867 = tpu.memref_slice %arg6[%dma_start3A_853, %dma_start3A_865, %dma_start3A_866] : memref<6x128x128xf32, #tpu.memory_space<vmem>> -> memref<1x128x128xf32, #tpu.memory_space<vmem>>
    %dma_start3A_868 = tpu.memref_squeeze %dma_start3A_867 : memref<1x128x128xf32, #tpu.memory_space<vmem>> -> memref<128x128xf32, #tpu.memory_space<vmem>>
    tpu.enqueue_dma source(%dma_start3A_868 : memref<128x128xf32, #tpu.memory_space<vmem>>) target(%dma_start3A_864 : memref<128x128xf32, #tpu.memory_space<hbm>>) target_semaphore(%arg15 : memref<!tpu.dma_semaphore, #tpu.memory_space<semaphore_mem>>)
    %dma_wait3A_869 = arith.constant 1 : i32
    %dma_wait3A_870 = arith.constant 13 : i32
    %dma_wait3A_871 = arith.constant 0 : i32
    %dma_wait3A_872 = arith.constant 0 : i32
    %dma_wait3A_873 = tpu.memref_slice %arg6[%dma_wait3A_869, %dma_wait3A_871, %dma_wait3A_872] : memref<6x128x128xf32, #tpu.memory_space<vmem>> -> memref<1x128x128xf32, #tpu.memory_space<vmem>>
    %dma_wait3A_874 = tpu.memref_squeeze %dma_wait3A_873 : memref<1x128x128xf32, #tpu.memory_space<vmem>> -> memref<128x128xf32, #tpu.memory_space<vmem>>
    %dma_wait3A_875 = arith.constant 0 : i32
    %dma_wait3A_876 = tpu.memref_slice %arg4[%dma_wait3A_870, %mul3A_2, %dma_wait3A_875] : memref<26x4096x128xf32, #tpu.memory_space<hbm>> -> memref<1x128x128xf32, #tpu.memory_space<hbm>>
    %dma_wait3A_877 = tpu.memref_squeeze %dma_wait3A_876 : memref<1x128x128xf32, #tpu.memory_space<hbm>> -> memref<128x128xf32, #tpu.memory_space<hbm>>
    %dma_wait3A_878 = arith.constant 0 : i32
    %dma_wait3A_879 = tpu.memref_slice %arg4[%dma_wait3A_870, %mul3A_2, %dma_wait3A_878] : memref<26x4096x128xf32, #tpu.memory_space<hbm>> -> memref<1x128x128xf32, #tpu.memory_space<hbm>>
    %dma_wait3A_880 = tpu.memref_squeeze %dma_wait3A_879 : memref<1x128x128xf32, #tpu.memory_space<hbm>> -> memref<128x128xf32, #tpu.memory_space<hbm>>
    %dma_wait3A_881 = arith.constant 0 : i32
    %dma_wait3A_882 = arith.constant 0 : i32
    %dma_wait3A_883 = tpu.memref_slice %arg6[%dma_wait3A_869, %dma_wait3A_881, %dma_wait3A_882] : memref<6x128x128xf32, #tpu.memory_space<vmem>> -> memref<1x128x128xf32, #tpu.memory_space<vmem>>
    %dma_wait3A_884 = tpu.memref_squeeze %dma_wait3A_883 : memref<1x128x128xf32, #tpu.memory_space<vmem>> -> memref<128x128xf32, #tpu.memory_space<vmem>>
    tpu.wait_dma2 semaphore(%arg14 : memref<!tpu.dma_semaphore, #tpu.memory_space<semaphore_mem>>) src(%dma_wait3A_884 : memref<128x128xf32, #tpu.memory_space<vmem>>) dst(%dma_wait3A_880 : memref<128x128xf32, #tpu.memory_space<hbm>>)
    %dma_start3A_885 = arith.constant 19 : i32
    %dma_start3A_886 = arith.constant 1 : i32
    %dma_start3A_887 = arith.constant 0 : i32
    %dma_start3A_888 = arith.constant 0 : i32
    %dma_start3A_889 = tpu.memref_slice %arg6[%dma_start3A_886, %dma_start3A_887, %dma_start3A_888] : memref<6x128x128xf32, #tpu.memory_space<vmem>> -> memref<1x128x128xf32, #tpu.memory_space<vmem>>
    %dma_start3A_890 = tpu.memref_squeeze %dma_start3A_889 : memref<1x128x128xf32, #tpu.memory_space<vmem>> -> memref<128x128xf32, #tpu.memory_space<vmem>>
    %dma_start3A_891 = arith.constant 0 : i32
    %dma_start3A_892 = tpu.memref_slice %arg5[%dma_start3A_885, %dma_start3A_891] : memref<26x128xi32, #tpu.memory_space<vmem>> -> memref<1x128xi32, #tpu.memory_space<vmem>>
    %dma_start3A_893 = tpu.memref_squeeze %dma_start3A_892 : memref<1x128xi32, #tpu.memory_space<vmem>> -> memref<128xi32, #tpu.memory_space<vmem>>
    %dma_start3A_894 = arith.constant 0 : i32
    %dma_start3A_895 = arith.constant 0 : i32
    %dma_start3A_896 = tpu.memref_slice %arg3[%dma_start3A_894, %dma_start3A_895] : memref<100000x128xf32, #tpu.memory_space<hbm>> -> memref<100000x128xf32, #tpu.memory_space<hbm>>
    tpu.enqueue_indirect_dma source(%dma_start3A_896 : memref<100000x128xf32, #tpu.memory_space<hbm>>) target(%dma_start3A_890 : memref<128x128xf32, #tpu.memory_space<vmem>>) offsets(%dma_start3A_893 : memref<128xi32, #tpu.memory_space<vmem>>) semaphore(%arg8 : memref<!tpu.dma_semaphore, #tpu.memory_space<semaphore_mem>>)
    %dma_wait3A_897 = arith.constant 16 : i32
    %dma_wait3A_898 = arith.constant 4 : i32
    %dma_wait3A_899 = arith.constant 0 : i32
    %dma_wait3A_900 = arith.constant 0 : i32
    %dma_wait3A_901 = tpu.memref_slice %arg6[%dma_wait3A_898, %dma_wait3A_899, %dma_wait3A_900] : memref<6x128x128xf32, #tpu.memory_space<vmem>> -> memref<1x128x128xf32, #tpu.memory_space<vmem>>
    %dma_wait3A_902 = tpu.memref_squeeze %dma_wait3A_901 : memref<1x128x128xf32, #tpu.memory_space<vmem>> -> memref<128x128xf32, #tpu.memory_space<vmem>>
    %dma_wait3A_903 = arith.constant 0 : i32
    %dma_wait3A_904 = tpu.memref_slice %arg5[%dma_wait3A_897, %dma_wait3A_903] : memref<26x128xi32, #tpu.memory_space<vmem>> -> memref<1x128xi32, #tpu.memory_space<vmem>>
    %dma_wait3A_905 = tpu.memref_squeeze %dma_wait3A_904 : memref<1x128xi32, #tpu.memory_space<vmem>> -> memref<128xi32, #tpu.memory_space<vmem>>
    %dma_wait3A_906 = arith.constant 0 : i32
    %dma_wait3A_907 = arith.constant 0 : i32
    %dma_wait3A_908 = tpu.memref_slice %arg3[%dma_wait3A_906, %dma_wait3A_907] : memref<100000x128xf32, #tpu.memory_space<hbm>> -> memref<100000x128xf32, #tpu.memory_space<hbm>>
    tpu.wait_indirect_dma semaphore(%arg11 : memref<!tpu.dma_semaphore, #tpu.memory_space<semaphore_mem>>) src(%dma_wait3A_908 : memref<100000x128xf32, #tpu.memory_space<hbm>>) dst(%dma_wait3A_902 : memref<128x128xf32, #tpu.memory_space<vmem>>)
    %dma_start3A_909 = arith.constant 3 : i32
    %dma_start3A_910 = arith.constant 15 : i32
    %dma_start3A_911 = arith.constant 0 : i32
    %dma_start3A_912 = arith.constant 0 : i32
    %dma_start3A_913 = tpu.memref_slice %arg6[%dma_start3A_909, %dma_start3A_911, %dma_start3A_912] : memref<6x128x128xf32, #tpu.memory_space<vmem>> -> memref<1x128x128xf32, #tpu.memory_space<vmem>>
    %dma_start3A_914 = tpu.memref_squeeze %dma_start3A_913 : memref<1x128x128xf32, #tpu.memory_space<vmem>> -> memref<128x128xf32, #tpu.memory_space<vmem>>
    %dma_start3A_915 = arith.constant 0 : i32
    %dma_start3A_916 = tpu.memref_slice %arg4[%dma_start3A_910, %mul3A_2, %dma_start3A_915] : memref<26x4096x128xf32, #tpu.memory_space<hbm>> -> memref<1x128x128xf32, #tpu.memory_space<hbm>>
    %dma_start3A_917 = tpu.memref_squeeze %dma_start3A_916 : memref<1x128x128xf32, #tpu.memory_space<hbm>> -> memref<128x128xf32, #tpu.memory_space<hbm>>
    %dma_start3A_918 = arith.constant 0 : i32
    %dma_start3A_919 = tpu.memref_slice %arg4[%dma_start3A_910, %mul3A_2, %dma_start3A_918] : memref<26x4096x128xf32, #tpu.memory_space<hbm>> -> memref<1x128x128xf32, #tpu.memory_space<hbm>>
    %dma_start3A_920 = tpu.memref_squeeze %dma_start3A_919 : memref<1x128x128xf32, #tpu.memory_space<hbm>> -> memref<128x128xf32, #tpu.memory_space<hbm>>
    %dma_start3A_921 = arith.constant 0 : i32
    %dma_start3A_922 = arith.constant 0 : i32
    %dma_start3A_923 = tpu.memref_slice %arg6[%dma_start3A_909, %dma_start3A_921, %dma_start3A_922] : memref<6x128x128xf32, #tpu.memory_space<vmem>> -> memref<1x128x128xf32, #tpu.memory_space<vmem>>
    %dma_start3A_924 = tpu.memref_squeeze %dma_start3A_923 : memref<1x128x128xf32, #tpu.memory_space<vmem>> -> memref<128x128xf32, #tpu.memory_space<vmem>>
    tpu.enqueue_dma source(%dma_start3A_924 : memref<128x128xf32, #tpu.memory_space<vmem>>) target(%dma_start3A_920 : memref<128x128xf32, #tpu.memory_space<hbm>>) target_semaphore(%arg16 : memref<!tpu.dma_semaphore, #tpu.memory_space<semaphore_mem>>)
    %dma_wait3A_925 = arith.constant 2 : i32
    %dma_wait3A_926 = arith.constant 14 : i32
    %dma_wait3A_927 = arith.constant 0 : i32
    %dma_wait3A_928 = arith.constant 0 : i32
    %dma_wait3A_929 = tpu.memref_slice %arg6[%dma_wait3A_925, %dma_wait3A_927, %dma_wait3A_928] : memref<6x128x128xf32, #tpu.memory_space<vmem>> -> memref<1x128x128xf32, #tpu.memory_space<vmem>>
    %dma_wait3A_930 = tpu.memref_squeeze %dma_wait3A_929 : memref<1x128x128xf32, #tpu.memory_space<vmem>> -> memref<128x128xf32, #tpu.memory_space<vmem>>
    %dma_wait3A_931 = arith.constant 0 : i32
    %dma_wait3A_932 = tpu.memref_slice %arg4[%dma_wait3A_926, %mul3A_2, %dma_wait3A_931] : memref<26x4096x128xf32, #tpu.memory_space<hbm>> -> memref<1x128x128xf32, #tpu.memory_space<hbm>>
    %dma_wait3A_933 = tpu.memref_squeeze %dma_wait3A_932 : memref<1x128x128xf32, #tpu.memory_space<hbm>> -> memref<128x128xf32, #tpu.memory_space<hbm>>
    %dma_wait3A_934 = arith.constant 0 : i32
    %dma_wait3A_935 = tpu.memref_slice %arg4[%dma_wait3A_926, %mul3A_2, %dma_wait3A_934] : memref<26x4096x128xf32, #tpu.memory_space<hbm>> -> memref<1x128x128xf32, #tpu.memory_space<hbm>>
    %dma_wait3A_936 = tpu.memref_squeeze %dma_wait3A_935 : memref<1x128x128xf32, #tpu.memory_space<hbm>> -> memref<128x128xf32, #tpu.memory_space<hbm>>
    %dma_wait3A_937 = arith.constant 0 : i32
    %dma_wait3A_938 = arith.constant 0 : i32
    %dma_wait3A_939 = tpu.memref_slice %arg6[%dma_wait3A_925, %dma_wait3A_937, %dma_wait3A_938] : memref<6x128x128xf32, #tpu.memory_space<vmem>> -> memref<1x128x128xf32, #tpu.memory_space<vmem>>
    %dma_wait3A_940 = tpu.memref_squeeze %dma_wait3A_939 : memref<1x128x128xf32, #tpu.memory_space<vmem>> -> memref<128x128xf32, #tpu.memory_space<vmem>>
    tpu.wait_dma2 semaphore(%arg15 : memref<!tpu.dma_semaphore, #tpu.memory_space<semaphore_mem>>) src(%dma_wait3A_940 : memref<128x128xf32, #tpu.memory_space<vmem>>) dst(%dma_wait3A_936 : memref<128x128xf32, #tpu.memory_space<hbm>>)
    %dma_start3A_941 = arith.constant 20 : i32
    %dma_start3A_942 = arith.constant 2 : i32
    %dma_start3A_943 = arith.constant 0 : i32
    %dma_start3A_944 = arith.constant 0 : i32
    %dma_start3A_945 = tpu.memref_slice %arg6[%dma_start3A_942, %dma_start3A_943, %dma_start3A_944] : memref<6x128x128xf32, #tpu.memory_space<vmem>> -> memref<1x128x128xf32, #tpu.memory_space<vmem>>
    %dma_start3A_946 = tpu.memref_squeeze %dma_start3A_945 : memref<1x128x128xf32, #tpu.memory_space<vmem>> -> memref<128x128xf32, #tpu.memory_space<vmem>>
    %dma_start3A_947 = arith.constant 0 : i32
    %dma_start3A_948 = tpu.memref_slice %arg5[%dma_start3A_941, %dma_start3A_947] : memref<26x128xi32, #tpu.memory_space<vmem>> -> memref<1x128xi32, #tpu.memory_space<vmem>>
    %dma_start3A_949 = tpu.memref_squeeze %dma_start3A_948 : memref<1x128xi32, #tpu.memory_space<vmem>> -> memref<128xi32, #tpu.memory_space<vmem>>
    %dma_start3A_950 = arith.constant 0 : i32
    %dma_start3A_951 = arith.constant 0 : i32
    %dma_start3A_952 = tpu.memref_slice %arg3[%dma_start3A_950, %dma_start3A_951] : memref<100000x128xf32, #tpu.memory_space<hbm>> -> memref<100000x128xf32, #tpu.memory_space<hbm>>
    tpu.enqueue_indirect_dma source(%dma_start3A_952 : memref<100000x128xf32, #tpu.memory_space<hbm>>) target(%dma_start3A_946 : memref<128x128xf32, #tpu.memory_space<vmem>>) offsets(%dma_start3A_949 : memref<128xi32, #tpu.memory_space<vmem>>) semaphore(%arg9 : memref<!tpu.dma_semaphore, #tpu.memory_space<semaphore_mem>>)
    %dma_wait3A_953 = arith.constant 17 : i32
    %dma_wait3A_954 = arith.constant 5 : i32
    %dma_wait3A_955 = arith.constant 0 : i32
    %dma_wait3A_956 = arith.constant 0 : i32
    %dma_wait3A_957 = tpu.memref_slice %arg6[%dma_wait3A_954, %dma_wait3A_955, %dma_wait3A_956] : memref<6x128x128xf32, #tpu.memory_space<vmem>> -> memref<1x128x128xf32, #tpu.memory_space<vmem>>
    %dma_wait3A_958 = tpu.memref_squeeze %dma_wait3A_957 : memref<1x128x128xf32, #tpu.memory_space<vmem>> -> memref<128x128xf32, #tpu.memory_space<vmem>>
    %dma_wait3A_959 = arith.constant 0 : i32
    %dma_wait3A_960 = tpu.memref_slice %arg5[%dma_wait3A_953, %dma_wait3A_959] : memref<26x128xi32, #tpu.memory_space<vmem>> -> memref<1x128xi32, #tpu.memory_space<vmem>>
    %dma_wait3A_961 = tpu.memref_squeeze %dma_wait3A_960 : memref<1x128xi32, #tpu.memory_space<vmem>> -> memref<128xi32, #tpu.memory_space<vmem>>
    %dma_wait3A_962 = arith.constant 0 : i32
    %dma_wait3A_963 = arith.constant 0 : i32
    %dma_wait3A_964 = tpu.memref_slice %arg3[%dma_wait3A_962, %dma_wait3A_963] : memref<100000x128xf32, #tpu.memory_space<hbm>> -> memref<100000x128xf32, #tpu.memory_space<hbm>>
    tpu.wait_indirect_dma semaphore(%arg12 : memref<!tpu.dma_semaphore, #tpu.memory_space<semaphore_mem>>) src(%dma_wait3A_964 : memref<100000x128xf32, #tpu.memory_space<hbm>>) dst(%dma_wait3A_958 : memref<128x128xf32, #tpu.memory_space<vmem>>)
    %dma_start3A_965 = arith.constant 4 : i32
    %dma_start3A_966 = arith.constant 16 : i32
    %dma_start3A_967 = arith.constant 0 : i32
    %dma_start3A_968 = arith.constant 0 : i32
    %dma_start3A_969 = tpu.memref_slice %arg6[%dma_start3A_965, %dma_start3A_967, %dma_start3A_968] : memref<6x128x128xf32, #tpu.memory_space<vmem>> -> memref<1x128x128xf32, #tpu.memory_space<vmem>>
    %dma_start3A_970 = tpu.memref_squeeze %dma_start3A_969 : memref<1x128x128xf32, #tpu.memory_space<vmem>> -> memref<128x128xf32, #tpu.memory_space<vmem>>
    %dma_start3A_971 = arith.constant 0 : i32
    %dma_start3A_972 = tpu.memref_slice %arg4[%dma_start3A_966, %mul3A_2, %dma_start3A_971] : memref<26x4096x128xf32, #tpu.memory_space<hbm>> -> memref<1x128x128xf32, #tpu.memory_space<hbm>>
    %dma_start3A_973 = tpu.memref_squeeze %dma_start3A_972 : memref<1x128x128xf32, #tpu.memory_space<hbm>> -> memref<128x128xf32, #tpu.memory_space<hbm>>
    %dma_start3A_974 = arith.constant 0 : i32
    %dma_start3A_975 = tpu.memref_slice %arg4[%dma_start3A_966, %mul3A_2, %dma_start3A_974] : memref<26x4096x128xf32, #tpu.memory_space<hbm>> -> memref<1x128x128xf32, #tpu.memory_space<hbm>>
    %dma_start3A_976 = tpu.memref_squeeze %dma_start3A_975 : memref<1x128x128xf32, #tpu.memory_space<hbm>> -> memref<128x128xf32, #tpu.memory_space<hbm>>
    %dma_start3A_977 = arith.constant 0 : i32
    %dma_start3A_978 = arith.constant 0 : i32
    %dma_start3A_979 = tpu.memref_slice %arg6[%dma_start3A_965, %dma_start3A_977, %dma_start3A_978] : memref<6x128x128xf32, #tpu.memory_space<vmem>> -> memref<1x128x128xf32, #tpu.memory_space<vmem>>
    %dma_start3A_980 = tpu.memref_squeeze %dma_start3A_979 : memref<1x128x128xf32, #tpu.memory_space<vmem>> -> memref<128x128xf32, #tpu.memory_space<vmem>>
    tpu.enqueue_dma source(%dma_start3A_980 : memref<128x128xf32, #tpu.memory_space<vmem>>) target(%dma_start3A_976 : memref<128x128xf32, #tpu.memory_space<hbm>>) target_semaphore(%arg17 : memref<!tpu.dma_semaphore, #tpu.memory_space<semaphore_mem>>)
    %dma_wait3A_981 = arith.constant 3 : i32
    %dma_wait3A_982 = arith.constant 15 : i32
    %dma_wait3A_983 = arith.constant 0 : i32
    %dma_wait3A_984 = arith.constant 0 : i32
    %dma_wait3A_985 = tpu.memref_slice %arg6[%dma_wait3A_981, %dma_wait3A_983, %dma_wait3A_984] : memref<6x128x128xf32, #tpu.memory_space<vmem>> -> memref<1x128x128xf32, #tpu.memory_space<vmem>>
    %dma_wait3A_986 = tpu.memref_squeeze %dma_wait3A_985 : memref<1x128x128xf32, #tpu.memory_space<vmem>> -> memref<128x128xf32, #tpu.memory_space<vmem>>
    %dma_wait3A_987 = arith.constant 0 : i32
    %dma_wait3A_988 = tpu.memref_slice %arg4[%dma_wait3A_982, %mul3A_2, %dma_wait3A_987] : memref<26x4096x128xf32, #tpu.memory_space<hbm>> -> memref<1x128x128xf32, #tpu.memory_space<hbm>>
    %dma_wait3A_989 = tpu.memref_squeeze %dma_wait3A_988 : memref<1x128x128xf32, #tpu.memory_space<hbm>> -> memref<128x128xf32, #tpu.memory_space<hbm>>
    %dma_wait3A_990 = arith.constant 0 : i32
    %dma_wait3A_991 = tpu.memref_slice %arg4[%dma_wait3A_982, %mul3A_2, %dma_wait3A_990] : memref<26x4096x128xf32, #tpu.memory_space<hbm>> -> memref<1x128x128xf32, #tpu.memory_space<hbm>>
    %dma_wait3A_992 = tpu.memref_squeeze %dma_wait3A_991 : memref<1x128x128xf32, #tpu.memory_space<hbm>> -> memref<128x128xf32, #tpu.memory_space<hbm>>
    %dma_wait3A_993 = arith.constant 0 : i32
    %dma_wait3A_994 = arith.constant 0 : i32
    %dma_wait3A_995 = tpu.memref_slice %arg6[%dma_wait3A_981, %dma_wait3A_993, %dma_wait3A_994] : memref<6x128x128xf32, #tpu.memory_space<vmem>> -> memref<1x128x128xf32, #tpu.memory_space<vmem>>
    %dma_wait3A_996 = tpu.memref_squeeze %dma_wait3A_995 : memref<1x128x128xf32, #tpu.memory_space<vmem>> -> memref<128x128xf32, #tpu.memory_space<vmem>>
    tpu.wait_dma2 semaphore(%arg16 : memref<!tpu.dma_semaphore, #tpu.memory_space<semaphore_mem>>) src(%dma_wait3A_996 : memref<128x128xf32, #tpu.memory_space<vmem>>) dst(%dma_wait3A_992 : memref<128x128xf32, #tpu.memory_space<hbm>>)
    %dma_start3A_997 = arith.constant 21 : i32
    %dma_start3A_998 = arith.constant 3 : i32
    %dma_start3A_999 = arith.constant 0 : i32
    %dma_start3A_1000 = arith.constant 0 : i32
    %dma_start3A_1001 = tpu.memref_slice %arg6[%dma_start3A_998, %dma_start3A_999, %dma_start3A_1000] : memref<6x128x128xf32, #tpu.memory_space<vmem>> -> memref<1x128x128xf32, #tpu.memory_space<vmem>>
    %dma_start3A_1002 = tpu.memref_squeeze %dma_start3A_1001 : memref<1x128x128xf32, #tpu.memory_space<vmem>> -> memref<128x128xf32, #tpu.memory_space<vmem>>
    %dma_start3A_1003 = arith.constant 0 : i32
    %dma_start3A_1004 = tpu.memref_slice %arg5[%dma_start3A_997, %dma_start3A_1003] : memref<26x128xi32, #tpu.memory_space<vmem>> -> memref<1x128xi32, #tpu.memory_space<vmem>>
    %dma_start3A_1005 = tpu.memref_squeeze %dma_start3A_1004 : memref<1x128xi32, #tpu.memory_space<vmem>> -> memref<128xi32, #tpu.memory_space<vmem>>
    %dma_start3A_1006 = arith.constant 0 : i32
    %dma_start3A_1007 = arith.constant 0 : i32
    %dma_start3A_1008 = tpu.memref_slice %arg3[%dma_start3A_1006, %dma_start3A_1007] : memref<100000x128xf32, #tpu.memory_space<hbm>> -> memref<100000x128xf32, #tpu.memory_space<hbm>>
    tpu.enqueue_indirect_dma source(%dma_start3A_1008 : memref<100000x128xf32, #tpu.memory_space<hbm>>) target(%dma_start3A_1002 : memref<128x128xf32, #tpu.memory_space<vmem>>) offsets(%dma_start3A_1005 : memref<128xi32, #tpu.memory_space<vmem>>) semaphore(%arg10 : memref<!tpu.dma_semaphore, #tpu.memory_space<semaphore_mem>>)
    %dma_wait3A_1009 = arith.constant 18 : i32
    %dma_wait3A_1010 = arith.constant 0 : i32
    %dma_wait3A_1011 = arith.constant 0 : i32
    %dma_wait3A_1012 = arith.constant 0 : i32
    %dma_wait3A_1013 = tpu.memref_slice %arg6[%dma_wait3A_1010, %dma_wait3A_1011, %dma_wait3A_1012] : memref<6x128x128xf32, #tpu.memory_space<vmem>> -> memref<1x128x128xf32, #tpu.memory_space<vmem>>
    %dma_wait3A_1014 = tpu.memref_squeeze %dma_wait3A_1013 : memref<1x128x128xf32, #tpu.memory_space<vmem>> -> memref<128x128xf32, #tpu.memory_space<vmem>>
    %dma_wait3A_1015 = arith.constant 0 : i32
    %dma_wait3A_1016 = tpu.memref_slice %arg5[%dma_wait3A_1009, %dma_wait3A_1015] : memref<26x128xi32, #tpu.memory_space<vmem>> -> memref<1x128xi32, #tpu.memory_space<vmem>>
    %dma_wait3A_1017 = tpu.memref_squeeze %dma_wait3A_1016 : memref<1x128xi32, #tpu.memory_space<vmem>> -> memref<128xi32, #tpu.memory_space<vmem>>
    %dma_wait3A_1018 = arith.constant 0 : i32
    %dma_wait3A_1019 = arith.constant 0 : i32
    %dma_wait3A_1020 = tpu.memref_slice %arg3[%dma_wait3A_1018, %dma_wait3A_1019] : memref<100000x128xf32, #tpu.memory_space<hbm>> -> memref<100000x128xf32, #tpu.memory_space<hbm>>
    tpu.wait_indirect_dma semaphore(%arg7 : memref<!tpu.dma_semaphore, #tpu.memory_space<semaphore_mem>>) src(%dma_wait3A_1020 : memref<100000x128xf32, #tpu.memory_space<hbm>>) dst(%dma_wait3A_1014 : memref<128x128xf32, #tpu.memory_space<vmem>>)
    %dma_start3A_1021 = arith.constant 5 : i32
    %dma_start3A_1022 = arith.constant 17 : i32
    %dma_start3A_1023 = arith.constant 0 : i32
    %dma_start3A_1024 = arith.constant 0 : i32
    %dma_start3A_1025 = tpu.memref_slice %arg6[%dma_start3A_1021, %dma_start3A_1023, %dma_start3A_1024] : memref<6x128x128xf32, #tpu.memory_space<vmem>> -> memref<1x128x128xf32, #tpu.memory_space<vmem>>
    %dma_start3A_1026 = tpu.memref_squeeze %dma_start3A_1025 : memref<1x128x128xf32, #tpu.memory_space<vmem>> -> memref<128x128xf32, #tpu.memory_space<vmem>>
    %dma_start3A_1027 = arith.constant 0 : i32
    %dma_start3A_1028 = tpu.memref_slice %arg4[%dma_start3A_1022, %mul3A_2, %dma_start3A_1027] : memref<26x4096x128xf32, #tpu.memory_space<hbm>> -> memref<1x128x128xf32, #tpu.memory_space<hbm>>
    %dma_start3A_1029 = tpu.memref_squeeze %dma_start3A_1028 : memref<1x128x128xf32, #tpu.memory_space<hbm>> -> memref<128x128xf32, #tpu.memory_space<hbm>>
    %dma_start3A_1030 = arith.constant 0 : i32
    %dma_start3A_1031 = tpu.memref_slice %arg4[%dma_start3A_1022, %mul3A_2, %dma_start3A_1030] : memref<26x4096x128xf32, #tpu.memory_space<hbm>> -> memref<1x128x128xf32, #tpu.memory_space<hbm>>
    %dma_start3A_1032 = tpu.memref_squeeze %dma_start3A_1031 : memref<1x128x128xf32, #tpu.memory_space<hbm>> -> memref<128x128xf32, #tpu.memory_space<hbm>>
    %dma_start3A_1033 = arith.constant 0 : i32
    %dma_start3A_1034 = arith.constant 0 : i32
    %dma_start3A_1035 = tpu.memref_slice %arg6[%dma_start3A_1021, %dma_start3A_1033, %dma_start3A_1034] : memref<6x128x128xf32, #tpu.memory_space<vmem>> -> memref<1x128x128xf32, #tpu.memory_space<vmem>>
    %dma_start3A_1036 = tpu.memref_squeeze %dma_start3A_1035 : memref<1x128x128xf32, #tpu.memory_space<vmem>> -> memref<128x128xf32, #tpu.memory_space<vmem>>
    tpu.enqueue_dma source(%dma_start3A_1036 : memref<128x128xf32, #tpu.memory_space<vmem>>) target(%dma_start3A_1032 : memref<128x128xf32, #tpu.memory_space<hbm>>) target_semaphore(%arg18 : memref<!tpu.dma_semaphore, #tpu.memory_space<semaphore_mem>>)
    %dma_wait3A_1037 = arith.constant 4 : i32
    %dma_wait3A_1038 = arith.constant 16 : i32
    %dma_wait3A_1039 = arith.constant 0 : i32
    %dma_wait3A_1040 = arith.constant 0 : i32
    %dma_wait3A_1041 = tpu.memref_slice %arg6[%dma_wait3A_1037, %dma_wait3A_1039, %dma_wait3A_1040] : memref<6x128x128xf32, #tpu.memory_space<vmem>> -> memref<1x128x128xf32, #tpu.memory_space<vmem>>
    %dma_wait3A_1042 = tpu.memref_squeeze %dma_wait3A_1041 : memref<1x128x128xf32, #tpu.memory_space<vmem>> -> memref<128x128xf32, #tpu.memory_space<vmem>>
    %dma_wait3A_1043 = arith.constant 0 : i32
    %dma_wait3A_1044 = tpu.memref_slice %arg4[%dma_wait3A_1038, %mul3A_2, %dma_wait3A_1043] : memref<26x4096x128xf32, #tpu.memory_space<hbm>> -> memref<1x128x128xf32, #tpu.memory_space<hbm>>
    %dma_wait3A_1045 = tpu.memref_squeeze %dma_wait3A_1044 : memref<1x128x128xf32, #tpu.memory_space<hbm>> -> memref<128x128xf32, #tpu.memory_space<hbm>>
    %dma_wait3A_1046 = arith.constant 0 : i32
    %dma_wait3A_1047 = tpu.memref_slice %arg4[%dma_wait3A_1038, %mul3A_2, %dma_wait3A_1046] : memref<26x4096x128xf32, #tpu.memory_space<hbm>> -> memref<1x128x128xf32, #tpu.memory_space<hbm>>
    %dma_wait3A_1048 = tpu.memref_squeeze %dma_wait3A_1047 : memref<1x128x128xf32, #tpu.memory_space<hbm>> -> memref<128x128xf32, #tpu.memory_space<hbm>>
    %dma_wait3A_1049 = arith.constant 0 : i32
    %dma_wait3A_1050 = arith.constant 0 : i32
    %dma_wait3A_1051 = tpu.memref_slice %arg6[%dma_wait3A_1037, %dma_wait3A_1049, %dma_wait3A_1050] : memref<6x128x128xf32, #tpu.memory_space<vmem>> -> memref<1x128x128xf32, #tpu.memory_space<vmem>>
    %dma_wait3A_1052 = tpu.memref_squeeze %dma_wait3A_1051 : memref<1x128x128xf32, #tpu.memory_space<vmem>> -> memref<128x128xf32, #tpu.memory_space<vmem>>
    tpu.wait_dma2 semaphore(%arg17 : memref<!tpu.dma_semaphore, #tpu.memory_space<semaphore_mem>>) src(%dma_wait3A_1052 : memref<128x128xf32, #tpu.memory_space<vmem>>) dst(%dma_wait3A_1048 : memref<128x128xf32, #tpu.memory_space<hbm>>)
    %dma_start3A_1053 = arith.constant 22 : i32
    %dma_start3A_1054 = arith.constant 4 : i32
    %dma_start3A_1055 = arith.constant 0 : i32
    %dma_start3A_1056 = arith.constant 0 : i32
    %dma_start3A_1057 = tpu.memref_slice %arg6[%dma_start3A_1054, %dma_start3A_1055, %dma_start3A_1056] : memref<6x128x128xf32, #tpu.memory_space<vmem>> -> memref<1x128x128xf32, #tpu.memory_space<vmem>>
    %dma_start3A_1058 = tpu.memref_squeeze %dma_start3A_1057 : memref<1x128x128xf32, #tpu.memory_space<vmem>> -> memref<128x128xf32, #tpu.memory_space<vmem>>
    %dma_start3A_1059 = arith.constant 0 : i32
    %dma_start3A_1060 = tpu.memref_slice %arg5[%dma_start3A_1053, %dma_start3A_1059] : memref<26x128xi32, #tpu.memory_space<vmem>> -> memref<1x128xi32, #tpu.memory_space<vmem>>
    %dma_start3A_1061 = tpu.memref_squeeze %dma_start3A_1060 : memref<1x128xi32, #tpu.memory_space<vmem>> -> memref<128xi32, #tpu.memory_space<vmem>>
    %dma_start3A_1062 = arith.constant 0 : i32
    %dma_start3A_1063 = arith.constant 0 : i32
    %dma_start3A_1064 = tpu.memref_slice %arg3[%dma_start3A_1062, %dma_start3A_1063] : memref<100000x128xf32, #tpu.memory_space<hbm>> -> memref<100000x128xf32, #tpu.memory_space<hbm>>
    tpu.enqueue_indirect_dma source(%dma_start3A_1064 : memref<100000x128xf32, #tpu.memory_space<hbm>>) target(%dma_start3A_1058 : memref<128x128xf32, #tpu.memory_space<vmem>>) offsets(%dma_start3A_1061 : memref<128xi32, #tpu.memory_space<vmem>>) semaphore(%arg11 : memref<!tpu.dma_semaphore, #tpu.memory_space<semaphore_mem>>)
    %dma_wait3A_1065 = arith.constant 19 : i32
    %dma_wait3A_1066 = arith.constant 1 : i32
    %dma_wait3A_1067 = arith.constant 0 : i32
    %dma_wait3A_1068 = arith.constant 0 : i32
    %dma_wait3A_1069 = tpu.memref_slice %arg6[%dma_wait3A_1066, %dma_wait3A_1067, %dma_wait3A_1068] : memref<6x128x128xf32, #tpu.memory_space<vmem>> -> memref<1x128x128xf32, #tpu.memory_space<vmem>>
    %dma_wait3A_1070 = tpu.memref_squeeze %dma_wait3A_1069 : memref<1x128x128xf32, #tpu.memory_space<vmem>> -> memref<128x128xf32, #tpu.memory_space<vmem>>
    %dma_wait3A_1071 = arith.constant 0 : i32
    %dma_wait3A_1072 = tpu.memref_slice %arg5[%dma_wait3A_1065, %dma_wait3A_1071] : memref<26x128xi32, #tpu.memory_space<vmem>> -> memref<1x128xi32, #tpu.memory_space<vmem>>
    %dma_wait3A_1073 = tpu.memref_squeeze %dma_wait3A_1072 : memref<1x128xi32, #tpu.memory_space<vmem>> -> memref<128xi32, #tpu.memory_space<vmem>>
    %dma_wait3A_1074 = arith.constant 0 : i32
    %dma_wait3A_1075 = arith.constant 0 : i32
    %dma_wait3A_1076 = tpu.memref_slice %arg3[%dma_wait3A_1074, %dma_wait3A_1075] : memref<100000x128xf32, #tpu.memory_space<hbm>> -> memref<100000x128xf32, #tpu.memory_space<hbm>>
    tpu.wait_indirect_dma semaphore(%arg8 : memref<!tpu.dma_semaphore, #tpu.memory_space<semaphore_mem>>) src(%dma_wait3A_1076 : memref<100000x128xf32, #tpu.memory_space<hbm>>) dst(%dma_wait3A_1070 : memref<128x128xf32, #tpu.memory_space<vmem>>)
    %dma_start3A_1077 = arith.constant 0 : i32
    %dma_start3A_1078 = arith.constant 18 : i32
    %dma_start3A_1079 = arith.constant 0 : i32
    %dma_start3A_1080 = arith.constant 0 : i32
    %dma_start3A_1081 = tpu.memref_slice %arg6[%dma_start3A_1077, %dma_start3A_1079, %dma_start3A_1080] : memref<6x128x128xf32, #tpu.memory_space<vmem>> -> memref<1x128x128xf32, #tpu.memory_space<vmem>>
    %dma_start3A_1082 = tpu.memref_squeeze %dma_start3A_1081 : memref<1x128x128xf32, #tpu.memory_space<vmem>> -> memref<128x128xf32, #tpu.memory_space<vmem>>
    %dma_start3A_1083 = arith.constant 0 : i32
    %dma_start3A_1084 = tpu.memref_slice %arg4[%dma_start3A_1078, %mul3A_2, %dma_start3A_1083] : memref<26x4096x128xf32, #tpu.memory_space<hbm>> -> memref<1x128x128xf32, #tpu.memory_space<hbm>>
    %dma_start3A_1085 = tpu.memref_squeeze %dma_start3A_1084 : memref<1x128x128xf32, #tpu.memory_space<hbm>> -> memref<128x128xf32, #tpu.memory_space<hbm>>
    %dma_start3A_1086 = arith.constant 0 : i32
    %dma_start3A_1087 = tpu.memref_slice %arg4[%dma_start3A_1078, %mul3A_2, %dma_start3A_1086] : memref<26x4096x128xf32, #tpu.memory_space<hbm>> -> memref<1x128x128xf32, #tpu.memory_space<hbm>>
    %dma_start3A_1088 = tpu.memref_squeeze %dma_start3A_1087 : memref<1x128x128xf32, #tpu.memory_space<hbm>> -> memref<128x128xf32, #tpu.memory_space<hbm>>
    %dma_start3A_1089 = arith.constant 0 : i32
    %dma_start3A_1090 = arith.constant 0 : i32
    %dma_start3A_1091 = tpu.memref_slice %arg6[%dma_start3A_1077, %dma_start3A_1089, %dma_start3A_1090] : memref<6x128x128xf32, #tpu.memory_space<vmem>> -> memref<1x128x128xf32, #tpu.memory_space<vmem>>
    %dma_start3A_1092 = tpu.memref_squeeze %dma_start3A_1091 : memref<1x128x128xf32, #tpu.memory_space<vmem>> -> memref<128x128xf32, #tpu.memory_space<vmem>>
    tpu.enqueue_dma source(%dma_start3A_1092 : memref<128x128xf32, #tpu.memory_space<vmem>>) target(%dma_start3A_1088 : memref<128x128xf32, #tpu.memory_space<hbm>>) target_semaphore(%arg13 : memref<!tpu.dma_semaphore, #tpu.memory_space<semaphore_mem>>)
    %dma_wait3A_1093 = arith.constant 5 : i32
    %dma_wait3A_1094 = arith.constant 17 : i32
    %dma_wait3A_1095 = arith.constant 0 : i32
    %dma_wait3A_1096 = arith.constant 0 : i32
    %dma_wait3A_1097 = tpu.memref_slice %arg6[%dma_wait3A_1093, %dma_wait3A_1095, %dma_wait3A_1096] : memref<6x128x128xf32, #tpu.memory_space<vmem>> -> memref<1x128x128xf32, #tpu.memory_space<vmem>>
    %dma_wait3A_1098 = tpu.memref_squeeze %dma_wait3A_1097 : memref<1x128x128xf32, #tpu.memory_space<vmem>> -> memref<128x128xf32, #tpu.memory_space<vmem>>
    %dma_wait3A_1099 = arith.constant 0 : i32
    %dma_wait3A_1100 = tpu.memref_slice %arg4[%dma_wait3A_1094, %mul3A_2, %dma_wait3A_1099] : memref<26x4096x128xf32, #tpu.memory_space<hbm>> -> memref<1x128x128xf32, #tpu.memory_space<hbm>>
    %dma_wait3A_1101 = tpu.memref_squeeze %dma_wait3A_1100 : memref<1x128x128xf32, #tpu.memory_space<hbm>> -> memref<128x128xf32, #tpu.memory_space<hbm>>
    %dma_wait3A_1102 = arith.constant 0 : i32
    %dma_wait3A_1103 = tpu.memref_slice %arg4[%dma_wait3A_1094, %mul3A_2, %dma_wait3A_1102] : memref<26x4096x128xf32, #tpu.memory_space<hbm>> -> memref<1x128x128xf32, #tpu.memory_space<hbm>>
    %dma_wait3A_1104 = tpu.memref_squeeze %dma_wait3A_1103 : memref<1x128x128xf32, #tpu.memory_space<hbm>> -> memref<128x128xf32, #tpu.memory_space<hbm>>
    %dma_wait3A_1105 = arith.constant 0 : i32
    %dma_wait3A_1106 = arith.constant 0 : i32
    %dma_wait3A_1107 = tpu.memref_slice %arg6[%dma_wait3A_1093, %dma_wait3A_1105, %dma_wait3A_1106] : memref<6x128x128xf32, #tpu.memory_space<vmem>> -> memref<1x128x128xf32, #tpu.memory_space<vmem>>
    %dma_wait3A_1108 = tpu.memref_squeeze %dma_wait3A_1107 : memref<1x128x128xf32, #tpu.memory_space<vmem>> -> memref<128x128xf32, #tpu.memory_space<vmem>>
    tpu.wait_dma2 semaphore(%arg18 : memref<!tpu.dma_semaphore, #tpu.memory_space<semaphore_mem>>) src(%dma_wait3A_1108 : memref<128x128xf32, #tpu.memory_space<vmem>>) dst(%dma_wait3A_1104 : memref<128x128xf32, #tpu.memory_space<hbm>>)
    %dma_start3A_1109 = arith.constant 23 : i32
    %dma_start3A_1110 = arith.constant 5 : i32
    %dma_start3A_1111 = arith.constant 0 : i32
    %dma_start3A_1112 = arith.constant 0 : i32
    %dma_start3A_1113 = tpu.memref_slice %arg6[%dma_start3A_1110, %dma_start3A_1111, %dma_start3A_1112] : memref<6x128x128xf32, #tpu.memory_space<vmem>> -> memref<1x128x128xf32, #tpu.memory_space<vmem>>
    %dma_start3A_1114 = tpu.memref_squeeze %dma_start3A_1113 : memref<1x128x128xf32, #tpu.memory_space<vmem>> -> memref<128x128xf32, #tpu.memory_space<vmem>>
    %dma_start3A_1115 = arith.constant 0 : i32
    %dma_start3A_1116 = tpu.memref_slice %arg5[%dma_start3A_1109, %dma_start3A_1115] : memref<26x128xi32, #tpu.memory_space<vmem>> -> memref<1x128xi32, #tpu.memory_space<vmem>>
    %dma_start3A_1117 = tpu.memref_squeeze %dma_start3A_1116 : memref<1x128xi32, #tpu.memory_space<vmem>> -> memref<128xi32, #tpu.memory_space<vmem>>
    %dma_start3A_1118 = arith.constant 0 : i32
    %dma_start3A_1119 = arith.constant 0 : i32
    %dma_start3A_1120 = tpu.memref_slice %arg3[%dma_start3A_1118, %dma_start3A_1119] : memref<100000x128xf32, #tpu.memory_space<hbm>> -> memref<100000x128xf32, #tpu.memory_space<hbm>>
    tpu.enqueue_indirect_dma source(%dma_start3A_1120 : memref<100000x128xf32, #tpu.memory_space<hbm>>) target(%dma_start3A_1114 : memref<128x128xf32, #tpu.memory_space<vmem>>) offsets(%dma_start3A_1117 : memref<128xi32, #tpu.memory_space<vmem>>) semaphore(%arg12 : memref<!tpu.dma_semaphore, #tpu.memory_space<semaphore_mem>>)
    %dma_wait3A_1121 = arith.constant 20 : i32
    %dma_wait3A_1122 = arith.constant 2 : i32
    %dma_wait3A_1123 = arith.constant 0 : i32
    %dma_wait3A_1124 = arith.constant 0 : i32
    %dma_wait3A_1125 = tpu.memref_slice %arg6[%dma_wait3A_1122, %dma_wait3A_1123, %dma_wait3A_1124] : memref<6x128x128xf32, #tpu.memory_space<vmem>> -> memref<1x128x128xf32, #tpu.memory_space<vmem>>
    %dma_wait3A_1126 = tpu.memref_squeeze %dma_wait3A_1125 : memref<1x128x128xf32, #tpu.memory_space<vmem>> -> memref<128x128xf32, #tpu.memory_space<vmem>>
    %dma_wait3A_1127 = arith.constant 0 : i32
    %dma_wait3A_1128 = tpu.memref_slice %arg5[%dma_wait3A_1121, %dma_wait3A_1127] : memref<26x128xi32, #tpu.memory_space<vmem>> -> memref<1x128xi32, #tpu.memory_space<vmem>>
    %dma_wait3A_1129 = tpu.memref_squeeze %dma_wait3A_1128 : memref<1x128xi32, #tpu.memory_space<vmem>> -> memref<128xi32, #tpu.memory_space<vmem>>
    %dma_wait3A_1130 = arith.constant 0 : i32
    %dma_wait3A_1131 = arith.constant 0 : i32
    %dma_wait3A_1132 = tpu.memref_slice %arg3[%dma_wait3A_1130, %dma_wait3A_1131] : memref<100000x128xf32, #tpu.memory_space<hbm>> -> memref<100000x128xf32, #tpu.memory_space<hbm>>
    tpu.wait_indirect_dma semaphore(%arg9 : memref<!tpu.dma_semaphore, #tpu.memory_space<semaphore_mem>>) src(%dma_wait3A_1132 : memref<100000x128xf32, #tpu.memory_space<hbm>>) dst(%dma_wait3A_1126 : memref<128x128xf32, #tpu.memory_space<vmem>>)
    %dma_start3A_1133 = arith.constant 1 : i32
    %dma_start3A_1134 = arith.constant 19 : i32
    %dma_start3A_1135 = arith.constant 0 : i32
    %dma_start3A_1136 = arith.constant 0 : i32
    %dma_start3A_1137 = tpu.memref_slice %arg6[%dma_start3A_1133, %dma_start3A_1135, %dma_start3A_1136] : memref<6x128x128xf32, #tpu.memory_space<vmem>> -> memref<1x128x128xf32, #tpu.memory_space<vmem>>
    %dma_start3A_1138 = tpu.memref_squeeze %dma_start3A_1137 : memref<1x128x128xf32, #tpu.memory_space<vmem>> -> memref<128x128xf32, #tpu.memory_space<vmem>>
    %dma_start3A_1139 = arith.constant 0 : i32
    %dma_start3A_1140 = tpu.memref_slice %arg4[%dma_start3A_1134, %mul3A_2, %dma_start3A_1139] : memref<26x4096x128xf32, #tpu.memory_space<hbm>> -> memref<1x128x128xf32, #tpu.memory_space<hbm>>
    %dma_start3A_1141 = tpu.memref_squeeze %dma_start3A_1140 : memref<1x128x128xf32, #tpu.memory_space<hbm>> -> memref<128x128xf32, #tpu.memory_space<hbm>>
    %dma_start3A_1142 = arith.constant 0 : i32
    %dma_start3A_1143 = tpu.memref_slice %arg4[%dma_start3A_1134, %mul3A_2, %dma_start3A_1142] : memref<26x4096x128xf32, #tpu.memory_space<hbm>> -> memref<1x128x128xf32, #tpu.memory_space<hbm>>
    %dma_start3A_1144 = tpu.memref_squeeze %dma_start3A_1143 : memref<1x128x128xf32, #tpu.memory_space<hbm>> -> memref<128x128xf32, #tpu.memory_space<hbm>>
    %dma_start3A_1145 = arith.constant 0 : i32
    %dma_start3A_1146 = arith.constant 0 : i32
    %dma_start3A_1147 = tpu.memref_slice %arg6[%dma_start3A_1133, %dma_start3A_1145, %dma_start3A_1146] : memref<6x128x128xf32, #tpu.memory_space<vmem>> -> memref<1x128x128xf32, #tpu.memory_space<vmem>>
    %dma_start3A_1148 = tpu.memref_squeeze %dma_start3A_1147 : memref<1x128x128xf32, #tpu.memory_space<vmem>> -> memref<128x128xf32, #tpu.memory_space<vmem>>
    tpu.enqueue_dma source(%dma_start3A_1148 : memref<128x128xf32, #tpu.memory_space<vmem>>) target(%dma_start3A_1144 : memref<128x128xf32, #tpu.memory_space<hbm>>) target_semaphore(%arg14 : memref<!tpu.dma_semaphore, #tpu.memory_space<semaphore_mem>>)
    %dma_wait3A_1149 = arith.constant 0 : i32
    %dma_wait3A_1150 = arith.constant 18 : i32
    %dma_wait3A_1151 = arith.constant 0 : i32
    %dma_wait3A_1152 = arith.constant 0 : i32
    %dma_wait3A_1153 = tpu.memref_slice %arg6[%dma_wait3A_1149, %dma_wait3A_1151, %dma_wait3A_1152] : memref<6x128x128xf32, #tpu.memory_space<vmem>> -> memref<1x128x128xf32, #tpu.memory_space<vmem>>
    %dma_wait3A_1154 = tpu.memref_squeeze %dma_wait3A_1153 : memref<1x128x128xf32, #tpu.memory_space<vmem>> -> memref<128x128xf32, #tpu.memory_space<vmem>>
    %dma_wait3A_1155 = arith.constant 0 : i32
    %dma_wait3A_1156 = tpu.memref_slice %arg4[%dma_wait3A_1150, %mul3A_2, %dma_wait3A_1155] : memref<26x4096x128xf32, #tpu.memory_space<hbm>> -> memref<1x128x128xf32, #tpu.memory_space<hbm>>
    %dma_wait3A_1157 = tpu.memref_squeeze %dma_wait3A_1156 : memref<1x128x128xf32, #tpu.memory_space<hbm>> -> memref<128x128xf32, #tpu.memory_space<hbm>>
    %dma_wait3A_1158 = arith.constant 0 : i32
    %dma_wait3A_1159 = tpu.memref_slice %arg4[%dma_wait3A_1150, %mul3A_2, %dma_wait3A_1158] : memref<26x4096x128xf32, #tpu.memory_space<hbm>> -> memref<1x128x128xf32, #tpu.memory_space<hbm>>
    %dma_wait3A_1160 = tpu.memref_squeeze %dma_wait3A_1159 : memref<1x128x128xf32, #tpu.memory_space<hbm>> -> memref<128x128xf32, #tpu.memory_space<hbm>>
    %dma_wait3A_1161 = arith.constant 0 : i32
    %dma_wait3A_1162 = arith.constant 0 : i32
    %dma_wait3A_1163 = tpu.memref_slice %arg6[%dma_wait3A_1149, %dma_wait3A_1161, %dma_wait3A_1162] : memref<6x128x128xf32, #tpu.memory_space<vmem>> -> memref<1x128x128xf32, #tpu.memory_space<vmem>>
    %dma_wait3A_1164 = tpu.memref_squeeze %dma_wait3A_1163 : memref<1x128x128xf32, #tpu.memory_space<vmem>> -> memref<128x128xf32, #tpu.memory_space<vmem>>
    tpu.wait_dma2 semaphore(%arg13 : memref<!tpu.dma_semaphore, #tpu.memory_space<semaphore_mem>>) src(%dma_wait3A_1164 : memref<128x128xf32, #tpu.memory_space<vmem>>) dst(%dma_wait3A_1160 : memref<128x128xf32, #tpu.memory_space<hbm>>)
    %dma_start3A_1165 = arith.constant 24 : i32
    %dma_start3A_1166 = arith.constant 0 : i32
    %dma_start3A_1167 = arith.constant 0 : i32
    %dma_start3A_1168 = arith.constant 0 : i32
    %dma_start3A_1169 = tpu.memref_slice %arg6[%dma_start3A_1166, %dma_start3A_1167, %dma_start3A_1168] : memref<6x128x128xf32, #tpu.memory_space<vmem>> -> memref<1x128x128xf32, #tpu.memory_space<vmem>>
    %dma_start3A_1170 = tpu.memref_squeeze %dma_start3A_1169 : memref<1x128x128xf32, #tpu.memory_space<vmem>> -> memref<128x128xf32, #tpu.memory_space<vmem>>
    %dma_start3A_1171 = arith.constant 0 : i32
    %dma_start3A_1172 = tpu.memref_slice %arg5[%dma_start3A_1165, %dma_start3A_1171] : memref<26x128xi32, #tpu.memory_space<vmem>> -> memref<1x128xi32, #tpu.memory_space<vmem>>
    %dma_start3A_1173 = tpu.memref_squeeze %dma_start3A_1172 : memref<1x128xi32, #tpu.memory_space<vmem>> -> memref<128xi32, #tpu.memory_space<vmem>>
    %dma_start3A_1174 = arith.constant 0 : i32
    %dma_start3A_1175 = arith.constant 0 : i32
    %dma_start3A_1176 = tpu.memref_slice %arg3[%dma_start3A_1174, %dma_start3A_1175] : memref<100000x128xf32, #tpu.memory_space<hbm>> -> memref<100000x128xf32, #tpu.memory_space<hbm>>
    tpu.enqueue_indirect_dma source(%dma_start3A_1176 : memref<100000x128xf32, #tpu.memory_space<hbm>>) target(%dma_start3A_1170 : memref<128x128xf32, #tpu.memory_space<vmem>>) offsets(%dma_start3A_1173 : memref<128xi32, #tpu.memory_space<vmem>>) semaphore(%arg7 : memref<!tpu.dma_semaphore, #tpu.memory_space<semaphore_mem>>)
    %dma_wait3A_1177 = arith.constant 21 : i32
    %dma_wait3A_1178 = arith.constant 3 : i32
    %dma_wait3A_1179 = arith.constant 0 : i32
    %dma_wait3A_1180 = arith.constant 0 : i32
    %dma_wait3A_1181 = tpu.memref_slice %arg6[%dma_wait3A_1178, %dma_wait3A_1179, %dma_wait3A_1180] : memref<6x128x128xf32, #tpu.memory_space<vmem>> -> memref<1x128x128xf32, #tpu.memory_space<vmem>>
    %dma_wait3A_1182 = tpu.memref_squeeze %dma_wait3A_1181 : memref<1x128x128xf32, #tpu.memory_space<vmem>> -> memref<128x128xf32, #tpu.memory_space<vmem>>
    %dma_wait3A_1183 = arith.constant 0 : i32
    %dma_wait3A_1184 = tpu.memref_slice %arg5[%dma_wait3A_1177, %dma_wait3A_1183] : memref<26x128xi32, #tpu.memory_space<vmem>> -> memref<1x128xi32, #tpu.memory_space<vmem>>
    %dma_wait3A_1185 = tpu.memref_squeeze %dma_wait3A_1184 : memref<1x128xi32, #tpu.memory_space<vmem>> -> memref<128xi32, #tpu.memory_space<vmem>>
    %dma_wait3A_1186 = arith.constant 0 : i32
    %dma_wait3A_1187 = arith.constant 0 : i32
    %dma_wait3A_1188 = tpu.memref_slice %arg3[%dma_wait3A_1186, %dma_wait3A_1187] : memref<100000x128xf32, #tpu.memory_space<hbm>> -> memref<100000x128xf32, #tpu.memory_space<hbm>>
    tpu.wait_indirect_dma semaphore(%arg10 : memref<!tpu.dma_semaphore, #tpu.memory_space<semaphore_mem>>) src(%dma_wait3A_1188 : memref<100000x128xf32, #tpu.memory_space<hbm>>) dst(%dma_wait3A_1182 : memref<128x128xf32, #tpu.memory_space<vmem>>)
    %dma_start3A_1189 = arith.constant 2 : i32
    %dma_start3A_1190 = arith.constant 20 : i32
    %dma_start3A_1191 = arith.constant 0 : i32
    %dma_start3A_1192 = arith.constant 0 : i32
    %dma_start3A_1193 = tpu.memref_slice %arg6[%dma_start3A_1189, %dma_start3A_1191, %dma_start3A_1192] : memref<6x128x128xf32, #tpu.memory_space<vmem>> -> memref<1x128x128xf32, #tpu.memory_space<vmem>>
    %dma_start3A_1194 = tpu.memref_squeeze %dma_start3A_1193 : memref<1x128x128xf32, #tpu.memory_space<vmem>> -> memref<128x128xf32, #tpu.memory_space<vmem>>
    %dma_start3A_1195 = arith.constant 0 : i32
    %dma_start3A_1196 = tpu.memref_slice %arg4[%dma_start3A_1190, %mul3A_2, %dma_start3A_1195] : memref<26x4096x128xf32, #tpu.memory_space<hbm>> -> memref<1x128x128xf32, #tpu.memory_space<hbm>>
    %dma_start3A_1197 = tpu.memref_squeeze %dma_start3A_1196 : memref<1x128x128xf32, #tpu.memory_space<hbm>> -> memref<128x128xf32, #tpu.memory_space<hbm>>
    %dma_start3A_1198 = arith.constant 0 : i32
    %dma_start3A_1199 = tpu.memref_slice %arg4[%dma_start3A_1190, %mul3A_2, %dma_start3A_1198] : memref<26x4096x128xf32, #tpu.memory_space<hbm>> -> memref<1x128x128xf32, #tpu.memory_space<hbm>>
    %dma_start3A_1200 = tpu.memref_squeeze %dma_start3A_1199 : memref<1x128x128xf32, #tpu.memory_space<hbm>> -> memref<128x128xf32, #tpu.memory_space<hbm>>
    %dma_start3A_1201 = arith.constant 0 : i32
    %dma_start3A_1202 = arith.constant 0 : i32
    %dma_start3A_1203 = tpu.memref_slice %arg6[%dma_start3A_1189, %dma_start3A_1201, %dma_start3A_1202] : memref<6x128x128xf32, #tpu.memory_space<vmem>> -> memref<1x128x128xf32, #tpu.memory_space<vmem>>
    %dma_start3A_1204 = tpu.memref_squeeze %dma_start3A_1203 : memref<1x128x128xf32, #tpu.memory_space<vmem>> -> memref<128x128xf32, #tpu.memory_space<vmem>>
    tpu.enqueue_dma source(%dma_start3A_1204 : memref<128x128xf32, #tpu.memory_space<vmem>>) target(%dma_start3A_1200 : memref<128x128xf32, #tpu.memory_space<hbm>>) target_semaphore(%arg15 : memref<!tpu.dma_semaphore, #tpu.memory_space<semaphore_mem>>)
    %dma_wait3A_1205 = arith.constant 1 : i32
    %dma_wait3A_1206 = arith.constant 19 : i32
    %dma_wait3A_1207 = arith.constant 0 : i32
    %dma_wait3A_1208 = arith.constant 0 : i32
    %dma_wait3A_1209 = tpu.memref_slice %arg6[%dma_wait3A_1205, %dma_wait3A_1207, %dma_wait3A_1208] : memref<6x128x128xf32, #tpu.memory_space<vmem>> -> memref<1x128x128xf32, #tpu.memory_space<vmem>>
    %dma_wait3A_1210 = tpu.memref_squeeze %dma_wait3A_1209 : memref<1x128x128xf32, #tpu.memory_space<vmem>> -> memref<128x128xf32, #tpu.memory_space<vmem>>
    %dma_wait3A_1211 = arith.constant 0 : i32
    %dma_wait3A_1212 = tpu.memref_slice %arg4[%dma_wait3A_1206, %mul3A_2, %dma_wait3A_1211] : memref<26x4096x128xf32, #tpu.memory_space<hbm>> -> memref<1x128x128xf32, #tpu.memory_space<hbm>>
    %dma_wait3A_1213 = tpu.memref_squeeze %dma_wait3A_1212 : memref<1x128x128xf32, #tpu.memory_space<hbm>> -> memref<128x128xf32, #tpu.memory_space<hbm>>
    %dma_wait3A_1214 = arith.constant 0 : i32
    %dma_wait3A_1215 = tpu.memref_slice %arg4[%dma_wait3A_1206, %mul3A_2, %dma_wait3A_1214] : memref<26x4096x128xf32, #tpu.memory_space<hbm>> -> memref<1x128x128xf32, #tpu.memory_space<hbm>>
    %dma_wait3A_1216 = tpu.memref_squeeze %dma_wait3A_1215 : memref<1x128x128xf32, #tpu.memory_space<hbm>> -> memref<128x128xf32, #tpu.memory_space<hbm>>
    %dma_wait3A_1217 = arith.constant 0 : i32
    %dma_wait3A_1218 = arith.constant 0 : i32
    %dma_wait3A_1219 = tpu.memref_slice %arg6[%dma_wait3A_1205, %dma_wait3A_1217, %dma_wait3A_1218] : memref<6x128x128xf32, #tpu.memory_space<vmem>> -> memref<1x128x128xf32, #tpu.memory_space<vmem>>
    %dma_wait3A_1220 = tpu.memref_squeeze %dma_wait3A_1219 : memref<1x128x128xf32, #tpu.memory_space<vmem>> -> memref<128x128xf32, #tpu.memory_space<vmem>>
    tpu.wait_dma2 semaphore(%arg14 : memref<!tpu.dma_semaphore, #tpu.memory_space<semaphore_mem>>) src(%dma_wait3A_1220 : memref<128x128xf32, #tpu.memory_space<vmem>>) dst(%dma_wait3A_1216 : memref<128x128xf32, #tpu.memory_space<hbm>>)
    %dma_start3A_1221 = arith.constant 25 : i32
    %dma_start3A_1222 = arith.constant 1 : i32
    %dma_start3A_1223 = arith.constant 0 : i32
    %dma_start3A_1224 = arith.constant 0 : i32
    %dma_start3A_1225 = tpu.memref_slice %arg6[%dma_start3A_1222, %dma_start3A_1223, %dma_start3A_1224] : memref<6x128x128xf32, #tpu.memory_space<vmem>> -> memref<1x128x128xf32, #tpu.memory_space<vmem>>
    %dma_start3A_1226 = tpu.memref_squeeze %dma_start3A_1225 : memref<1x128x128xf32, #tpu.memory_space<vmem>> -> memref<128x128xf32, #tpu.memory_space<vmem>>
    %dma_start3A_1227 = arith.constant 0 : i32
    %dma_start3A_1228 = tpu.memref_slice %arg5[%dma_start3A_1221, %dma_start3A_1227] : memref<26x128xi32, #tpu.memory_space<vmem>> -> memref<1x128xi32, #tpu.memory_space<vmem>>
    %dma_start3A_1229 = tpu.memref_squeeze %dma_start3A_1228 : memref<1x128xi32, #tpu.memory_space<vmem>> -> memref<128xi32, #tpu.memory_space<vmem>>
    %dma_start3A_1230 = arith.constant 0 : i32
    %dma_start3A_1231 = arith.constant 0 : i32
    %dma_start3A_1232 = tpu.memref_slice %arg3[%dma_start3A_1230, %dma_start3A_1231] : memref<100000x128xf32, #tpu.memory_space<hbm>> -> memref<100000x128xf32, #tpu.memory_space<hbm>>
    tpu.enqueue_indirect_dma source(%dma_start3A_1232 : memref<100000x128xf32, #tpu.memory_space<hbm>>) target(%dma_start3A_1226 : memref<128x128xf32, #tpu.memory_space<vmem>>) offsets(%dma_start3A_1229 : memref<128xi32, #tpu.memory_space<vmem>>) semaphore(%arg8 : memref<!tpu.dma_semaphore, #tpu.memory_space<semaphore_mem>>)
    %dma_wait3A_1233 = arith.constant 22 : i32
    %dma_wait3A_1234 = arith.constant 4 : i32
    %dma_wait3A_1235 = arith.constant 0 : i32
    %dma_wait3A_1236 = arith.constant 0 : i32
    %dma_wait3A_1237 = tpu.memref_slice %arg6[%dma_wait3A_1234, %dma_wait3A_1235, %dma_wait3A_1236] : memref<6x128x128xf32, #tpu.memory_space<vmem>> -> memref<1x128x128xf32, #tpu.memory_space<vmem>>
    %dma_wait3A_1238 = tpu.memref_squeeze %dma_wait3A_1237 : memref<1x128x128xf32, #tpu.memory_space<vmem>> -> memref<128x128xf32, #tpu.memory_space<vmem>>
    %dma_wait3A_1239 = arith.constant 0 : i32
    %dma_wait3A_1240 = tpu.memref_slice %arg5[%dma_wait3A_1233, %dma_wait3A_1239] : memref<26x128xi32, #tpu.memory_space<vmem>> -> memref<1x128xi32, #tpu.memory_space<vmem>>
    %dma_wait3A_1241 = tpu.memref_squeeze %dma_wait3A_1240 : memref<1x128xi32, #tpu.memory_space<vmem>> -> memref<128xi32, #tpu.memory_space<vmem>>
    %dma_wait3A_1242 = arith.constant 0 : i32
    %dma_wait3A_1243 = arith.constant 0 : i32
    %dma_wait3A_1244 = tpu.memref_slice %arg3[%dma_wait3A_1242, %dma_wait3A_1243] : memref<100000x128xf32, #tpu.memory_space<hbm>> -> memref<100000x128xf32, #tpu.memory_space<hbm>>
    tpu.wait_indirect_dma semaphore(%arg11 : memref<!tpu.dma_semaphore, #tpu.memory_space<semaphore_mem>>) src(%dma_wait3A_1244 : memref<100000x128xf32, #tpu.memory_space<hbm>>) dst(%dma_wait3A_1238 : memref<128x128xf32, #tpu.memory_space<vmem>>)
    %dma_start3A_1245 = arith.constant 3 : i32
    %dma_start3A_1246 = arith.constant 21 : i32
    %dma_start3A_1247 = arith.constant 0 : i32
    %dma_start3A_1248 = arith.constant 0 : i32
    %dma_start3A_1249 = tpu.memref_slice %arg6[%dma_start3A_1245, %dma_start3A_1247, %dma_start3A_1248] : memref<6x128x128xf32, #tpu.memory_space<vmem>> -> memref<1x128x128xf32, #tpu.memory_space<vmem>>
    %dma_start3A_1250 = tpu.memref_squeeze %dma_start3A_1249 : memref<1x128x128xf32, #tpu.memory_space<vmem>> -> memref<128x128xf32, #tpu.memory_space<vmem>>
    %dma_start3A_1251 = arith.constant 0 : i32
    %dma_start3A_1252 = tpu.memref_slice %arg4[%dma_start3A_1246, %mul3A_2, %dma_start3A_1251] : memref<26x4096x128xf32, #tpu.memory_space<hbm>> -> memref<1x128x128xf32, #tpu.memory_space<hbm>>
    %dma_start3A_1253 = tpu.memref_squeeze %dma_start3A_1252 : memref<1x128x128xf32, #tpu.memory_space<hbm>> -> memref<128x128xf32, #tpu.memory_space<hbm>>
    %dma_start3A_1254 = arith.constant 0 : i32
    %dma_start3A_1255 = tpu.memref_slice %arg4[%dma_start3A_1246, %mul3A_2, %dma_start3A_1254] : memref<26x4096x128xf32, #tpu.memory_space<hbm>> -> memref<1x128x128xf32, #tpu.memory_space<hbm>>
    %dma_start3A_1256 = tpu.memref_squeeze %dma_start3A_1255 : memref<1x128x128xf32, #tpu.memory_space<hbm>> -> memref<128x128xf32, #tpu.memory_space<hbm>>
    %dma_start3A_1257 = arith.constant 0 : i32
    %dma_start3A_1258 = arith.constant 0 : i32
    %dma_start3A_1259 = tpu.memref_slice %arg6[%dma_start3A_1245, %dma_start3A_1257, %dma_start3A_1258] : memref<6x128x128xf32, #tpu.memory_space<vmem>> -> memref<1x128x128xf32, #tpu.memory_space<vmem>>
    %dma_start3A_1260 = tpu.memref_squeeze %dma_start3A_1259 : memref<1x128x128xf32, #tpu.memory_space<vmem>> -> memref<128x128xf32, #tpu.memory_space<vmem>>
    tpu.enqueue_dma source(%dma_start3A_1260 : memref<128x128xf32, #tpu.memory_space<vmem>>) target(%dma_start3A_1256 : memref<128x128xf32, #tpu.memory_space<hbm>>) target_semaphore(%arg16 : memref<!tpu.dma_semaphore, #tpu.memory_space<semaphore_mem>>)
    %dma_wait3A_1261 = arith.constant 23 : i32
    %dma_wait3A_1262 = arith.constant 5 : i32
    %dma_wait3A_1263 = arith.constant 0 : i32
    %dma_wait3A_1264 = arith.constant 0 : i32
    %dma_wait3A_1265 = tpu.memref_slice %arg6[%dma_wait3A_1262, %dma_wait3A_1263, %dma_wait3A_1264] : memref<6x128x128xf32, #tpu.memory_space<vmem>> -> memref<1x128x128xf32, #tpu.memory_space<vmem>>
    %dma_wait3A_1266 = tpu.memref_squeeze %dma_wait3A_1265 : memref<1x128x128xf32, #tpu.memory_space<vmem>> -> memref<128x128xf32, #tpu.memory_space<vmem>>
    %dma_wait3A_1267 = arith.constant 0 : i32
    %dma_wait3A_1268 = tpu.memref_slice %arg5[%dma_wait3A_1261, %dma_wait3A_1267] : memref<26x128xi32, #tpu.memory_space<vmem>> -> memref<1x128xi32, #tpu.memory_space<vmem>>
    %dma_wait3A_1269 = tpu.memref_squeeze %dma_wait3A_1268 : memref<1x128xi32, #tpu.memory_space<vmem>> -> memref<128xi32, #tpu.memory_space<vmem>>
    %dma_wait3A_1270 = arith.constant 0 : i32
    %dma_wait3A_1271 = arith.constant 0 : i32
    %dma_wait3A_1272 = tpu.memref_slice %arg3[%dma_wait3A_1270, %dma_wait3A_1271] : memref<100000x128xf32, #tpu.memory_space<hbm>> -> memref<100000x128xf32, #tpu.memory_space<hbm>>
    tpu.wait_indirect_dma semaphore(%arg12 : memref<!tpu.dma_semaphore, #tpu.memory_space<semaphore_mem>>) src(%dma_wait3A_1272 : memref<100000x128xf32, #tpu.memory_space<hbm>>) dst(%dma_wait3A_1266 : memref<128x128xf32, #tpu.memory_space<vmem>>)
    %dma_start3A_1273 = arith.constant 4 : i32
    %dma_start3A_1274 = arith.constant 22 : i32
    %dma_start3A_1275 = arith.constant 0 : i32
    %dma_start3A_1276 = arith.constant 0 : i32
    %dma_start3A_1277 = tpu.memref_slice %arg6[%dma_start3A_1273, %dma_start3A_1275, %dma_start3A_1276] : memref<6x128x128xf32, #tpu.memory_space<vmem>> -> memref<1x128x128xf32, #tpu.memory_space<vmem>>
    %dma_start3A_1278 = tpu.memref_squeeze %dma_start3A_1277 : memref<1x128x128xf32, #tpu.memory_space<vmem>> -> memref<128x128xf32, #tpu.memory_space<vmem>>
    %dma_start3A_1279 = arith.constant 0 : i32
    %dma_start3A_1280 = tpu.memref_slice %arg4[%dma_start3A_1274, %mul3A_2, %dma_start3A_1279] : memref<26x4096x128xf32, #tpu.memory_space<hbm>> -> memref<1x128x128xf32, #tpu.memory_space<hbm>>
    %dma_start3A_1281 = tpu.memref_squeeze %dma_start3A_1280 : memref<1x128x128xf32, #tpu.memory_space<hbm>> -> memref<128x128xf32, #tpu.memory_space<hbm>>
    %dma_start3A_1282 = arith.constant 0 : i32
    %dma_start3A_1283 = tpu.memref_slice %arg4[%dma_start3A_1274, %mul3A_2, %dma_start3A_1282] : memref<26x4096x128xf32, #tpu.memory_space<hbm>> -> memref<1x128x128xf32, #tpu.memory_space<hbm>>
    %dma_start3A_1284 = tpu.memref_squeeze %dma_start3A_1283 : memref<1x128x128xf32, #tpu.memory_space<hbm>> -> memref<128x128xf32, #tpu.memory_space<hbm>>
    %dma_start3A_1285 = arith.constant 0 : i32
    %dma_start3A_1286 = arith.constant 0 : i32
    %dma_start3A_1287 = tpu.memref_slice %arg6[%dma_start3A_1273, %dma_start3A_1285, %dma_start3A_1286] : memref<6x128x128xf32, #tpu.memory_space<vmem>> -> memref<1x128x128xf32, #tpu.memory_space<vmem>>
    %dma_start3A_1288 = tpu.memref_squeeze %dma_start3A_1287 : memref<1x128x128xf32, #tpu.memory_space<vmem>> -> memref<128x128xf32, #tpu.memory_space<vmem>>
    tpu.enqueue_dma source(%dma_start3A_1288 : memref<128x128xf32, #tpu.memory_space<vmem>>) target(%dma_start3A_1284 : memref<128x128xf32, #tpu.memory_space<hbm>>) target_semaphore(%arg17 : memref<!tpu.dma_semaphore, #tpu.memory_space<semaphore_mem>>)
    %dma_wait3A_1289 = arith.constant 24 : i32
    %dma_wait3A_1290 = arith.constant 0 : i32
    %dma_wait3A_1291 = arith.constant 0 : i32
    %dma_wait3A_1292 = arith.constant 0 : i32
    %dma_wait3A_1293 = tpu.memref_slice %arg6[%dma_wait3A_1290, %dma_wait3A_1291, %dma_wait3A_1292] : memref<6x128x128xf32, #tpu.memory_space<vmem>> -> memref<1x128x128xf32, #tpu.memory_space<vmem>>
    %dma_wait3A_1294 = tpu.memref_squeeze %dma_wait3A_1293 : memref<1x128x128xf32, #tpu.memory_space<vmem>> -> memref<128x128xf32, #tpu.memory_space<vmem>>
    %dma_wait3A_1295 = arith.constant 0 : i32
    %dma_wait3A_1296 = tpu.memref_slice %arg5[%dma_wait3A_1289, %dma_wait3A_1295] : memref<26x128xi32, #tpu.memory_space<vmem>> -> memref<1x128xi32, #tpu.memory_space<vmem>>
    %dma_wait3A_1297 = tpu.memref_squeeze %dma_wait3A_1296 : memref<1x128xi32, #tpu.memory_space<vmem>> -> memref<128xi32, #tpu.memory_space<vmem>>
    %dma_wait3A_1298 = arith.constant 0 : i32
    %dma_wait3A_1299 = arith.constant 0 : i32
    %dma_wait3A_1300 = tpu.memref_slice %arg3[%dma_wait3A_1298, %dma_wait3A_1299] : memref<100000x128xf32, #tpu.memory_space<hbm>> -> memref<100000x128xf32, #tpu.memory_space<hbm>>
    tpu.wait_indirect_dma semaphore(%arg7 : memref<!tpu.dma_semaphore, #tpu.memory_space<semaphore_mem>>) src(%dma_wait3A_1300 : memref<100000x128xf32, #tpu.memory_space<hbm>>) dst(%dma_wait3A_1294 : memref<128x128xf32, #tpu.memory_space<vmem>>)
    %dma_start3A_1301 = arith.constant 5 : i32
    %dma_start3A_1302 = arith.constant 23 : i32
    %dma_start3A_1303 = arith.constant 0 : i32
    %dma_start3A_1304 = arith.constant 0 : i32
    %dma_start3A_1305 = tpu.memref_slice %arg6[%dma_start3A_1301, %dma_start3A_1303, %dma_start3A_1304] : memref<6x128x128xf32, #tpu.memory_space<vmem>> -> memref<1x128x128xf32, #tpu.memory_space<vmem>>
    %dma_start3A_1306 = tpu.memref_squeeze %dma_start3A_1305 : memref<1x128x128xf32, #tpu.memory_space<vmem>> -> memref<128x128xf32, #tpu.memory_space<vmem>>
    %dma_start3A_1307 = arith.constant 0 : i32
    %dma_start3A_1308 = tpu.memref_slice %arg4[%dma_start3A_1302, %mul3A_2, %dma_start3A_1307] : memref<26x4096x128xf32, #tpu.memory_space<hbm>> -> memref<1x128x128xf32, #tpu.memory_space<hbm>>
    %dma_start3A_1309 = tpu.memref_squeeze %dma_start3A_1308 : memref<1x128x128xf32, #tpu.memory_space<hbm>> -> memref<128x128xf32, #tpu.memory_space<hbm>>
    %dma_start3A_1310 = arith.constant 0 : i32
    %dma_start3A_1311 = tpu.memref_slice %arg4[%dma_start3A_1302, %mul3A_2, %dma_start3A_1310] : memref<26x4096x128xf32, #tpu.memory_space<hbm>> -> memref<1x128x128xf32, #tpu.memory_space<hbm>>
    %dma_start3A_1312 = tpu.memref_squeeze %dma_start3A_1311 : memref<1x128x128xf32, #tpu.memory_space<hbm>> -> memref<128x128xf32, #tpu.memory_space<hbm>>
    %dma_start3A_1313 = arith.constant 0 : i32
    %dma_start3A_1314 = arith.constant 0 : i32
    %dma_start3A_1315 = tpu.memref_slice %arg6[%dma_start3A_1301, %dma_start3A_1313, %dma_start3A_1314] : memref<6x128x128xf32, #tpu.memory_space<vmem>> -> memref<1x128x128xf32, #tpu.memory_space<vmem>>
    %dma_start3A_1316 = tpu.memref_squeeze %dma_start3A_1315 : memref<1x128x128xf32, #tpu.memory_space<vmem>> -> memref<128x128xf32, #tpu.memory_space<vmem>>
    tpu.enqueue_dma source(%dma_start3A_1316 : memref<128x128xf32, #tpu.memory_space<vmem>>) target(%dma_start3A_1312 : memref<128x128xf32, #tpu.memory_space<hbm>>) target_semaphore(%arg18 : memref<!tpu.dma_semaphore, #tpu.memory_space<semaphore_mem>>)
    %dma_wait3A_1317 = arith.constant 25 : i32
    %dma_wait3A_1318 = arith.constant 1 : i32
    %dma_wait3A_1319 = arith.constant 0 : i32
    %dma_wait3A_1320 = arith.constant 0 : i32
    %dma_wait3A_1321 = tpu.memref_slice %arg6[%dma_wait3A_1318, %dma_wait3A_1319, %dma_wait3A_1320] : memref<6x128x128xf32, #tpu.memory_space<vmem>> -> memref<1x128x128xf32, #tpu.memory_space<vmem>>
    %dma_wait3A_1322 = tpu.memref_squeeze %dma_wait3A_1321 : memref<1x128x128xf32, #tpu.memory_space<vmem>> -> memref<128x128xf32, #tpu.memory_space<vmem>>
    %dma_wait3A_1323 = arith.constant 0 : i32
    %dma_wait3A_1324 = tpu.memref_slice %arg5[%dma_wait3A_1317, %dma_wait3A_1323] : memref<26x128xi32, #tpu.memory_space<vmem>> -> memref<1x128xi32, #tpu.memory_space<vmem>>
    %dma_wait3A_1325 = tpu.memref_squeeze %dma_wait3A_1324 : memref<1x128xi32, #tpu.memory_space<vmem>> -> memref<128xi32, #tpu.memory_space<vmem>>
    %dma_wait3A_1326 = arith.constant 0 : i32
    %dma_wait3A_1327 = arith.constant 0 : i32
    %dma_wait3A_1328 = tpu.memref_slice %arg3[%dma_wait3A_1326, %dma_wait3A_1327] : memref<100000x128xf32, #tpu.memory_space<hbm>> -> memref<100000x128xf32, #tpu.memory_space<hbm>>
    tpu.wait_indirect_dma semaphore(%arg8 : memref<!tpu.dma_semaphore, #tpu.memory_space<semaphore_mem>>) src(%dma_wait3A_1328 : memref<100000x128xf32, #tpu.memory_space<hbm>>) dst(%dma_wait3A_1322 : memref<128x128xf32, #tpu.memory_space<vmem>>)
    %dma_start3A_1329 = arith.constant 0 : i32
    %dma_start3A_1330 = arith.constant 24 : i32
    %dma_start3A_1331 = arith.constant 0 : i32
    %dma_start3A_1332 = arith.constant 0 : i32
    %dma_start3A_1333 = tpu.memref_slice %arg6[%dma_start3A_1329, %dma_start3A_1331, %dma_start3A_1332] : memref<6x128x128xf32, #tpu.memory_space<vmem>> -> memref<1x128x128xf32, #tpu.memory_space<vmem>>
    %dma_start3A_1334 = tpu.memref_squeeze %dma_start3A_1333 : memref<1x128x128xf32, #tpu.memory_space<vmem>> -> memref<128x128xf32, #tpu.memory_space<vmem>>
    %dma_start3A_1335 = arith.constant 0 : i32
    %dma_start3A_1336 = tpu.memref_slice %arg4[%dma_start3A_1330, %mul3A_2, %dma_start3A_1335] : memref<26x4096x128xf32, #tpu.memory_space<hbm>> -> memref<1x128x128xf32, #tpu.memory_space<hbm>>
    %dma_start3A_1337 = tpu.memref_squeeze %dma_start3A_1336 : memref<1x128x128xf32, #tpu.memory_space<hbm>> -> memref<128x128xf32, #tpu.memory_space<hbm>>
    %dma_start3A_1338 = arith.constant 0 : i32
    %dma_start3A_1339 = tpu.memref_slice %arg4[%dma_start3A_1330, %mul3A_2, %dma_start3A_1338] : memref<26x4096x128xf32, #tpu.memory_space<hbm>> -> memref<1x128x128xf32, #tpu.memory_space<hbm>>
    %dma_start3A_1340 = tpu.memref_squeeze %dma_start3A_1339 : memref<1x128x128xf32, #tpu.memory_space<hbm>> -> memref<128x128xf32, #tpu.memory_space<hbm>>
    %dma_start3A_1341 = arith.constant 0 : i32
    %dma_start3A_1342 = arith.constant 0 : i32
    %dma_start3A_1343 = tpu.memref_slice %arg6[%dma_start3A_1329, %dma_start3A_1341, %dma_start3A_1342] : memref<6x128x128xf32, #tpu.memory_space<vmem>> -> memref<1x128x128xf32, #tpu.memory_space<vmem>>
    %dma_start3A_1344 = tpu.memref_squeeze %dma_start3A_1343 : memref<1x128x128xf32, #tpu.memory_space<vmem>> -> memref<128x128xf32, #tpu.memory_space<vmem>>
    tpu.enqueue_dma source(%dma_start3A_1344 : memref<128x128xf32, #tpu.memory_space<vmem>>) target(%dma_start3A_1340 : memref<128x128xf32, #tpu.memory_space<hbm>>) target_semaphore(%arg13 : memref<!tpu.dma_semaphore, #tpu.memory_space<semaphore_mem>>)
    %dma_start3A_1345 = arith.constant 1 : i32
    %dma_start3A_1346 = arith.constant 25 : i32
    %dma_start3A_1347 = arith.constant 0 : i32
    %dma_start3A_1348 = arith.constant 0 : i32
    %dma_start3A_1349 = tpu.memref_slice %arg6[%dma_start3A_1345, %dma_start3A_1347, %dma_start3A_1348] : memref<6x128x128xf32, #tpu.memory_space<vmem>> -> memref<1x128x128xf32, #tpu.memory_space<vmem>>
    %dma_start3A_1350 = tpu.memref_squeeze %dma_start3A_1349 : memref<1x128x128xf32, #tpu.memory_space<vmem>> -> memref<128x128xf32, #tpu.memory_space<vmem>>
    %dma_start3A_1351 = arith.constant 0 : i32
    %dma_start3A_1352 = tpu.memref_slice %arg4[%dma_start3A_1346, %mul3A_2, %dma_start3A_1351] : memref<26x4096x128xf32, #tpu.memory_space<hbm>> -> memref<1x128x128xf32, #tpu.memory_space<hbm>>
    %dma_start3A_1353 = tpu.memref_squeeze %dma_start3A_1352 : memref<1x128x128xf32, #tpu.memory_space<hbm>> -> memref<128x128xf32, #tpu.memory_space<hbm>>
    %dma_start3A_1354 = arith.constant 0 : i32
    %dma_start3A_1355 = tpu.memref_slice %arg4[%dma_start3A_1346, %mul3A_2, %dma_start3A_1354] : memref<26x4096x128xf32, #tpu.memory_space<hbm>> -> memref<1x128x128xf32, #tpu.memory_space<hbm>>
    %dma_start3A_1356 = tpu.memref_squeeze %dma_start3A_1355 : memref<1x128x128xf32, #tpu.memory_space<hbm>> -> memref<128x128xf32, #tpu.memory_space<hbm>>
    %dma_start3A_1357 = arith.constant 0 : i32
    %dma_start3A_1358 = arith.constant 0 : i32
    %dma_start3A_1359 = tpu.memref_slice %arg6[%dma_start3A_1345, %dma_start3A_1357, %dma_start3A_1358] : memref<6x128x128xf32, #tpu.memory_space<vmem>> -> memref<1x128x128xf32, #tpu.memory_space<vmem>>
    %dma_start3A_1360 = tpu.memref_squeeze %dma_start3A_1359 : memref<1x128x128xf32, #tpu.memory_space<vmem>> -> memref<128x128xf32, #tpu.memory_space<vmem>>
    tpu.enqueue_dma source(%dma_start3A_1360 : memref<128x128xf32, #tpu.memory_space<vmem>>) target(%dma_start3A_1356 : memref<128x128xf32, #tpu.memory_space<hbm>>) target_semaphore(%arg14 : memref<!tpu.dma_semaphore, #tpu.memory_space<semaphore_mem>>)
    %dma_wait3A_1361 = arith.constant 2 : i32
    %dma_wait3A_1362 = arith.constant 20 : i32
    %dma_wait3A_1363 = arith.constant 0 : i32
    %dma_wait3A_1364 = arith.constant 0 : i32
    %dma_wait3A_1365 = tpu.memref_slice %arg6[%dma_wait3A_1361, %dma_wait3A_1363, %dma_wait3A_1364] : memref<6x128x128xf32, #tpu.memory_space<vmem>> -> memref<1x128x128xf32, #tpu.memory_space<vmem>>
    %dma_wait3A_1366 = tpu.memref_squeeze %dma_wait3A_1365 : memref<1x128x128xf32, #tpu.memory_space<vmem>> -> memref<128x128xf32, #tpu.memory_space<vmem>>
    %dma_wait3A_1367 = arith.constant 0 : i32
    %dma_wait3A_1368 = tpu.memref_slice %arg4[%dma_wait3A_1362, %mul3A_2, %dma_wait3A_1367] : memref<26x4096x128xf32, #tpu.memory_space<hbm>> -> memref<1x128x128xf32, #tpu.memory_space<hbm>>
    %dma_wait3A_1369 = tpu.memref_squeeze %dma_wait3A_1368 : memref<1x128x128xf32, #tpu.memory_space<hbm>> -> memref<128x128xf32, #tpu.memory_space<hbm>>
    %dma_wait3A_1370 = arith.constant 0 : i32
    %dma_wait3A_1371 = tpu.memref_slice %arg4[%dma_wait3A_1362, %mul3A_2, %dma_wait3A_1370] : memref<26x4096x128xf32, #tpu.memory_space<hbm>> -> memref<1x128x128xf32, #tpu.memory_space<hbm>>
    %dma_wait3A_1372 = tpu.memref_squeeze %dma_wait3A_1371 : memref<1x128x128xf32, #tpu.memory_space<hbm>> -> memref<128x128xf32, #tpu.memory_space<hbm>>
    %dma_wait3A_1373 = arith.constant 0 : i32
    %dma_wait3A_1374 = arith.constant 0 : i32
    %dma_wait3A_1375 = tpu.memref_slice %arg6[%dma_wait3A_1361, %dma_wait3A_1373, %dma_wait3A_1374] : memref<6x128x128xf32, #tpu.memory_space<vmem>> -> memref<1x128x128xf32, #tpu.memory_space<vmem>>
    %dma_wait3A_1376 = tpu.memref_squeeze %dma_wait3A_1375 : memref<1x128x128xf32, #tpu.memory_space<vmem>> -> memref<128x128xf32, #tpu.memory_space<vmem>>
    tpu.wait_dma2 semaphore(%arg15 : memref<!tpu.dma_semaphore, #tpu.memory_space<semaphore_mem>>) src(%dma_wait3A_1376 : memref<128x128xf32, #tpu.memory_space<vmem>>) dst(%dma_wait3A_1372 : memref<128x128xf32, #tpu.memory_space<hbm>>)
    %dma_wait3A_1377 = arith.constant 3 : i32
    %dma_wait3A_1378 = arith.constant 21 : i32
    %dma_wait3A_1379 = arith.constant 0 : i32
    %dma_wait3A_1380 = arith.constant 0 : i32
    %dma_wait3A_1381 = tpu.memref_slice %arg6[%dma_wait3A_1377, %dma_wait3A_1379, %dma_wait3A_1380] : memref<6x128x128xf32, #tpu.memory_space<vmem>> -> memref<1x128x128xf32, #tpu.memory_space<vmem>>
    %dma_wait3A_1382 = tpu.memref_squeeze %dma_wait3A_1381 : memref<1x128x128xf32, #tpu.memory_space<vmem>> -> memref<128x128xf32, #tpu.memory_space<vmem>>
    %dma_wait3A_1383 = arith.constant 0 : i32
    %dma_wait3A_1384 = tpu.memref_slice %arg4[%dma_wait3A_1378, %mul3A_2, %dma_wait3A_1383] : memref<26x4096x128xf32, #tpu.memory_space<hbm>> -> memref<1x128x128xf32, #tpu.memory_space<hbm>>
    %dma_wait3A_1385 = tpu.memref_squeeze %dma_wait3A_1384 : memref<1x128x128xf32, #tpu.memory_space<hbm>> -> memref<128x128xf32, #tpu.memory_space<hbm>>
    %dma_wait3A_1386 = arith.constant 0 : i32
    %dma_wait3A_1387 = tpu.memref_slice %arg4[%dma_wait3A_1378, %mul3A_2, %dma_wait3A_1386] : memref<26x4096x128xf32, #tpu.memory_space<hbm>> -> memref<1x128x128xf32, #tpu.memory_space<hbm>>
    %dma_wait3A_1388 = tpu.memref_squeeze %dma_wait3A_1387 : memref<1x128x128xf32, #tpu.memory_space<hbm>> -> memref<128x128xf32, #tpu.memory_space<hbm>>
    %dma_wait3A_1389 = arith.constant 0 : i32
    %dma_wait3A_1390 = arith.constant 0 : i32
    %dma_wait3A_1391 = tpu.memref_slice %arg6[%dma_wait3A_1377, %dma_wait3A_1389, %dma_wait3A_1390] : memref<6x128x128xf32, #tpu.memory_space<vmem>> -> memref<1x128x128xf32, #tpu.memory_space<vmem>>
    %dma_wait3A_1392 = tpu.memref_squeeze %dma_wait3A_1391 : memref<1x128x128xf32, #tpu.memory_space<vmem>> -> memref<128x128xf32, #tpu.memory_space<vmem>>
    tpu.wait_dma2 semaphore(%arg16 : memref<!tpu.dma_semaphore, #tpu.memory_space<semaphore_mem>>) src(%dma_wait3A_1392 : memref<128x128xf32, #tpu.memory_space<vmem>>) dst(%dma_wait3A_1388 : memref<128x128xf32, #tpu.memory_space<hbm>>)
    %dma_wait3A_1393 = arith.constant 4 : i32
    %dma_wait3A_1394 = arith.constant 22 : i32
    %dma_wait3A_1395 = arith.constant 0 : i32
    %dma_wait3A_1396 = arith.constant 0 : i32
    %dma_wait3A_1397 = tpu.memref_slice %arg6[%dma_wait3A_1393, %dma_wait3A_1395, %dma_wait3A_1396] : memref<6x128x128xf32, #tpu.memory_space<vmem>> -> memref<1x128x128xf32, #tpu.memory_space<vmem>>
    %dma_wait3A_1398 = tpu.memref_squeeze %dma_wait3A_1397 : memref<1x128x128xf32, #tpu.memory_space<vmem>> -> memref<128x128xf32, #tpu.memory_space<vmem>>
    %dma_wait3A_1399 = arith.constant 0 : i32
    %dma_wait3A_1400 = tpu.memref_slice %arg4[%dma_wait3A_1394, %mul3A_2, %dma_wait3A_1399] : memref<26x4096x128xf32, #tpu.memory_space<hbm>> -> memref<1x128x128xf32, #tpu.memory_space<hbm>>
    %dma_wait3A_1401 = tpu.memref_squeeze %dma_wait3A_1400 : memref<1x128x128xf32, #tpu.memory_space<hbm>> -> memref<128x128xf32, #tpu.memory_space<hbm>>
    %dma_wait3A_1402 = arith.constant 0 : i32
    %dma_wait3A_1403 = tpu.memref_slice %arg4[%dma_wait3A_1394, %mul3A_2, %dma_wait3A_1402] : memref<26x4096x128xf32, #tpu.memory_space<hbm>> -> memref<1x128x128xf32, #tpu.memory_space<hbm>>
    %dma_wait3A_1404 = tpu.memref_squeeze %dma_wait3A_1403 : memref<1x128x128xf32, #tpu.memory_space<hbm>> -> memref<128x128xf32, #tpu.memory_space<hbm>>
    %dma_wait3A_1405 = arith.constant 0 : i32
    %dma_wait3A_1406 = arith.constant 0 : i32
    %dma_wait3A_1407 = tpu.memref_slice %arg6[%dma_wait3A_1393, %dma_wait3A_1405, %dma_wait3A_1406] : memref<6x128x128xf32, #tpu.memory_space<vmem>> -> memref<1x128x128xf32, #tpu.memory_space<vmem>>
    %dma_wait3A_1408 = tpu.memref_squeeze %dma_wait3A_1407 : memref<1x128x128xf32, #tpu.memory_space<vmem>> -> memref<128x128xf32, #tpu.memory_space<vmem>>
    tpu.wait_dma2 semaphore(%arg17 : memref<!tpu.dma_semaphore, #tpu.memory_space<semaphore_mem>>) src(%dma_wait3A_1408 : memref<128x128xf32, #tpu.memory_space<vmem>>) dst(%dma_wait3A_1404 : memref<128x128xf32, #tpu.memory_space<hbm>>)
    %dma_wait3A_1409 = arith.constant 5 : i32
    %dma_wait3A_1410 = arith.constant 23 : i32
    %dma_wait3A_1411 = arith.constant 0 : i32
    %dma_wait3A_1412 = arith.constant 0 : i32
    %dma_wait3A_1413 = tpu.memref_slice %arg6[%dma_wait3A_1409, %dma_wait3A_1411, %dma_wait3A_1412] : memref<6x128x128xf32, #tpu.memory_space<vmem>> -> memref<1x128x128xf32, #tpu.memory_space<vmem>>
    %dma_wait3A_1414 = tpu.memref_squeeze %dma_wait3A_1413 : memref<1x128x128xf32, #tpu.memory_space<vmem>> -> memref<128x128xf32, #tpu.memory_space<vmem>>
    %dma_wait3A_1415 = arith.constant 0 : i32
    %dma_wait3A_1416 = tpu.memref_slice %arg4[%dma_wait3A_1410, %mul3A_2, %dma_wait3A_1415] : memref<26x4096x128xf32, #tpu.memory_space<hbm>> -> memref<1x128x128xf32, #tpu.memory_space<hbm>>
    %dma_wait3A_1417 = tpu.memref_squeeze %dma_wait3A_1416 : memref<1x128x128xf32, #tpu.memory_space<hbm>> -> memref<128x128xf32, #tpu.memory_space<hbm>>
    %dma_wait3A_1418 = arith.constant 0 : i32
    %dma_wait3A_1419 = tpu.memref_slice %arg4[%dma_wait3A_1410, %mul3A_2, %dma_wait3A_1418] : memref<26x4096x128xf32, #tpu.memory_space<hbm>> -> memref<1x128x128xf32, #tpu.memory_space<hbm>>
    %dma_wait3A_1420 = tpu.memref_squeeze %dma_wait3A_1419 : memref<1x128x128xf32, #tpu.memory_space<hbm>> -> memref<128x128xf32, #tpu.memory_space<hbm>>
    %dma_wait3A_1421 = arith.constant 0 : i32
    %dma_wait3A_1422 = arith.constant 0 : i32
    %dma_wait3A_1423 = tpu.memref_slice %arg6[%dma_wait3A_1409, %dma_wait3A_1421, %dma_wait3A_1422] : memref<6x128x128xf32, #tpu.memory_space<vmem>> -> memref<1x128x128xf32, #tpu.memory_space<vmem>>
    %dma_wait3A_1424 = tpu.memref_squeeze %dma_wait3A_1423 : memref<1x128x128xf32, #tpu.memory_space<vmem>> -> memref<128x128xf32, #tpu.memory_space<vmem>>
    tpu.wait_dma2 semaphore(%arg18 : memref<!tpu.dma_semaphore, #tpu.memory_space<semaphore_mem>>) src(%dma_wait3A_1424 : memref<128x128xf32, #tpu.memory_space<vmem>>) dst(%dma_wait3A_1420 : memref<128x128xf32, #tpu.memory_space<hbm>>)
    %dma_wait3A_1425 = arith.constant 0 : i32
    %dma_wait3A_1426 = arith.constant 24 : i32
    %dma_wait3A_1427 = arith.constant 0 : i32
    %dma_wait3A_1428 = arith.constant 0 : i32
    %dma_wait3A_1429 = tpu.memref_slice %arg6[%dma_wait3A_1425, %dma_wait3A_1427, %dma_wait3A_1428] : memref<6x128x128xf32, #tpu.memory_space<vmem>> -> memref<1x128x128xf32, #tpu.memory_space<vmem>>
    %dma_wait3A_1430 = tpu.memref_squeeze %dma_wait3A_1429 : memref<1x128x128xf32, #tpu.memory_space<vmem>> -> memref<128x128xf32, #tpu.memory_space<vmem>>
    %dma_wait3A_1431 = arith.constant 0 : i32
    %dma_wait3A_1432 = tpu.memref_slice %arg4[%dma_wait3A_1426, %mul3A_2, %dma_wait3A_1431] : memref<26x4096x128xf32, #tpu.memory_space<hbm>> -> memref<1x128x128xf32, #tpu.memory_space<hbm>>
    %dma_wait3A_1433 = tpu.memref_squeeze %dma_wait3A_1432 : memref<1x128x128xf32, #tpu.memory_space<hbm>> -> memref<128x128xf32, #tpu.memory_space<hbm>>
    %dma_wait3A_1434 = arith.constant 0 : i32
    %dma_wait3A_1435 = tpu.memref_slice %arg4[%dma_wait3A_1426, %mul3A_2, %dma_wait3A_1434] : memref<26x4096x128xf32, #tpu.memory_space<hbm>> -> memref<1x128x128xf32, #tpu.memory_space<hbm>>
    %dma_wait3A_1436 = tpu.memref_squeeze %dma_wait3A_1435 : memref<1x128x128xf32, #tpu.memory_space<hbm>> -> memref<128x128xf32, #tpu.memory_space<hbm>>
    %dma_wait3A_1437 = arith.constant 0 : i32
    %dma_wait3A_1438 = arith.constant 0 : i32
    %dma_wait3A_1439 = tpu.memref_slice %arg6[%dma_wait3A_1425, %dma_wait3A_1437, %dma_wait3A_1438] : memref<6x128x128xf32, #tpu.memory_space<vmem>> -> memref<1x128x128xf32, #tpu.memory_space<vmem>>
    %dma_wait3A_1440 = tpu.memref_squeeze %dma_wait3A_1439 : memref<1x128x128xf32, #tpu.memory_space<vmem>> -> memref<128x128xf32, #tpu.memory_space<vmem>>
    tpu.wait_dma2 semaphore(%arg13 : memref<!tpu.dma_semaphore, #tpu.memory_space<semaphore_mem>>) src(%dma_wait3A_1440 : memref<128x128xf32, #tpu.memory_space<vmem>>) dst(%dma_wait3A_1436 : memref<128x128xf32, #tpu.memory_space<hbm>>)
    %dma_wait3A_1441 = arith.constant 1 : i32
    %dma_wait3A_1442 = arith.constant 25 : i32
    %dma_wait3A_1443 = arith.constant 0 : i32
    %dma_wait3A_1444 = arith.constant 0 : i32
    %dma_wait3A_1445 = tpu.memref_slice %arg6[%dma_wait3A_1441, %dma_wait3A_1443, %dma_wait3A_1444] : memref<6x128x128xf32, #tpu.memory_space<vmem>> -> memref<1x128x128xf32, #tpu.memory_space<vmem>>
    %dma_wait3A_1446 = tpu.memref_squeeze %dma_wait3A_1445 : memref<1x128x128xf32, #tpu.memory_space<vmem>> -> memref<128x128xf32, #tpu.memory_space<vmem>>
    %dma_wait3A_1447 = arith.constant 0 : i32
    %dma_wait3A_1448 = tpu.memref_slice %arg4[%dma_wait3A_1442, %mul3A_2, %dma_wait3A_1447] : memref<26x4096x128xf32, #tpu.memory_space<hbm>> -> memref<1x128x128xf32, #tpu.memory_space<hbm>>
    %dma_wait3A_1449 = tpu.memref_squeeze %dma_wait3A_1448 : memref<1x128x128xf32, #tpu.memory_space<hbm>> -> memref<128x128xf32, #tpu.memory_space<hbm>>
    %dma_wait3A_1450 = arith.constant 0 : i32
    %dma_wait3A_1451 = tpu.memref_slice %arg4[%dma_wait3A_1442, %mul3A_2, %dma_wait3A_1450] : memref<26x4096x128xf32, #tpu.memory_space<hbm>> -> memref<1x128x128xf32, #tpu.memory_space<hbm>>
    %dma_wait3A_1452 = tpu.memref_squeeze %dma_wait3A_1451 : memref<1x128x128xf32, #tpu.memory_space<hbm>> -> memref<128x128xf32, #tpu.memory_space<hbm>>
    %dma_wait3A_1453 = arith.constant 0 : i32
    %dma_wait3A_1454 = arith.constant 0 : i32
    %dma_wait3A_1455 = tpu.memref_slice %arg6[%dma_wait3A_1441, %dma_wait3A_1453, %dma_wait3A_1454] : memref<6x128x128xf32, #tpu.memory_space<vmem>> -> memref<1x128x128xf32, #tpu.memory_space<vmem>>
    %dma_wait3A_1456 = tpu.memref_squeeze %dma_wait3A_1455 : memref<1x128x128xf32, #tpu.memory_space<vmem>> -> memref<128x128xf32, #tpu.memory_space<vmem>>
    tpu.wait_dma2 semaphore(%arg14 : memref<!tpu.dma_semaphore, #tpu.memory_space<semaphore_mem>>) src(%dma_wait3A_1456 : memref<128x128xf32, #tpu.memory_space<vmem>>) dst(%dma_wait3A_1452 : memref<128x128xf32, #tpu.memory_space<hbm>>)
    return
  }
}

</mosaic_0001>

<sc_bundles>
// kernel: kernel.3.cloned.1.call-start
scs
__scs_entry_jumppad:
0x0: {  	(pc) =	sbr.rel $0x88, $3  }
0x1: {  	(tag) =	ssettag $0x0;
	lr =	simm.s32 $0x1  }
0x2: {  	[smem:$0x3F9F] =	sst lr;
	_ =	strace $0xD0000000  }
0x3: {  	_ = 	snop  }
0x4: {  	_ = 	snop  }
0x5: {  	_ = 	snop  }
0x6: {  	_ = 	snop  }
0x7: {  	_ = 	snop  }
__scs_overlays_trampoline_lowered:
0x8: {  	[smem:$0x3FAE] =	sst s0  }
0x9: {  	[smem:$0x3FAF] =	sst s1  }
0xa: {  	[smem:$0x3FB0] =	sst s2  }
0xb: {  	[smem:$0x3FB1] =	sst s3  }
0xc: {  	[smem:$0x3FB2] =	sst s4  }
0xd: {  	[smem:$0x3FB3] =	sst s5  }
0xe: {  	[smem:$0x3FB4] =	sst s6  }
0xf: {  	[smem:$0x3FB5] =	sst s7  }
0x10: {  	[smem:$0x3FB6] =	sst s8  }
0x11: {  	[smem:$0x3FB7] =	sst s9;
	s0 =	simm.s32 @!p0 $0x0  }
0x12: {  	s1 =	sld [smem:$0x3F9D];
	s0 =	simm.s32 @p0 $0x1  }
0x13: {  	[smem:$0x3FB8] =	sst s0;
	s0 =	simm.s32 @!p1 $0x0  }
0x14: {  	s2 =	sld [smem:$0x3F9C];
	s0 =	simm.s32 @p1 $0x1  }
0x15: {  	[smem:$0x3FB9] =	sst s0;
	s0 =	simm.s32 @!p2 $0x0  }
0x16: {  	s3 =	sld [smem:$0x3FDB];
	s0 =	simm.s32 @p2 $0x1  }
0x17: {  	s4 =	simm.s32 $0x1BF5;
	[smem:$0x3FBB] =	sst s0  }
0x18: {  	s0 =	sld [smem:$0x3F9E];
	_ =	swait.ge [sflag:s4], $0x0  }
0x19: {  	s7 =	sld [smem:$0x3F9F]  }
0x1a: {  	s8 =	sadd.s32 $0xFFFFE003, lr  }
0x1b: {  	s9 =	sadd.s32 $0xFFFFFEF7, lr;
	s5 =	simm.s32 $0xFFFFFFFF;
	p2 =	slt.u32 s8, $0xFFFFF086  }
0x1c: {  	p1 =	slt.u32 s9, $0xF7A;
	s5 =	simm.s32 @!p2 $0x0  }
0x1d: {  	s5 =	simm.s32 @p1 $0x1;
	p0 =	seq.s32 s7, s2  }
0x1e: {  	s7 =	smul.u32 @!p0 $0xF7A, s2;
	p2 =	seq.s32 @!p0 s5, $0x0  }
0x1f: {  	s9 =	smul.u32 $0xF7A, s1;
	s8 =	simm.s32 @!p0 $0x1BF5;
	p2 =	por !p2, p0  }
0x20: {  	[sflag:s8] =	ssyncset.s32 @!p0 $0xFFFFF086;
	s6 =	sadd.s32 @!p0 s3, s7;
	s7 =	simm.s32 @!p0 $0x108  }
0x21: {  	s3 =	sadd.s32 s3, s9;
	s6 =	sadd.s32 @!p0 $0x88, s6;
	s7 =	simm.s32 @p2 $0x1082  }
0x22: {  	[simem:s7], [sflag:s8] =	dma.local @!p0 [hbm:s6], $0xF7A  }
0x23: {  	s9 =	sor.u32 $0xD0000000, s2;
	s6 =	simm.s32 $0x108;
	_ =	swait.ge @!p0 [sflag:s8], $0x0  }
0x24: {  	s3 =	sadd.s32 $0x88, s3;
	s6 =	simm.s32 @!p1 $0x1082;
	[sflag:s4] =	ssyncset.s32 $0xFFFFF086  }
0x25: {  	[simem:s6], [sflag:s4] =	dma.local [hbm:s3], $0xF7A  }
0x26: {  	[smem:$0x3F9F] =	sst s1;
	(tag) =	ssettag s2;
	_ =	strace s9  }
0x27: {  	s1 =	sld [smem:$0x3FAF]  }
0x28: {  	s2 =	sld [smem:$0x3FB0]  }
0x29: {  	s4 =	sld [smem:$0x3FB2]  }
0x2a: {  	p0 =	seq.s32 s5, $0x0;
	s5 =	sld [smem:$0x3FB3]  }
0x2b: {  	s6 =	sld [smem:$0x3FB4]  }
0x2c: {  	s7 =	sld [smem:$0x3FB5]  }
0x2d: {  	s3 =	simm.s32 $0x108;
	s8 =	sld [smem:$0x3FB6]  }
0x2e: {  	s3 =	simm.s32 @!p0 $0x1082;
	s9 =	sld [smem:$0x3FB7]  }
0x2f: {  	lr =	sadd.s32 s0, s3;
	s0 =	sld [smem:$0x3FAE]  }
0x30: {  	s3 =	sld [smem:$0x3FB1]  }
0x31: {  	[smem:$0x3FBA] =	sst s10  }
0x32: {  	s10 =	sld [smem:$0x3FB8];
	_ =	sdelay $0x3  }
0x33: {  	p0 =	seq.s32 s10, $0x1;
	s10 =	sld [smem:$0x3FBA];
	_ =	sdelay $0x3  }
0x34: {  	[smem:$0x3FBA] =	sst s10  }
0x35: {  	s10 =	sld [smem:$0x3FB9];
	_ =	sdelay $0x3  }
0x36: {  	p1 =	seq.s32 s10, $0x1;
	s10 =	sld [smem:$0x3FBA];
	_ =	sdelay $0x3  }
0x37: {  	[smem:$0x3FBA] =	sst s10  }
0x38: {  	s10 =	sld [smem:$0x3FBB]  }
0x39: {  	_ = 	snop;
	(pc) =	sbr.ind lr, $3  }
0x3a: {  	_ = 	snop  }
0x3b: {  	_ = 	snop  }
0x3c: {  	p2 =	seq.s32 s10, $0x1;
	s10 =	sld [smem:$0x3FBA]  }
0x3d: {  	_ =	shalt  }
0x3e: {  	_ =	shalt  }
0x3f: {  	_ =	shalt  }
0x40: {  	_ =	shalt  }
0x41: {  	_ =	shalt  }
0x42: {  	_ =	shalt  }
0x43: {  	_ =	shalt  }
0x44: {  	_ =	shalt  }
0x45: {  	_ =	shalt  }
0x46: {  	_ =	shalt  }
0x47: {  	_ =	shalt  }
0x48: {  	_ =	shalt  }
0x49: {  	_ =	shalt  }
0x4a: {  	_ =	shalt  }
0x4b: {  	_ =	shalt  }
0x4c: {  	_ =	shalt  }
0x4d: {  	_ =	shalt  }
0x4e: {  	_ =	shalt  }
0x4f: {  	_ =	shalt  }
0x50: {  	_ =	shalt  }
0x51: {  	_ =	shalt  }
0x52: {  	_ =	shalt  }
0x53: {  	_ =	shalt  }
0x54: {  	_ =	shalt  }
0x55: {  	_ =	shalt  }
0x56: {  	_ =	shalt  }
0x57: {  	_ =	shalt  }
0x58: {  	_ =	shalt  }
0x59: {  	_ =	shalt  }
0x5a: {  	_ =	shalt  }
0x5b: {  	_ =	shalt  }
0x5c: {  	_ =	shalt  }
0x5d: {  	_ =	shalt  }
0x5e: {  	_ =	shalt  }
0x5f: {  	_ =	shalt  }
0x60: {  	_ =	shalt  }
0x61: {  	_ =	shalt  }
0x62: {  	_ =	shalt  }
0x63: {  	_ =	shalt  }
0x64: {  	_ =	shalt  }
0x65: {  	_ =	shalt  }
0x66: {  	_ =	shalt  }
0x67: {  	_ =	shalt  }
0x68: {  	_ =	shalt  }
0x69: {  	_ =	shalt  }
0x6a: {  	_ =	shalt  }
0x6b: {  	_ =	shalt  }
0x6c: {  	_ =	shalt  }
0x6d: {  	_ =	shalt  }
0x6e: {  	_ =	shalt  }
0x6f: {  	_ =	shalt  }
0x70: {  	_ =	shalt  }
0x71: {  	_ =	shalt  }
0x72: {  	_ =	shalt  }
0x73: {  	_ =	shalt  }
0x74: {  	_ =	shalt  }
0x75: {  	_ =	shalt  }
0x76: {  	_ =	shalt  }
0x77: {  	_ =	shalt  }
0x78: {  	_ =	shalt  }
0x79: {  	_ =	shalt  }
0x7a: {  	_ =	shalt  }
0x7b: {  	_ =	shalt  }
0x7c: {  	_ =	shalt  }
0x7d: {  	_ =	shalt  }
0x7e: {  	_ =	shalt  }
0x7f: {  	_ =	shalt  }
0x80: {  	_ =	shalt  }
0x81: {  	_ =	shalt  }
0x82: {  	_ =	shalt  }
0x83: {  	_ =	shalt  }
0x84: {  	_ =	shalt  }
0x85: {  	_ =	shalt  }
0x86: {  	_ =	shalt  }
0x87: {  	_ =	shalt  }
.Lfunc_end0:
.L_simem_size_0:
called_computation_lowered:
.L_overlay_start_0:
0x88: {  	s2 =	sld [smem:$0x3FD9]  }
0x89: {  	s3 =	sld [smem:$0x3FFE];
	_ =	sdelay $0x1  }
0x8a: {  	s1 =	srdreg.scid  }
0x8b: {  	s0 =	sand.u32 $0x1, s1  }
0x8c: {  	s17 =	sshll.u32 s0, $0xA;
	s2 =	sadd.s32 s3, s2  }
0x8d: {  	s2 =	sadd.s32 s2, s17  }
0x8e: {  	[smem:$0x3FC6] =	sst s2  }
0x8f: {  	_ = 	snop  }
0x90: {  	s2 =	sld [smem:$0x3FC8]  }
0x91: {  	s18 =	sld [smem:$0x3FD0];
	(tm) =	ssettm $0x1  }
0x92: {  	s4 =	sld [smem:$0x3FFB];
	_ =	sdelay $0x3  }
0x93: {  	_ =	strace s4  }
0x94: {  	s4 =	sld [smem:$0x3FFC];
	_ =	sdelay $0x3  }
0x95: {  	_ =	strace s4  }
0x96: {  	s4 =	sld [smem:$0x3FFD];
	_ =	sdelay $0x3  }
0x97: {  	_ =	strace s4  }
0x98: {  	_ =	strace $0x8FFFFFFF  }
0x99: {  	s19 =	sld [smem:$0x3FDB];
	_ =	sdelay $0x1  }
0x9a: {  	s5 =	simm.s32 $_scs_section_size  }
0x9b: {  	s6 =	simm.s32 $_size__tile_overlayer_lowered;
	s7 =	simm.s32 $_tile_overlayer_lowered  }
0x9c: {  	s22 =	simm.s32 $0x1BFF;
	s21 =	sshll.u32 s7, $0x1;
	s4 =	sadd.s32 s5, s19  }
0x9d: {  	s8 =	simm.s32 $0x0;
	s20 =	sshll.u32 s6, $0x1;
	s6 =	sadd.s32 s21, s4  }
0x9e: {  	[timem:s8], [sflag:s22] =	dma.local [hbm:s6], s20  }
0x9f: {  	_ =	swait.ge [sflag:s22], s20  }
0xa0: {  	s5 =	ssub.s32 $0x0, s20;
	[sflag:s22] =	ssyncset.done $0x0  }
0xa1: {  	[sflag:s22] =	ssyncadd.s32 s5;
	_ =	sdelay $0x1  }
0xa2: {  	s23 =	simm.s32 $0x1B8B  }
0xa3: {  	_ =	swait.ge [sflag:s23], $0x1  }
0xa4: {  	[sflag:s23] =	ssyncset.done $0x0  }
0xa5: {  	s25 =	simm.s32 $0x1B8E;
	s24 =	sld [smem:$0x3FFE];
	[sflag:s23] =	ssyncadd.s32 $0xFFFFFFFF  }
0xa6: {  	s26 =	simm.s32 $execute0_lowered;
	[smem:$0x3FD2] =	sst s25  }
0xa7: {  	s6 =	sshll.u32 s26, $0x1;
	_ =	strace $0x80000046;
	[dreg:$0x1] =	wrdreg $0xFFFFFFFF  }
0xa8: {  	s28 =	simm.s32 $_size_execute0_lowered;
	s4 =	sadd.s32 s4, s6;
	[dreg:$0x0] =	wrdreg $0x0  }
0xa9: {  	s6 =	sshll.u32 s28, $0x1;
	[dreg:$0x2] =	wrdreg s4  }
0xaa: {  	[dreg:$0x3] =	wrdreg s6  }
0xab: {  	[dreg:$0x4] =	wrdreg $0xC0  }
0xac: {  	_ =	task [dreg:s8], $0x5FFFF  }
0xad: {  	[dreg:$0x1] =	wrdreg $0xFFFFFFFF  }
0xae: {  	[dreg:$0x0] =	wrdreg $0x60  }
0xaf: {  	[dreg:$0x2] =	wrdreg s24  }
0xb0: {  	[dreg:$0x3] =	wrdreg s2  }
0xb1: {  	[dreg:$0x4] =	wrdreg s18  }
0xb2: {  	[dreg:$0x5] =	wrdreg $0x9  }
0xb3: {  	_ =	task.clear_ibuf [dreg:s8], $0x6FFFF;
	_ =	strace $0x90000046  }
0xb4: {  	s29 =	simm.s32 $0x9;
	_ =	strace $0x80000048  }
0xb5: {  	_ =	swait.ge [sflag:s29], $0x1  }
0xb6: {  	[sflag:s29] =	ssyncadd.s32 $0xFFFFFFFF  }
0xb7: {  	_ =	strace $0x90000048  }
0xb8: {  	_ =	sfence  }
0xb9: {  	s30 =	sld [smem:$0x0];
	_ =	sdelay $0x2  }
0xba: {  	s31 =	sshll.u32 s1, $0xD;
	s1 =	sshrl.u32 s1, $0x2  }
0xbb: {  	s3 =	sand.u32 $0x4000, s31;
	s1 =	sadd.s32 s1, s30  }
0xbc: {  	s0 =	sor.u32 s3, s0;
	s1 =	sshll.u32 s1, $0x11  }
0xbd: {  	s0 =	sor.u32 s1, s0  }
0xbe: {  	s0 =	sadd.s32 $0x8F2B, s0  }
0xbf: {  	[sflag:s0] =	ssyncadd.remote.s32 $0x1  }
0xc0: {  	_ =	sfence.sel $0xFFFF  }
0xc1: {  	[dreg:$0x0] =	wrdreg $0xFFFFFFFF;
	(pc) =	sbr.abs _section_cstart, $3  }
0xc2: {  	[dreg:$0x1] =	wrdreg $0xFFFFFFFF  }
0xc3: {  	_ =	task.clear_ibuf [dreg:s8], $0x2FFFF;
	_ =	strace $0x9FFFFFFF  }
0xc4: {  	(tm) =	ssettm $0x7FFFFFFF  }
0xc5: {  	_ =	shalt  }
tec
execute0_lowered:
.L_overlay_start_1:
0x0: {  	(tag) =	ssettag $0x1  }
0x1: {  	s1 =	srdreg.scid;
	s23 =	stileid.u32  }
0x2: {  	s0 =	rddreg [dreg:$0x0];
	s1 =	sand.u32 $0x1, s1;
	s2 =	sshll.u32 s23, $0x1  }
0x3: {  	s3 =	rddreg [dreg:$0x1];
	s5 =	sor.u32 s1, s2  }
0x4: {  	s4 =	rddreg [dreg:$0x2];
	s6 =	sshll.u32 s5, $0x9  }
0x5: {  	s2 =	simm.s32 $0x0;
	s5 =	sshll.u32 s5, $0xB;
	s0 =	sadd.s32 s6, s0  }
0x6: {  	[smem:$0x7FF] =	sst s2;
	s30 =	sadd.s32 s4, s5;
	s0 =	sadd.s32 $0x400, s0  }
0x7: {  	_ =	strace $0x80000047;
	s12 =	sadd.s32 $0x10000, s30;
	[dreg:$0x4] =	wrdreg s0  }
0x8: {  	s13 =	sadd.s32 $0x20000, s30;
	[dreg:$0x5] =	wrdreg s12  }
0x9: {  	s14 =	sadd.s32 $0x30000, s30;
	[dreg:$0x6] =	wrdreg s13  }
0xa: {  	s15 =	sadd.s32 $0x40000, s30;
	[dreg:$0x7] =	wrdreg s14  }
0xb: {  	s16 =	sadd.s32 $0x50000, s30;
	[dreg:$0x8] =	wrdreg s15  }
0xc: {  	s17 =	sadd.s32 $0x60000, s30;
	[dreg:$0x9] =	wrdreg s16  }
0xd: {  	s18 =	sadd.s32 $0x70000, s30;
	[dreg:$0xa] =	wrdreg s17  }
0xe: {  	s19 =	sadd.s32 $0x80000, s30;
	[dreg:$0xb] =	wrdreg s18  }
0xf: {  	s20 =	sadd.s32 $0x90000, s30;
	[dreg:$0xc] =	wrdreg s19  }
0x10: {  	s21 =	sadd.s32 $0xA0000, s30;
	[dreg:$0xd] =	wrdreg s20  }
0x11: {  	s22 =	sadd.s32 $0xB0000, s30;
	[dreg:$0xe] =	wrdreg s21  }
0x12: {  	s24 =	sadd.s32 $0xC0000, s30;
	[dreg:$0xf] =	wrdreg s22  }
0x13: {  	s25 =	sadd.s32 $0xD0000, s30;
	[dreg:$0x10] =	wrdreg s24  }
0x14: {  	s26 =	sadd.s32 $0xE0000, s30;
	[dreg:$0x11] =	wrdreg s25  }
0x15: {  	s4 =	sadd.s32 $0xF0000, s30;
	[dreg:$0x12] =	wrdreg s26  }
0x16: {  	s5 =	sadd.s32 $0x100000, s30;
	[dreg:$0x13] =	wrdreg s4  }
0x17: {  	s6 =	sadd.s32 $0x110000, s30;
	[dreg:$0x14] =	wrdreg s5  }
0x18: {  	s31 =	simm.s32 $0xD;
	s7 =	sadd.s32 $0x120000, s30;
	[dreg:$0x15] =	wrdreg s6  }
0x19: {  	p0 =	por $0x0, $0x0;
	s8 =	sadd.s32 $0x130000, s30;
	[dreg:$0x16] =	wrdreg s7  }
0x1a: {  	s29 =	simm.s32 $0xA80;
	s9 =	sadd.s32 $0x140000, s30;
	[dreg:$0x17] =	wrdreg s8  }
0x1b: {  	s28 =	simm.s32 $0xB00;
	s10 =	sadd.s32 $0x150000, s30;
	[dreg:$0x18] =	wrdreg s9  }
0x1c: {  	s1 =	ssub.s32 $0x2, s1;
	s11 =	sadd.s32 $0x160000, s30;
	[dreg:$0x19] =	wrdreg s10  }
0x1d: {  	[dreg:$0x1a] =	wrdreg s11;
	s12 =	sadd.s32 $0x170000, s30;
	s13 =	sshrl.u32 s1, $0x1  }
0x1e: {  	s14 =	sadd.s32 $0x180000, s30;
	s15 =	sadd.s32 $0x190000, s30;
	[dreg:$0x1b] =	wrdreg s12  }
0x1f: {  	s8 =	simm.s32 $0x80;
	s16 =	simm.s32 $0x100;
	[dreg:$0x1c] =	wrdreg s14  }
0x20: {  	s4 =	simm.s32 $0x1000;
	s17 =	simm.s32 $0x180;
	[dreg:$0x1d] =	wrdreg s15  }
0x21: {  	s5 =	simm.s32 $0x5000;
	s18 =	simm.s32 $0x200;
	[dreg:$0x1e] =	wrdreg s16  }
0x22: {  	s19 =	simm.s32 $0x280;
	s11 =	simm.s32 $0xD000;
	[dreg:$0x1f] =	wrdreg s17  }
0x23: {  	s20 =	simm.s32 $0x300;
	s9 =	simm.s32 $0x1;
	[smem:$0x7EE] =	sst s18  }
0x24: {  	s21 =	simm.s32 $0x380;
	s22 =	simm.s32 $0x400;
	[smem:$0x7EF] =	sst s19  }
0x25: {  	s10 =	simm.s32 $0x2;
	s24 =	simm.s32 $0x480;
	[smem:$0x7F0] =	sst s20  }
0x26: {  	s25 =	simm.s32 $0x500;
	s26 =	simm.s32 $0x580;
	[smem:$0x7F1] =	sst s21  }
0x27: {  	s6 =	simm.s32 $0x7;
	s7 =	simm.s32 $0x600;
	[smem:$0x7F2] =	sst s22  }
0x28: {  	s1 =	ssub.s32 s1, s13;
	s14 =	simm.s32 $0x9000;
	[smem:$0x7F3] =	sst s24  }
0x29: {  	s12 =	simm.s32 $0x11000;
	s13 =	simm.s32 $0x15000;
	[smem:$0x7F4] =	sst s25  }
0x2a: {  	s22 =	simm.s32 $0x3;
	[smem:$0x7F5] =	sst s26;
	s21 =	simm.s32 $0x4  }
0x2b: {  	[smem:$0x7F6] =	sst s7;
	s15 =	simm.s32 $0x680;
	s7 =	simm.s32 $0x8  }
0x2c: {  	s16 =	simm.s32 $0x700;
	s19 =	simm.s32 $0x5;
	[smem:$0x7F7] =	sst s15  }
0x2d: {  	s17 =	simm.s32 $0x780;
	s18 =	simm.s32 $0x800;
	[smem:$0x7F8] =	sst s16  }
0x2e: {  	s20 =	simm.s32 $0x6;
	s0 =	smax.u32 s1, $0x1;
	[smem:$0x7F9] =	sst s17  }
0x2f: {  	s24 =	simm.s32 $0x880;
	[smem:$0x7FA] =	sst s18;
	p1 =	sne.s32 s0, $0x1  }
.Ltmp0:
0x30: {  	s25 =	simm.s32 $0x900;
	[smem:$0x7FB] =	sst s24;
	(pc) =	sbr.rel @!p1 .LBB2_1-.Ltmp0, $4  }
0x31: {  	s26 =	simm.s32 $0x980;
	s15 =	simm.s32 $0x9;
	[smem:$0x7FC] =	sst s25  }
0x32: {  	s16 =	simm.s32 $0xA;
	s17 =	simm.s32 $0xB;
	[smem:$0x7FD] =	sst s26  }
0x33: {  	s18 =	simm.s32 $0xC;
	s26 =	simm.s32 $0xB80;
	s25 =	simm.s32 $0xC00  }
0x34: {  	s24 =	simm.s32 $0xC80;
	s1 =	sadd.s32 $0xFFFFFFFF, s0;
	s0 =	rddreg [dreg:$0x4]  }
0x35: {  	[tilespmem:s2], [sflag:$0xD] =	stream.linear.gather [hbm4b:s0+s2], $0xD00, $0x38;
	[tilespmem:$0x19000] =	vst v63  }
0x36: {  	_ =	swait.ge [sflag:s31], $0xD00  }
0x37: {  	[sflag:s31] =	ssyncset.done $0x0  }
0x38: {  	[sflag:s31] =	ssyncadd.s32 $0xFFFFF300  }
0x39: {  	[tilespmem:s4], [sflag:$0x1] =	stream.indirect.gather [hbm4b:s3+s8], $0x80, s2, s8, $0xb8;
	[tilespmem:$0x19000] =	vst v63  }
0x3a: {  	_ = 	snop  }
0x3b: {  	[tilespmem:s5], [sflag:$0x2] =	stream.indirect.gather [hbm4b:s3+s8], $0x80, s8, s8, $0xb8;
	[tilespmem:$0x19000] =	vst v63  }
0x3c: {  	s0 =	rddreg [dreg:$0x1e]  }
0x3d: {  	[tilespmem:s14], [sflag:$0x3] =	stream.indirect.gather [hbm4b:s3+s8], $0x80, s0, s8, $0xb8;
	[tilespmem:$0x19000] =	vst v63  }
0x3e: {  	s23 =	smov.u32 s1;
	s1 =	rddreg [dreg:$0x1f]  }
0x3f: {  	[tilespmem:s11], [sflag:$0x4] =	stream.indirect.gather [hbm4b:s3+s8], $0x80, s1, s8, $0xb8;
	[tilespmem:$0x19000] =	vst v63  }
0x40: {  	_ =	swait.ge [sflag:s9], $0x4000  }
0x41: {  	s1 =	sld [smem:$0x7EE]  }
0x42: {  	[sflag:s9] =	ssyncset.done $0x0  }
0x43: {  	[sflag:s9] =	ssyncadd.s32 $0xFFFFC000  }
0x44: {  	[tilespmem:s12], [sflag:$0x5] =	stream.indirect.gather [hbm4b:s3+s8], $0x80, s1, s8, $0xb8;
	[tilespmem:$0x19000] =	vst v63  }
0x45: {  	_ =	swait.ge [sflag:s10], $0x4000  }
0x46: {  	[sflag:s10] =	ssyncset.done $0x0  }
0x47: {  	s1 =	sld [smem:$0x7EF];
	[sflag:s10] =	ssyncadd.s32 $0xFFFFC000  }
0x48: {  	[hbm4b:s30+s2] =	stream.linear.scatter [tilespmem:s4], [sflag:$0x7], $0x4000, $0x38;
	[tilespmem:$0x19000] =	vst v63  }
0x49: {  	_ = 	snop  }
0x4a: {  	[tilespmem:s13], [sflag:$0x6] =	stream.indirect.gather [hbm4b:s3+s8], $0x80, s1, s8, $0xb8;
	[tilespmem:$0x19000] =	vst v63  }
0x4b: {  	_ =	swait.ge [sflag:s22], $0x4000  }
0x4c: {  	[sflag:s22] =	ssyncset.done $0x0  }
0x4d: {  	s1 =	rddreg [dreg:$0x5];
	[sflag:s22] =	ssyncadd.s32 $0xFFFFC000  }
0x4e: {  	[hbm4b:s1+s2] =	stream.linear.scatter [tilespmem:s5], [sflag:$0x8], $0x4000, $0x38;
	[tilespmem:$0x19000] =	vst v63  }
0x4f: {  	_ =	swait.ge [sflag:s6], $0x4000  }
0x50: {  	s1 =	sld [smem:$0x7F0]  }
0x51: {  	[sflag:s6] =	ssyncset.done $0x0  }
0x52: {  	[sflag:s6] =	ssyncadd.s32 $0xFFFFC000  }
0x53: {  	[tilespmem:s4], [sflag:$0x1] =	stream.indirect.gather [hbm4b:s3+s8], $0x80, s1, s8, $0xb8;
	[tilespmem:$0x19000] =	vst v63  }
0x54: {  	_ =	swait.ge [sflag:s21], $0x4000  }
0x55: {  	[sflag:s21] =	ssyncset.done $0x0  }
0x56: {  	s1 =	rddreg [dreg:$0x6];
	[sflag:s21] =	ssyncadd.s32 $0xFFFFC000  }
0x57: {  	[hbm4b:s1+s2] =	stream.linear.scatter [tilespmem:s14], [sflag:$0x9], $0x4000, $0x38;
	[tilespmem:$0x19000] =	vst v63  }
0x58: {  	_ =	swait.ge [sflag:s7], $0x4000  }
0x59: {  	s1 =	sld [smem:$0x7F1]  }
0x5a: {  	[sflag:s7] =	ssyncset.done $0x0  }
0x5b: {  	[sflag:s7] =	ssyncadd.s32 $0xFFFFC000  }
0x5c: {  	[tilespmem:s5], [sflag:$0x2] =	stream.indirect.gather [hbm4b:s3+s8], $0x80, s1, s8, $0xb8;
	[tilespmem:$0x19000] =	vst v63  }
0x5d: {  	_ =	swait.ge [sflag:s19], $0x4000  }
0x5e: {  	[sflag:s19] =	ssyncset.done $0x0  }
0x5f: {  	s1 =	rddreg [dreg:$0x7];
	[sflag:s19] =	ssyncadd.s32 $0xFFFFC000  }
0x60: {  	[hbm4b:s1+s2] =	stream.linear.scatter [tilespmem:s11], [sflag:$0xA], $0x4000, $0x38;
	[tilespmem:$0x19000] =	vst v63  }
0x61: {  	_ =	swait.ge [sflag:s15], $0x4000  }
0x62: {  	s1 =	sld [smem:$0x7F2]  }
0x63: {  	[sflag:s15] =	ssyncset.done $0x0  }
0x64: {  	[sflag:s15] =	ssyncadd.s32 $0xFFFFC000  }
0x65: {  	[tilespmem:s14], [sflag:$0x3] =	stream.indirect.gather [hbm4b:s3+s8], $0x80, s1, s8, $0xb8;
	[tilespmem:$0x19000] =	vst v63  }
0x66: {  	_ =	swait.ge [sflag:s20], $0x4000  }
0x67: {  	[sflag:s20] =	ssyncset.done $0x0  }
0x68: {  	s1 =	rddreg [dreg:$0x8];
	[sflag:s20] =	ssyncadd.s32 $0xFFFFC000  }
0x69: {  	[hbm4b:s1+s2] =	stream.linear.scatter [tilespmem:s12], [sflag:$0xB], $0x4000, $0x38;
	[tilespmem:$0x19000] =	vst v63  }
0x6a: {  	_ =	swait.ge [sflag:s16], $0x4000  }
0x6b: {  	s1 =	sld [smem:$0x7F3]  }
0x6c: {  	[sflag:s16] =	ssyncset.done $0x0  }
0x6d: {  	[sflag:s16] =	ssyncadd.s32 $0xFFFFC000  }
0x6e: {  	[tilespmem:s11], [sflag:$0x4] =	stream.indirect.gather [hbm4b:s3+s8], $0x80, s1, s8, $0xb8;
	[tilespmem:$0x19000] =	vst v63  }
0x6f: {  	_ =	swait.ge [sflag:s9], $0x4000  }
0x70: {  	[sflag:s9] =	ssyncset.done $0x0  }
0x71: {  	s1 =	rddreg [dreg:$0x9];
	[sflag:s9] =	ssyncadd.s32 $0xFFFFC000  }
0x72: {  	[hbm4b:s1+s2] =	stream.linear.scatter [tilespmem:s13], [sflag:$0xC], $0x4000, $0x38;
	[tilespmem:$0x19000] =	vst v63  }
0x73: {  	_ =	swait.ge [sflag:s17], $0x4000  }
0x74: {  	s1 =	sld [smem:$0x7F4]  }
0x75: {  	[sflag:s17] =	ssyncset.done $0x0  }
0x76: {  	[sflag:s17] =	ssyncadd.s32 $0xFFFFC000  }
0x77: {  	[tilespmem:s12], [sflag:$0x5] =	stream.indirect.gather [hbm4b:s3+s8], $0x80, s1, s8, $0xb8;
	[tilespmem:$0x19000] =	vst v63  }
0x78: {  	_ =	swait.ge [sflag:s10], $0x4000  }
0x79: {  	[sflag:s10] =	ssyncset.done $0x0  }
0x7a: {  	s1 =	rddreg [dreg:$0xa];
	[sflag:s10] =	ssyncadd.s32 $0xFFFFC000  }
0x7b: {  	[hbm4b:s1+s2] =	stream.linear.scatter [tilespmem:s4], [sflag:$0x7], $0x4000, $0x38;
	[tilespmem:$0x19000] =	vst v63  }
0x7c: {  	_ =	swait.ge [sflag:s18], $0x4000  }
0x7d: {  	s1 =	sld [smem:$0x7F5]  }
0x7e: {  	[sflag:s18] =	ssyncset.done $0x0  }
0x7f: {  	[sflag:s18] =	ssyncadd.s32 $0xFFFFC000  }
0x80: {  	[tilespmem:s13], [sflag:$0x6] =	stream.indirect.gather [hbm4b:s3+s8], $0x80, s1, s8, $0xb8;
	[tilespmem:$0x19000] =	vst v63  }
0x81: {  	_ =	swait.ge [sflag:s22], $0x4000  }
0x82: {  	[sflag:s22] =	ssyncset.done $0x0  }
0x83: {  	s1 =	rddreg [dreg:$0xb];
	[sflag:s22] =	ssyncadd.s32 $0xFFFFC000  }
0x84: {  	[hbm4b:s1+s2] =	stream.linear.scatter [tilespmem:s5], [sflag:$0x8], $0x4000, $0x38;
	[tilespmem:$0x19000] =	vst v63  }
0x85: {  	_ =	swait.ge [sflag:s6], $0x4000  }
0x86: {  	s1 =	sld [smem:$0x7F6]  }
0x87: {  	[sflag:s6] =	ssyncset.done $0x0  }
0x88: {  	[sflag:s6] =	ssyncadd.s32 $0xFFFFC000  }
0x89: {  	[tilespmem:s4], [sflag:$0x1] =	stream.indirect.gather [hbm4b:s3+s8], $0x80, s1, s8, $0xb8;
	[tilespmem:$0x19000] =	vst v63  }
0x8a: {  	_ =	swait.ge [sflag:s21], $0x4000  }
0x8b: {  	[sflag:s21] =	ssyncset.done $0x0  }
0x8c: {  	s1 =	rddreg [dreg:$0xc];
	[sflag:s21] =	ssyncadd.s32 $0xFFFFC000  }
0x8d: {  	[hbm4b:s1+s2] =	stream.linear.scatter [tilespmem:s14], [sflag:$0x9], $0x4000, $0x38;
	[tilespmem:$0x19000] =	vst v63  }
0x8e: {  	_ =	swait.ge [sflag:s7], $0x4000  }
0x8f: {  	s1 =	sld [smem:$0x7F7]  }
0x90: {  	[sflag:s7] =	ssyncset.done $0x0  }
0x91: {  	[sflag:s7] =	ssyncadd.s32 $0xFFFFC000  }
0x92: {  	[tilespmem:s5], [sflag:$0x2] =	stream.indirect.gather [hbm4b:s3+s8], $0x80, s1, s8, $0xb8;
	[tilespmem:$0x19000] =	vst v63  }
0x93: {  	_ =	swait.ge [sflag:s19], $0x4000  }
0x94: {  	[sflag:s19] =	ssyncset.done $0x0  }
0x95: {  	s1 =	rddreg [dreg:$0xd];
	[sflag:s19] =	ssyncadd.s32 $0xFFFFC000  }
0x96: {  	[hbm4b:s1+s2] =	stream.linear.scatter [tilespmem:s11], [sflag:$0xA], $0x4000, $0x38;
	[tilespmem:$0x19000] =	vst v63  }
0x97: {  	_ =	swait.ge [sflag:s15], $0x4000  }
0x98: {  	s1 =	sld [smem:$0x7F8]  }
0x99: {  	[sflag:s15] =	ssyncset.done $0x0  }
0x9a: {  	[sflag:s15] =	ssyncadd.s32 $0xFFFFC000  }
0x9b: {  	[tilespmem:s14], [sflag:$0x3] =	stream.indirect.gather [hbm4b:s3+s8], $0x80, s1, s8, $0xb8;
	[tilespmem:$0x19000] =	vst v63  }
0x9c: {  	_ =	swait.ge [sflag:s20], $0x4000  }
0x9d: {  	[sflag:s20] =	ssyncset.done $0x0  }
0x9e: {  	s1 =	rddreg [dreg:$0xe];
	[sflag:s20] =	ssyncadd.s32 $0xFFFFC000  }
0x9f: {  	[hbm4b:s1+s2] =	stream.linear.scatter [tilespmem:s12], [sflag:$0xB], $0x4000, $0x38;
	[tilespmem:$0x19000] =	vst v63  }
0xa0: {  	_ =	swait.ge [sflag:s16], $0x4000  }
0xa1: {  	s1 =	sld [smem:$0x7F9]  }
0xa2: {  	[sflag:s16] =	ssyncset.done $0x0  }
0xa3: {  	[sflag:s16] =	ssyncadd.s32 $0xFFFFC000  }
0xa4: {  	[tilespmem:s11], [sflag:$0x4] =	stream.indirect.gather [hbm4b:s3+s8], $0x80, s1, s8, $0xb8;
	[tilespmem:$0x19000] =	vst v63  }
0xa5: {  	_ =	swait.ge [sflag:s9], $0x4000  }
0xa6: {  	[sflag:s9] =	ssyncset.done $0x0  }
0xa7: {  	s1 =	rddreg [dreg:$0xf];
	[sflag:s9] =	ssyncadd.s32 $0xFFFFC000  }
0xa8: {  	[hbm4b:s1+s2] =	stream.linear.scatter [tilespmem:s13], [sflag:$0xC], $0x4000, $0x38;
	[tilespmem:$0x19000] =	vst v63  }
0xa9: {  	_ =	swait.ge [sflag:s17], $0x4000  }
0xaa: {  	s1 =	sld [smem:$0x7FA]  }
0xab: {  	[sflag:s17] =	ssyncset.done $0x0  }
0xac: {  	[sflag:s17] =	ssyncadd.s32 $0xFFFFC000  }
0xad: {  	[tilespmem:s12], [sflag:$0x5] =	stream.indirect.gather [hbm4b:s3+s8], $0x80, s1, s8, $0xb8;
	[tilespmem:$0x19000] =	vst v63  }
0xae: {  	_ =	swait.ge [sflag:s10], $0x4000  }
0xaf: {  	[sflag:s10] =	ssyncset.done $0x0  }
0xb0: {  	s1 =	rddreg [dreg:$0x10];
	[sflag:s10] =	ssyncadd.s32 $0xFFFFC000  }
0xb1: {  	[hbm4b:s1+s2] =	stream.linear.scatter [tilespmem:s4], [sflag:$0x7], $0x4000, $0x38;
	[tilespmem:$0x19000] =	vst v63  }
0xb2: {  	_ =	swait.ge [sflag:s18], $0x4000  }
0xb3: {  	s1 =	sld [smem:$0x7FB]  }
0xb4: {  	[sflag:s18] =	ssyncset.done $0x0  }
0xb5: {  	[sflag:s18] =	ssyncadd.s32 $0xFFFFC000  }
0xb6: {  	[tilespmem:s13], [sflag:$0x6] =	stream.indirect.gather [hbm4b:s3+s8], $0x80, s1, s8, $0xb8;
	[tilespmem:$0x19000] =	vst v63  }
0xb7: {  	_ =	swait.ge [sflag:s22], $0x4000  }
0xb8: {  	[sflag:s22] =	ssyncset.done $0x0  }
0xb9: {  	s1 =	rddreg [dreg:$0x11];
	[sflag:s22] =	ssyncadd.s32 $0xFFFFC000  }
0xba: {  	[hbm4b:s1+s2] =	stream.linear.scatter [tilespmem:s5], [sflag:$0x8], $0x4000, $0x38;
	[tilespmem:$0x19000] =	vst v63  }
0xbb: {  	_ =	swait.ge [sflag:s6], $0x4000  }
0xbc: {  	s1 =	sld [smem:$0x7FC]  }
0xbd: {  	[sflag:s6] =	ssyncset.done $0x0  }
0xbe: {  	[sflag:s6] =	ssyncadd.s32 $0xFFFFC000  }
0xbf: {  	[tilespmem:s4], [sflag:$0x1] =	stream.indirect.gather [hbm4b:s3+s8], $0x80, s1, s8, $0xb8;
	[tilespmem:$0x19000] =	vst v63  }
0xc0: {  	_ =	swait.ge [sflag:s21], $0x4000  }
0xc1: {  	[sflag:s21] =	ssyncset.done $0x0  }
0xc2: {  	s1 =	rddreg [dreg:$0x12];
	[sflag:s21] =	ssyncadd.s32 $0xFFFFC000  }
0xc3: {  	[hbm4b:s1+s2] =	stream.linear.scatter [tilespmem:s14], [sflag:$0x9], $0x4000, $0x38;
	[tilespmem:$0x19000] =	vst v63  }
0xc4: {  	_ =	swait.ge [sflag:s7], $0x4000  }
0xc5: {  	s1 =	sld [smem:$0x7FD]  }
0xc6: {  	[sflag:s7] =	ssyncset.done $0x0  }
0xc7: {  	[sflag:s7] =	ssyncadd.s32 $0xFFFFC000  }
0xc8: {  	[tilespmem:s5], [sflag:$0x2] =	stream.indirect.gather [hbm4b:s3+s8], $0x80, s1, s8, $0xb8;
	[tilespmem:$0x19000] =	vst v63  }
0xc9: {  	_ =	swait.ge [sflag:s19], $0x4000  }
0xca: {  	[sflag:s19] =	ssyncset.done $0x0  }
0xcb: {  	s1 =	rddreg [dreg:$0x13];
	[sflag:s19] =	ssyncadd.s32 $0xFFFFC000  }
0xcc: {  	[hbm4b:s1+s2] =	stream.linear.scatter [tilespmem:s11], [sflag:$0xA], $0x4000, $0x38;
	[tilespmem:$0x19000] =	vst v63  }
0xcd: {  	_ =	swait.ge [sflag:s15], $0x4000  }
0xce: {  	[sflag:s15] =	ssyncset.done $0x0  }
0xcf: {  	s1 =	simm.s32 $0xA00;
	[sflag:s15] =	ssyncadd.s32 $0xFFFFC000  }
0xd0: {  	[tilespmem:s14], [sflag:$0x3] =	stream.indirect.gather [hbm4b:s3+s8], $0x80, s1, s8, $0xb8;
	[tilespmem:$0x19000] =	vst v63  }
0xd1: {  	_ =	swait.ge [sflag:s20], $0x4000  }
0xd2: {  	[sflag:s20] =	ssyncset.done $0x0  }
0xd3: {  	s1 =	rddreg [dreg:$0x14];
	[sflag:s20] =	ssyncadd.s32 $0xFFFFC000  }
0xd4: {  	[hbm4b:s1+s2] =	stream.linear.scatter [tilespmem:s12], [sflag:$0xB], $0x4000, $0x38;
	[tilespmem:$0x19000] =	vst v63  }
0xd5: {  	_ =	swait.ge [sflag:s16], $0x4000  }
0xd6: {  	[sflag:s16] =	ssyncset.done $0x0  }
0xd7: {  	[sflag:s16] =	ssyncadd.s32 $0xFFFFC000  }
0xd8: {  	[tilespmem:s11], [sflag:$0x4] =	stream.indirect.gather [hbm4b:s3+s8], $0x80, s29, s8, $0xb8;
	[tilespmem:$0x19000] =	vst v63  }
0xd9: {  	_ =	swait.ge [sflag:s9], $0x4000  }
0xda: {  	[sflag:s9] =	ssyncset.done $0x0  }
0xdb: {  	s1 =	rddreg [dreg:$0x15];
	[sflag:s9] =	ssyncadd.s32 $0xFFFFC000  }
0xdc: {  	[hbm4b:s1+s2] =	stream.linear.scatter [tilespmem:s13], [sflag:$0xC], $0x4000, $0x38;
	[tilespmem:$0x19000] =	vst v63  }
0xdd: {  	_ =	swait.ge [sflag:s17], $0x4000  }
0xde: {  	[sflag:s17] =	ssyncset.done $0x0  }
0xdf: {  	[sflag:s17] =	ssyncadd.s32 $0xFFFFC000  }
0xe0: {  	[tilespmem:s12], [sflag:$0x5] =	stream.indirect.gather [hbm4b:s3+s8], $0x80, s28, s8, $0xb8;
	[tilespmem:$0x19000] =	vst v63  }
0xe1: {  	_ =	swait.ge [sflag:s10], $0x4000  }
0xe2: {  	[sflag:s10] =	ssyncset.done $0x0  }
0xe3: {  	s1 =	rddreg [dreg:$0x16];
	[sflag:s10] =	ssyncadd.s32 $0xFFFFC000  }
0xe4: {  	[hbm4b:s1+s2] =	stream.linear.scatter [tilespmem:s4], [sflag:$0x7], $0x4000, $0x38;
	[tilespmem:$0x19000] =	vst v63  }
0xe5: {  	_ =	swait.ge [sflag:s18], $0x4000  }
0xe6: {  	[sflag:s18] =	ssyncset.done $0x0  }
0xe7: {  	[sflag:s18] =	ssyncadd.s32 $0xFFFFC000  }
0xe8: {  	[tilespmem:s13], [sflag:$0x6] =	stream.indirect.gather [hbm4b:s3+s8], $0x80, s26, s8, $0xb8;
	[tilespmem:$0x19000] =	vst v63  }
0xe9: {  	_ =	swait.ge [sflag:s22], $0x4000  }
0xea: {  	[sflag:s22] =	ssyncset.done $0x0  }
0xeb: {  	s1 =	rddreg [dreg:$0x17];
	[sflag:s22] =	ssyncadd.s32 $0xFFFFC000  }
0xec: {  	[hbm4b:s1+s2] =	stream.linear.scatter [tilespmem:s5], [sflag:$0x8], $0x4000, $0x38;
	[tilespmem:$0x19000] =	vst v63  }
0xed: {  	_ =	swait.ge [sflag:s6], $0x4000  }
0xee: {  	[sflag:s6] =	ssyncset.done $0x0  }
0xef: {  	[sflag:s6] =	ssyncadd.s32 $0xFFFFC000  }
0xf0: {  	[tilespmem:s4], [sflag:$0x1] =	stream.indirect.gather [hbm4b:s3+s8], $0x80, s25, s8, $0xb8;
	[tilespmem:$0x19000] =	vst v63  }
0xf1: {  	_ =	swait.ge [sflag:s21], $0x4000  }
0xf2: {  	[sflag:s21] =	ssyncset.done $0x0  }
0xf3: {  	s1 =	rddreg [dreg:$0x18];
	[sflag:s21] =	ssyncadd.s32 $0xFFFFC000  }
0xf4: {  	[hbm4b:s1+s2] =	stream.linear.scatter [tilespmem:s14], [sflag:$0x9], $0x4000, $0x38;
	[tilespmem:$0x19000] =	vst v63  }
0xf5: {  	_ =	swait.ge [sflag:s7], $0x4000  }
0xf6: {  	[sflag:s7] =	ssyncset.done $0x0  }
0xf7: {  	[sflag:s7] =	ssyncadd.s32 $0xFFFFC000  }
0xf8: {  	[tilespmem:s5], [sflag:$0x2] =	stream.indirect.gather [hbm4b:s3+s8], $0x80, s24, s8, $0xb8;
	[tilespmem:$0x19000] =	vst v63  }
0xf9: {  	_ =	swait.ge [sflag:s19], $0x4000  }
0xfa: {  	[sflag:s19] =	ssyncset.done $0x0  }
0xfb: {  	s1 =	rddreg [dreg:$0x19];
	[sflag:s19] =	ssyncadd.s32 $0xFFFFC000  }
0xfc: {  	[hbm4b:s1+s2] =	stream.linear.scatter [tilespmem:s11], [sflag:$0xA], $0x4000, $0x38;
	[tilespmem:$0x19000] =	vst v63  }
0xfd: {  	_ =	swait.ge [sflag:s20], $0x4000  }
0xfe: {  	[sflag:s20] =	ssyncset.done $0x0  }
0xff: {  	s1 =	rddreg [dreg:$0x1a];
	[sflag:s20] =	ssyncadd.s32 $0xFFFFC000  }
0x100: {  	[hbm4b:s1+s2] =	stream.linear.scatter [tilespmem:s12], [sflag:$0xB], $0x4000, $0x38;
	[tilespmem:$0x19000] =	vst v63  }
0x101: {  	_ =	swait.ge [sflag:s9], $0x4000  }
0x102: {  	[sflag:s9] =	ssyncset.done $0x0  }
0x103: {  	s1 =	rddreg [dreg:$0x1b];
	[sflag:s9] =	ssyncadd.s32 $0xFFFFC000  }
0x104: {  	[hbm4b:s1+s2] =	stream.linear.scatter [tilespmem:s13], [sflag:$0xC], $0x4000, $0x38;
	[tilespmem:$0x19000] =	vst v63  }
0x105: {  	_ =	swait.ge [sflag:s10], $0x4000  }
0x106: {  	[sflag:s10] =	ssyncset.done $0x0  }
0x107: {  	s0 =	rddreg [dreg:$0x1c];
	[sflag:s10] =	ssyncadd.s32 $0xFFFFC000  }
0x108: {  	[hbm4b:s0+s2] =	stream.linear.scatter [tilespmem:s4], [sflag:$0x7], $0x4000, $0x38;
	[tilespmem:$0x19000] =	vst v63  }
0x109: {  	s1 =	rddreg [dreg:$0x1d]  }
0x10a: {  	[hbm4b:s1+s2] =	stream.linear.scatter [tilespmem:s5], [sflag:$0x8], $0x4000, $0x38;
	[tilespmem:$0x19000] =	vst v63  }
0x10b: {  	_ =	swait.ge [sflag:s15], $0x4000  }
0x10c: {  	[sflag:s15] =	ssyncset.done $0x0  }
0x10d: {  	[sflag:s15] =	ssyncadd.s32 $0xFFFFC000  }
0x10e: {  	_ =	swait.ge [sflag:s16], $0x4000  }
0x10f: {  	[sflag:s16] =	ssyncset.done $0x0  }
0x110: {  	[sflag:s16] =	ssyncadd.s32 $0xFFFFC000  }
0x111: {  	_ =	swait.ge [sflag:s17], $0x4000  }
0x112: {  	[sflag:s17] =	ssyncset.done $0x0  }
0x113: {  	[sflag:s17] =	ssyncadd.s32 $0xFFFFC000  }
0x114: {  	_ =	swait.ge [sflag:s18], $0x4000  }
0x115: {  	[sflag:s18] =	ssyncset.done $0x0  }
0x116: {  	p1 =	sne.s32 s23, $0x1;
	[sflag:s18] =	ssyncadd.s32 $0xFFFFC000  }
.Ltmp1:
0x117: {  	_ =	swait.ge [sflag:s6], $0x4000;
	(pc) =	sbr.rel @!p1 .LBB2_3-.Ltmp1, $4  }
0x118: {  	[sflag:s6] =	ssyncset.done $0x0  }
0x119: {  	[sflag:s6] =	ssyncadd.s32 $0xFFFFC000  }
0x11a: {  	p0 =	por $0x1, $0x1;
	_ =	swait.ge [sflag:s7], $0x4000  }
0x11b: {  	s1 =	sadd.s32 $0xFFFFFFFF, s23;
	s0 =	rddreg [dreg:$0x4];
	[sflag:s7] =	ssyncset.done $0x0  }
.LBB2_4:
0x11c: {  	[sflag:s7] =	ssyncadd.s32 $0xFFFFC000  }
0x11d: {  	[tilespmem:s2], [sflag:$0xD] =	stream.linear.gather [hbm4b:s0+s2], $0xD00, $0x38;
	[tilespmem:$0x19000] =	vst v63  }
0x11e: {  	_ =	swait.ge [sflag:s31], $0xD00  }
0x11f: {  	[sflag:s31] =	ssyncset.done $0x0  }
0x120: {  	[sflag:s31] =	ssyncadd.s32 $0xFFFFF300  }
0x121: {  	[tilespmem:s4], [sflag:$0x1] =	stream.indirect.gather [hbm4b:s3+s8], $0x80, s2, s8, $0xb8;
	[tilespmem:$0x19000] =	vst v63  }
0x122: {  	_ = 	snop  }
0x123: {  	[tilespmem:s5], [sflag:$0x2] =	stream.indirect.gather [hbm4b:s3+s8], $0x80, s8, s8, $0xb8;
	[tilespmem:$0x19000] =	vst v63  }
0x124: {  	s0 =	rddreg [dreg:$0x1e]  }
0x125: {  	[tilespmem:s14], [sflag:$0x3] =	stream.indirect.gather [hbm4b:s3+s8], $0x80, s0, s8, $0xb8;
	[tilespmem:$0x19000] =	vst v63  }
0x126: {  	s23 =	rddreg [dreg:$0x1f]  }
0x127: {  	[tilespmem:s11], [sflag:$0x4] =	stream.indirect.gather [hbm4b:s3+s8], $0x80, s23, s8, $0xb8;
	[tilespmem:$0x19000] =	vst v63  }
0x128: {  	_ =	swait.ge [sflag:s9], $0x4000  }
0x129: {  	s23 =	sld [smem:$0x7EE]  }
0x12a: {  	[sflag:s9] =	ssyncset.done $0x0  }
0x12b: {  	[sflag:s9] =	ssyncadd.s32 $0xFFFFC000  }
0x12c: {  	[tilespmem:s12], [sflag:$0x5] =	stream.indirect.gather [hbm4b:s3+s8], $0x80, s23, s8, $0xb8;
	[tilespmem:$0x19000] =	vst v63  }
0x12d: {  	_ =	swait.ge [sflag:s10], $0x4000  }
0x12e: {  	[sflag:s10] =	ssyncset.done $0x0  }
0x12f: {  	s23 =	sld [smem:$0x7EF];
	[sflag:s10] =	ssyncadd.s32 $0xFFFFC000  }
0x130: {  	[hbm4b:s30+s2] =	stream.linear.scatter [tilespmem:s4], [sflag:$0x7], $0x4000, $0x38;
	[tilespmem:$0x19000] =	vst v63  }
0x131: {  	_ = 	snop  }
0x132: {  	[tilespmem:s13], [sflag:$0x6] =	stream.indirect.gather [hbm4b:s3+s8], $0x80, s23, s8, $0xb8;
	[tilespmem:$0x19000] =	vst v63  }
0x133: {  	_ =	swait.ge [sflag:s22], $0x4000  }
0x134: {  	[sflag:s22] =	ssyncset.done $0x0  }
0x135: {  	s23 =	rddreg [dreg:$0x5];
	[sflag:s22] =	ssyncadd.s32 $0xFFFFC000  }
0x136: {  	[hbm4b:s23+s2] =	stream.linear.scatter [tilespmem:s5], [sflag:$0x8], $0x4000, $0x38;
	[tilespmem:$0x19000] =	vst v63  }
0x137: {  	_ =	swait.ge [sflag:s6], $0x4000  }
0x138: {  	s23 =	sld [smem:$0x7F0]  }
0x139: {  	[sflag:s6] =	ssyncset.done $0x0  }
0x13a: {  	[sflag:s6] =	ssyncadd.s32 $0xFFFFC000  }
0x13b: {  	[tilespmem:s4], [sflag:$0x1] =	stream.indirect.gather [hbm4b:s3+s8], $0x80, s23, s8, $0xb8;
	[tilespmem:$0x19000] =	vst v63  }
0x13c: {  	_ =	swait.ge [sflag:s21], $0x4000  }
0x13d: {  	[sflag:s21] =	ssyncset.done $0x0  }
0x13e: {  	s23 =	rddreg [dreg:$0x6];
	[sflag:s21] =	ssyncadd.s32 $0xFFFFC000  }
0x13f: {  	[hbm4b:s23+s2] =	stream.linear.scatter [tilespmem:s14], [sflag:$0x9], $0x4000, $0x38;
	[tilespmem:$0x19000] =	vst v63  }
0x140: {  	_ =	swait.ge [sflag:s7], $0x4000  }
0x141: {  	s23 =	sld [smem:$0x7F1]  }
0x142: {  	[sflag:s7] =	ssyncset.done $0x0  }
0x143: {  	[sflag:s7] =	ssyncadd.s32 $0xFFFFC000  }
0x144: {  	[tilespmem:s5], [sflag:$0x2] =	stream.indirect.gather [hbm4b:s3+s8], $0x80, s23, s8, $0xb8;
	[tilespmem:$0x19000] =	vst v63  }
0x145: {  	_ =	swait.ge [sflag:s19], $0x4000  }
0x146: {  	[sflag:s19] =	ssyncset.done $0x0  }
0x147: {  	s23 =	rddreg [dreg:$0x7];
	[sflag:s19] =	ssyncadd.s32 $0xFFFFC000  }
0x148: {  	[hbm4b:s23+s2] =	stream.linear.scatter [tilespmem:s11], [sflag:$0xA], $0x4000, $0x38;
	[tilespmem:$0x19000] =	vst v63  }
0x149: {  	_ =	swait.ge [sflag:s15], $0x4000  }
0x14a: {  	s23 =	sld [smem:$0x7F2]  }
0x14b: {  	[sflag:s15] =	ssyncset.done $0x0  }
0x14c: {  	[sflag:s15] =	ssyncadd.s32 $0xFFFFC000  }
0x14d: {  	[tilespmem:s14], [sflag:$0x3] =	stream.indirect.gather [hbm4b:s3+s8], $0x80, s23, s8, $0xb8;
	[tilespmem:$0x19000] =	vst v63  }
0x14e: {  	_ =	swait.ge [sflag:s20], $0x4000  }
0x14f: {  	[sflag:s20] =	ssyncset.done $0x0  }
0x150: {  	s23 =	rddreg [dreg:$0x8];
	[sflag:s20] =	ssyncadd.s32 $0xFFFFC000  }
0x151: {  	[hbm4b:s23+s2] =	stream.linear.scatter [tilespmem:s12], [sflag:$0xB], $0x4000, $0x38;
	[tilespmem:$0x19000] =	vst v63  }
0x152: {  	_ =	swait.ge [sflag:s16], $0x4000  }
0x153: {  	s23 =	sld [smem:$0x7F3]  }
0x154: {  	[sflag:s16] =	ssyncset.done $0x0  }
0x155: {  	[sflag:s16] =	ssyncadd.s32 $0xFFFFC000  }
0x156: {  	[tilespmem:s11], [sflag:$0x4] =	stream.indirect.gather [hbm4b:s3+s8], $0x80, s23, s8, $0xb8;
	[tilespmem:$0x19000] =	vst v63  }
0x157: {  	_ =	swait.ge [sflag:s9], $0x4000  }
0x158: {  	[sflag:s9] =	ssyncset.done $0x0  }
0x159: {  	s23 =	rddreg [dreg:$0x9];
	[sflag:s9] =	ssyncadd.s32 $0xFFFFC000  }
0x15a: {  	[hbm4b:s23+s2] =	stream.linear.scatter [tilespmem:s13], [sflag:$0xC], $0x4000, $0x38;
	[tilespmem:$0x19000] =	vst v63  }
0x15b: {  	_ =	swait.ge [sflag:s17], $0x4000  }
0x15c: {  	s23 =	sld [smem:$0x7F4]  }
0x15d: {  	[sflag:s17] =	ssyncset.done $0x0  }
0x15e: {  	[sflag:s17] =	ssyncadd.s32 $0xFFFFC000  }
0x15f: {  	[tilespmem:s12], [sflag:$0x5] =	stream.indirect.gather [hbm4b:s3+s8], $0x80, s23, s8, $0xb8;
	[tilespmem:$0x19000] =	vst v63  }
0x160: {  	_ =	swait.ge [sflag:s10], $0x4000  }
0x161: {  	[sflag:s10] =	ssyncset.done $0x0  }
0x162: {  	s23 =	rddreg [dreg:$0xa];
	[sflag:s10] =	ssyncadd.s32 $0xFFFFC000  }
0x163: {  	[hbm4b:s23+s2] =	stream.linear.scatter [tilespmem:s4], [sflag:$0x7], $0x4000, $0x38;
	[tilespmem:$0x19000] =	vst v63  }
0x164: {  	_ =	swait.ge [sflag:s18], $0x4000  }
0x165: {  	s23 =	sld [smem:$0x7F5]  }
0x166: {  	[sflag:s18] =	ssyncset.done $0x0  }
0x167: {  	[sflag:s18] =	ssyncadd.s32 $0xFFFFC000  }
0x168: {  	[tilespmem:s13], [sflag:$0x6] =	stream.indirect.gather [hbm4b:s3+s8], $0x80, s23, s8, $0xb8;
	[tilespmem:$0x19000] =	vst v63  }
0x169: {  	_ =	swait.ge [sflag:s22], $0x4000  }
0x16a: {  	[sflag:s22] =	ssyncset.done $0x0  }
0x16b: {  	s23 =	rddreg [dreg:$0xb];
	[sflag:s22] =	ssyncadd.s32 $0xFFFFC000  }
0x16c: {  	[hbm4b:s23+s2] =	stream.linear.scatter [tilespmem:s5], [sflag:$0x8], $0x4000, $0x38;
	[tilespmem:$0x19000] =	vst v63  }
0x16d: {  	_ =	swait.ge [sflag:s6], $0x4000  }
0x16e: {  	s23 =	sld [smem:$0x7F6]  }
0x16f: {  	[sflag:s6] =	ssyncset.done $0x0  }
0x170: {  	[sflag:s6] =	ssyncadd.s32 $0xFFFFC000  }
0x171: {  	[tilespmem:s4], [sflag:$0x1] =	stream.indirect.gather [hbm4b:s3+s8], $0x80, s23, s8, $0xb8;
	[tilespmem:$0x19000] =	vst v63  }
0x172: {  	_ =	swait.ge [sflag:s21], $0x4000  }
0x173: {  	[sflag:s21] =	ssyncset.done $0x0  }
0x174: {  	s23 =	rddreg [dreg:$0xc];
	[sflag:s21] =	ssyncadd.s32 $0xFFFFC000  }
0x175: {  	[hbm4b:s23+s2] =	stream.linear.scatter [tilespmem:s14], [sflag:$0x9], $0x4000, $0x38;
	[tilespmem:$0x19000] =	vst v63  }
0x176: {  	_ =	swait.ge [sflag:s7], $0x4000  }
0x177: {  	s23 =	sld [smem:$0x7F7]  }
0x178: {  	[sflag:s7] =	ssyncset.done $0x0  }
0x179: {  	[sflag:s7] =	ssyncadd.s32 $0xFFFFC000  }
0x17a: {  	[tilespmem:s5], [sflag:$0x2] =	stream.indirect.gather [hbm4b:s3+s8], $0x80, s23, s8, $0xb8;
	[tilespmem:$0x19000] =	vst v63  }
0x17b: {  	_ =	swait.ge [sflag:s19], $0x4000  }
0x17c: {  	[sflag:s19] =	ssyncset.done $0x0  }
0x17d: {  	s23 =	rddreg [dreg:$0xd];
	[sflag:s19] =	ssyncadd.s32 $0xFFFFC000  }
0x17e: {  	[hbm4b:s23+s2] =	stream.linear.scatter [tilespmem:s11], [sflag:$0xA], $0x4000, $0x38;
	[tilespmem:$0x19000] =	vst v63  }
0x17f: {  	_ =	swait.ge [sflag:s15], $0x4000  }
0x180: {  	s23 =	sld [smem:$0x7F8]  }
0x181: {  	[sflag:s15] =	ssyncset.done $0x0  }
0x182: {  	[sflag:s15] =	ssyncadd.s32 $0xFFFFC000  }
0x183: {  	[tilespmem:s14], [sflag:$0x3] =	stream.indirect.gather [hbm4b:s3+s8], $0x80, s23, s8, $0xb8;
	[tilespmem:$0x19000] =	vst v63  }
0x184: {  	_ =	swait.ge [sflag:s20], $0x4000  }
0x185: {  	[sflag:s20] =	ssyncset.done $0x0  }
0x186: {  	s23 =	rddreg [dreg:$0xe];
	[sflag:s20] =	ssyncadd.s32 $0xFFFFC000  }
0x187: {  	[hbm4b:s23+s2] =	stream.linear.scatter [tilespmem:s12], [sflag:$0xB], $0x4000, $0x38;
	[tilespmem:$0x19000] =	vst v63  }
0x188: {  	_ =	swait.ge [sflag:s16], $0x4000  }
0x189: {  	s23 =	sld [smem:$0x7F9]  }
0x18a: {  	[sflag:s16] =	ssyncset.done $0x0  }
0x18b: {  	[sflag:s16] =	ssyncadd.s32 $0xFFFFC000  }
0x18c: {  	[tilespmem:s11], [sflag:$0x4] =	stream.indirect.gather [hbm4b:s3+s8], $0x80, s23, s8, $0xb8;
	[tilespmem:$0x19000] =	vst v63  }
0x18d: {  	_ =	swait.ge [sflag:s9], $0x4000  }
0x18e: {  	[sflag:s9] =	ssyncset.done $0x0  }
0x18f: {  	s23 =	rddreg [dreg:$0xf];
	[sflag:s9] =	ssyncadd.s32 $0xFFFFC000  }
0x190: {  	[hbm4b:s23+s2] =	stream.linear.scatter [tilespmem:s13], [sflag:$0xC], $0x4000, $0x38;
	[tilespmem:$0x19000] =	vst v63  }
0x191: {  	_ =	swait.ge [sflag:s17], $0x4000  }
0x192: {  	s23 =	sld [smem:$0x7FA]  }
0x193: {  	[sflag:s17] =	ssyncset.done $0x0  }
0x194: {  	[sflag:s17] =	ssyncadd.s32 $0xFFFFC000  }
0x195: {  	[tilespmem:s12], [sflag:$0x5] =	stream.indirect.gather [hbm4b:s3+s8], $0x80, s23, s8, $0xb8;
	[tilespmem:$0x19000] =	vst v63  }
0x196: {  	_ =	swait.ge [sflag:s10], $0x4000  }
0x197: {  	[sflag:s10] =	ssyncset.done $0x0  }
0x198: {  	s23 =	rddreg [dreg:$0x10];
	[sflag:s10] =	ssyncadd.s32 $0xFFFFC000  }
0x199: {  	[hbm4b:s23+s2] =	stream.linear.scatter [tilespmem:s4], [sflag:$0x7], $0x4000, $0x38;
	[tilespmem:$0x19000] =	vst v63  }
0x19a: {  	_ =	swait.ge [sflag:s18], $0x4000  }
0x19b: {  	s23 =	sld [smem:$0x7FB]  }
0x19c: {  	[sflag:s18] =	ssyncset.done $0x0  }
0x19d: {  	[sflag:s18] =	ssyncadd.s32 $0xFFFFC000  }
0x19e: {  	[tilespmem:s13], [sflag:$0x6] =	stream.indirect.gather [hbm4b:s3+s8], $0x80, s23, s8, $0xb8;
	[tilespmem:$0x19000] =	vst v63  }
0x19f: {  	_ =	swait.ge [sflag:s22], $0x4000  }
0x1a0: {  	[sflag:s22] =	ssyncset.done $0x0  }
0x1a1: {  	s23 =	rddreg [dreg:$0x11];
	[sflag:s22] =	ssyncadd.s32 $0xFFFFC000  }
0x1a2: {  	[hbm4b:s23+s2] =	stream.linear.scatter [tilespmem:s5], [sflag:$0x8], $0x4000, $0x38;
	[tilespmem:$0x19000] =	vst v63  }
0x1a3: {  	_ =	swait.ge [sflag:s6], $0x4000  }
0x1a4: {  	s23 =	sld [smem:$0x7FC]  }
0x1a5: {  	[sflag:s6] =	ssyncset.done $0x0  }
0x1a6: {  	[sflag:s6] =	ssyncadd.s32 $0xFFFFC000  }
0x1a7: {  	[tilespmem:s4], [sflag:$0x1] =	stream.indirect.gather [hbm4b:s3+s8], $0x80, s23, s8, $0xb8;
	[tilespmem:$0x19000] =	vst v63  }
0x1a8: {  	_ =	swait.ge [sflag:s21], $0x4000  }
0x1a9: {  	[sflag:s21] =	ssyncset.done $0x0  }
0x1aa: {  	s23 =	rddreg [dreg:$0x12];
	[sflag:s21] =	ssyncadd.s32 $0xFFFFC000  }
0x1ab: {  	[hbm4b:s23+s2] =	stream.linear.scatter [tilespmem:s14], [sflag:$0x9], $0x4000, $0x38;
	[tilespmem:$0x19000] =	vst v63  }
0x1ac: {  	_ =	swait.ge [sflag:s7], $0x4000  }
0x1ad: {  	s23 =	sld [smem:$0x7FD]  }
0x1ae: {  	[sflag:s7] =	ssyncset.done $0x0  }
0x1af: {  	[sflag:s7] =	ssyncadd.s32 $0xFFFFC000  }
0x1b0: {  	[tilespmem:s5], [sflag:$0x2] =	stream.indirect.gather [hbm4b:s3+s8], $0x80, s23, s8, $0xb8;
	[tilespmem:$0x19000] =	vst v63  }
0x1b1: {  	_ =	swait.ge [sflag:s19], $0x4000  }
0x1b2: {  	[sflag:s19] =	ssyncset.done $0x0  }
0x1b3: {  	s23 =	rddreg [dreg:$0x13];
	[sflag:s19] =	ssyncadd.s32 $0xFFFFC000  }
0x1b4: {  	[hbm4b:s23+s2] =	stream.linear.scatter [tilespmem:s11], [sflag:$0xA], $0x4000, $0x38;
	[tilespmem:$0x19000] =	vst v63  }
0x1b5: {  	_ =	swait.ge [sflag:s15], $0x4000  }
0x1b6: {  	[sflag:s15] =	ssyncset.done $0x0  }
0x1b7: {  	s23 =	simm.s32 $0xA00;
	[sflag:s15] =	ssyncadd.s32 $0xFFFFC000  }
0x1b8: {  	[tilespmem:s14], [sflag:$0x3] =	stream.indirect.gather [hbm4b:s3+s8], $0x80, s23, s8, $0xb8;
	[tilespmem:$0x19000] =	vst v63  }
0x1b9: {  	_ =	swait.ge [sflag:s20], $0x4000  }
0x1ba: {  	[sflag:s20] =	ssyncset.done $0x0  }
0x1bb: {  	s23 =	rddreg [dreg:$0x14];
	[sflag:s20] =	ssyncadd.s32 $0xFFFFC000  }
0x1bc: {  	[hbm4b:s23+s2] =	stream.linear.scatter [tilespmem:s12], [sflag:$0xB], $0x4000, $0x38;
	[tilespmem:$0x19000] =	vst v63  }
0x1bd: {  	_ =	swait.ge [sflag:s16], $0x4000  }
0x1be: {  	[sflag:s16] =	ssyncset.done $0x0  }
0x1bf: {  	[sflag:s16] =	ssyncadd.s32 $0xFFFFC000  }
0x1c0: {  	[tilespmem:s11], [sflag:$0x4] =	stream.indirect.gather [hbm4b:s3+s8], $0x80, s29, s8, $0xb8;
	[tilespmem:$0x19000] =	vst v63  }
0x1c1: {  	_ =	swait.ge [sflag:s9], $0x4000  }
0x1c2: {  	[sflag:s9] =	ssyncset.done $0x0  }
0x1c3: {  	s23 =	rddreg [dreg:$0x15];
	[sflag:s9] =	ssyncadd.s32 $0xFFFFC000  }
0x1c4: {  	[hbm4b:s23+s2] =	stream.linear.scatter [tilespmem:s13], [sflag:$0xC], $0x4000, $0x38;
	[tilespmem:$0x19000] =	vst v63  }
0x1c5: {  	_ =	swait.ge [sflag:s17], $0x4000  }
0x1c6: {  	[sflag:s17] =	ssyncset.done $0x0  }
0x1c7: {  	[sflag:s17] =	ssyncadd.s32 $0xFFFFC000  }
0x1c8: {  	[tilespmem:s12], [sflag:$0x5] =	stream.indirect.gather [hbm4b:s3+s8], $0x80, s28, s8, $0xb8;
	[tilespmem:$0x19000] =	vst v63  }
0x1c9: {  	_ =	swait.ge [sflag:s10], $0x4000  }
0x1ca: {  	[sflag:s10] =	ssyncset.done $0x0  }
0x1cb: {  	s23 =	rddreg [dreg:$0x16];
	[sflag:s10] =	ssyncadd.s32 $0xFFFFC000  }
0x1cc: {  	[hbm4b:s23+s2] =	stream.linear.scatter [tilespmem:s4], [sflag:$0x7], $0x4000, $0x38;
	[tilespmem:$0x19000] =	vst v63  }
0x1cd: {  	_ =	swait.ge [sflag:s18], $0x4000  }
0x1ce: {  	[sflag:s18] =	ssyncset.done $0x0  }
0x1cf: {  	[sflag:s18] =	ssyncadd.s32 $0xFFFFC000  }
0x1d0: {  	[tilespmem:s13], [sflag:$0x6] =	stream.indirect.gather [hbm4b:s3+s8], $0x80, s26, s8, $0xb8;
	[tilespmem:$0x19000] =	vst v63  }
0x1d1: {  	_ =	swait.ge [sflag:s22], $0x4000  }
0x1d2: {  	[sflag:s22] =	ssyncset.done $0x0  }
0x1d3: {  	s23 =	rddreg [dreg:$0x17];
	[sflag:s22] =	ssyncadd.s32 $0xFFFFC000  }
0x1d4: {  	[hbm4b:s23+s2] =	stream.linear.scatter [tilespmem:s5], [sflag:$0x8], $0x4000, $0x38;
	[tilespmem:$0x19000] =	vst v63  }
0x1d5: {  	_ =	swait.ge [sflag:s6], $0x4000  }
0x1d6: {  	[sflag:s6] =	ssyncset.done $0x0  }
0x1d7: {  	[sflag:s6] =	ssyncadd.s32 $0xFFFFC000  }
0x1d8: {  	[tilespmem:s4], [sflag:$0x1] =	stream.indirect.gather [hbm4b:s3+s8], $0x80, s25, s8, $0xb8;
	[tilespmem:$0x19000] =	vst v63  }
0x1d9: {  	_ =	swait.ge [sflag:s21], $0x4000  }
0x1da: {  	[sflag:s21] =	ssyncset.done $0x0  }
0x1db: {  	s23 =	rddreg [dreg:$0x18];
	[sflag:s21] =	ssyncadd.s32 $0xFFFFC000  }
0x1dc: {  	[hbm4b:s23+s2] =	stream.linear.scatter [tilespmem:s14], [sflag:$0x9], $0x4000, $0x38;
	[tilespmem:$0x19000] =	vst v63  }
0x1dd: {  	_ =	swait.ge [sflag:s7], $0x4000  }
0x1de: {  	[sflag:s7] =	ssyncset.done $0x0  }
0x1df: {  	[sflag:s7] =	ssyncadd.s32 $0xFFFFC000  }
0x1e0: {  	[tilespmem:s5], [sflag:$0x2] =	stream.indirect.gather [hbm4b:s3+s8], $0x80, s24, s8, $0xb8;
	[tilespmem:$0x19000] =	vst v63  }
0x1e1: {  	_ =	swait.ge [sflag:s19], $0x4000  }
0x1e2: {  	[sflag:s19] =	ssyncset.done $0x0  }
0x1e3: {  	s23 =	rddreg [dreg:$0x19];
	[sflag:s19] =	ssyncadd.s32 $0xFFFFC000  }
0x1e4: {  	[hbm4b:s23+s2] =	stream.linear.scatter [tilespmem:s11], [sflag:$0xA], $0x4000, $0x38;
	[tilespmem:$0x19000] =	vst v63  }
0x1e5: {  	_ =	swait.ge [sflag:s20], $0x4000  }
0x1e6: {  	[sflag:s20] =	ssyncset.done $0x0  }
0x1e7: {  	s23 =	rddreg [dreg:$0x1a];
	[sflag:s20] =	ssyncadd.s32 $0xFFFFC000  }
0x1e8: {  	[hbm4b:s23+s2] =	stream.linear.scatter [tilespmem:s12], [sflag:$0xB], $0x4000, $0x38;
	[tilespmem:$0x19000] =	vst v63  }
0x1e9: {  	_ =	swait.ge [sflag:s9], $0x4000  }
0x1ea: {  	[sflag:s9] =	ssyncset.done $0x0  }
0x1eb: {  	s23 =	rddreg [dreg:$0x1b];
	[sflag:s9] =	ssyncadd.s32 $0xFFFFC000  }
0x1ec: {  	[hbm4b:s23+s2] =	stream.linear.scatter [tilespmem:s13], [sflag:$0xC], $0x4000, $0x38;
	[tilespmem:$0x19000] =	vst v63  }
0x1ed: {  	_ =	swait.ge [sflag:s10], $0x4000  }
0x1ee: {  	[sflag:s10] =	ssyncset.done $0x0  }
0x1ef: {  	s0 =	rddreg [dreg:$0x1c];
	[sflag:s10] =	ssyncadd.s32 $0xFFFFC000  }
0x1f0: {  	[hbm4b:s0+s2] =	stream.linear.scatter [tilespmem:s4], [sflag:$0x7], $0x4000, $0x38;
	[tilespmem:$0x19000] =	vst v63  }
0x1f1: {  	s23 =	rddreg [dreg:$0x1d]  }
0x1f2: {  	[hbm4b:s23+s2] =	stream.linear.scatter [tilespmem:s5], [sflag:$0x8], $0x4000, $0x38;
	[tilespmem:$0x19000] =	vst v63  }
0x1f3: {  	_ =	swait.ge [sflag:s15], $0x4000  }
0x1f4: {  	[sflag:s15] =	ssyncset.done $0x0  }
0x1f5: {  	[sflag:s15] =	ssyncadd.s32 $0xFFFFC000  }
0x1f6: {  	_ =	swait.ge [sflag:s16], $0x4000  }
0x1f7: {  	[sflag:s16] =	ssyncset.done $0x0  }
0x1f8: {  	[sflag:s16] =	ssyncadd.s32 $0xFFFFC000  }
0x1f9: {  	_ =	swait.ge [sflag:s17], $0x4000  }
0x1fa: {  	[sflag:s17] =	ssyncset.done $0x0  }
0x1fb: {  	[sflag:s17] =	ssyncadd.s32 $0xFFFFC000  }
0x1fc: {  	_ =	swait.ge [sflag:s18], $0x4000  }
0x1fd: {  	[sflag:s18] =	ssyncset.done $0x0  }
0x1fe: {  	p1 =	sne.s32 s1, $0x1;
	[sflag:s18] =	ssyncadd.s32 $0xFFFFC000  }
.Ltmp2:
0x1ff: {  	_ =	swait.ge [sflag:s6], $0x4000;
	(pc) =	sbr.rel @p1 .LBB2_4-.Ltmp2, $4  }
0x200: {  	[sflag:s6] =	ssyncset.done $0x0  }
0x201: {  	[sflag:s6] =	ssyncadd.s32 $0xFFFFC000  }
0x202: {  	_ =	swait.ge [sflag:s7], $0x4000  }
0x203: {  	s1 =	sadd.s32 $0xFFFFFFFF, s1;
	s0 =	rddreg [dreg:$0x4];
	[sflag:s7] =	ssyncset.done $0x0  }
0x204: {  	s24 =	simm.s32 $0xA00;
	s29 =	simm.s32 $0xA80;
	s28 =	simm.s32 $0xB00  }
0x205: {  	s26 =	simm.s32 $0xB80;
	s25 =	simm.s32 $0xC00;
	s23 =	stileid.u32  }
.LBB2_6:
0x206: {  	[sflag:s7] =	ssyncadd.s32 @p0 $0xFFFFC000  }
0x207: {  	[tilespmem:s2], [sflag:$0xD] =	stream.linear.gather [hbm4b:s0+s2], $0xD00, $0x38;
	[tilespmem:$0x19000] =	vst v63  }
0x208: {  	_ =	swait.ge [sflag:s31], $0xD00  }
0x209: {  	[sflag:s31] =	ssyncset.done $0x0  }
0x20a: {  	[sflag:s31] =	ssyncadd.s32 $0xFFFFF300  }
0x20b: {  	[tilespmem:s4], [sflag:$0x1] =	stream.indirect.gather [hbm4b:s3+s8], $0x80, s2, s8, $0xb8;
	[tilespmem:$0x19000] =	vst v63  }
0x20c: {  	_ = 	snop  }
0x20d: {  	[tilespmem:s5], [sflag:$0x2] =	stream.indirect.gather [hbm4b:s3+s8], $0x80, s8, s8, $0xb8;
	[tilespmem:$0x19000] =	vst v63  }
0x20e: {  	s31 =	rddreg [dreg:$0x1e]  }
0x20f: {  	[tilespmem:s14], [sflag:$0x3] =	stream.indirect.gather [hbm4b:s3+s8], $0x80, s31, s8, $0xb8;
	[tilespmem:$0x19000] =	vst v63  }
0x210: {  	s1 =	rddreg [dreg:$0x1f]  }
0x211: {  	[tilespmem:s11], [sflag:$0x4] =	stream.indirect.gather [hbm4b:s3+s8], $0x80, s1, s8, $0xb8;
	[tilespmem:$0x19000] =	vst v63  }
0x212: {  	_ =	swait.ge [sflag:s9], $0x4000  }
0x213: {  	s31 =	sld [smem:$0x7EE]  }
0x214: {  	[sflag:s9] =	ssyncset.done $0x0  }
0x215: {  	[sflag:s9] =	ssyncadd.s32 $0xFFFFC000  }
0x216: {  	[tilespmem:s12], [sflag:$0x5] =	stream.indirect.gather [hbm4b:s3+s8], $0x80, s31, s8, $0xb8;
	[tilespmem:$0x19000] =	vst v63  }
0x217: {  	_ =	swait.ge [sflag:s10], $0x4000  }
0x218: {  	[sflag:s10] =	ssyncset.done $0x0  }
0x219: {  	s1 =	sld [smem:$0x7EF];
	[sflag:s10] =	ssyncadd.s32 $0xFFFFC000  }
0x21a: {  	[hbm4b:s30+s2] =	stream.linear.scatter [tilespmem:s4], [sflag:$0x7], $0x4000, $0x38;
	[tilespmem:$0x19000] =	vst v63  }
0x21b: {  	_ = 	snop  }
0x21c: {  	[tilespmem:s13], [sflag:$0x6] =	stream.indirect.gather [hbm4b:s3+s8], $0x80, s1, s8, $0xb8;
	[tilespmem:$0x19000] =	vst v63  }
0x21d: {  	_ =	swait.ge [sflag:s22], $0x4000  }
0x21e: {  	[sflag:s22] =	ssyncset.done $0x0  }
0x21f: {  	s31 =	rddreg [dreg:$0x5];
	[sflag:s22] =	ssyncadd.s32 $0xFFFFC000  }
0x220: {  	[hbm4b:s31+s2] =	stream.linear.scatter [tilespmem:s5], [sflag:$0x8], $0x4000, $0x38;
	[tilespmem:$0x19000] =	vst v63  }
0x221: {  	_ =	swait.ge [sflag:s6], $0x4000  }
0x222: {  	s1 =	sld [smem:$0x7F0]  }
0x223: {  	[sflag:s6] =	ssyncset.done $0x0  }
0x224: {  	[sflag:s6] =	ssyncadd.s32 $0xFFFFC000  }
0x225: {  	[tilespmem:s4], [sflag:$0x1] =	stream.indirect.gather [hbm4b:s3+s8], $0x80, s1, s8, $0xb8;
	[tilespmem:$0x19000] =	vst v63  }
0x226: {  	_ =	swait.ge [sflag:s21], $0x4000  }
0x227: {  	[sflag:s21] =	ssyncset.done $0x0  }
0x228: {  	s30 =	rddreg [dreg:$0x6];
	[sflag:s21] =	ssyncadd.s32 $0xFFFFC000  }
0x229: {  	[hbm4b:s30+s2] =	stream.linear.scatter [tilespmem:s14], [sflag:$0x9], $0x4000, $0x38;
	[tilespmem:$0x19000] =	vst v63  }
0x22a: {  	_ =	swait.ge [sflag:s7], $0x4000  }
0x22b: {  	s31 =	sld [smem:$0x7F1]  }
0x22c: {  	[sflag:s7] =	ssyncset.done $0x0  }
0x22d: {  	[sflag:s7] =	ssyncadd.s32 $0xFFFFC000  }
0x22e: {  	[tilespmem:s5], [sflag:$0x2] =	stream.indirect.gather [hbm4b:s3+s8], $0x80, s31, s8, $0xb8;
	[tilespmem:$0x19000] =	vst v63  }
0x22f: {  	_ =	swait.ge [sflag:s19], $0x4000  }
0x230: {  	[sflag:s19] =	ssyncset.done $0x0  }
0x231: {  	s1 =	rddreg [dreg:$0x7];
	[sflag:s19] =	ssyncadd.s32 $0xFFFFC000  }
0x232: {  	[hbm4b:s1+s2] =	stream.linear.scatter [tilespmem:s11], [sflag:$0xA], $0x4000, $0x38;
	[tilespmem:$0x19000] =	vst v63  }
0x233: {  	_ =	swait.ge [sflag:s15], $0x4000  }
0x234: {  	s30 =	sld [smem:$0x7F2]  }
0x235: {  	[sflag:s15] =	ssyncset.done $0x0  }
0x236: {  	[sflag:s15] =	ssyncadd.s32 $0xFFFFC000  }
0x237: {  	[tilespmem:s14], [sflag:$0x3] =	stream.indirect.gather [hbm4b:s3+s8], $0x80, s30, s8, $0xb8;
	[tilespmem:$0x19000] =	vst v63  }
0x238: {  	_ =	swait.ge [sflag:s20], $0x4000  }
0x239: {  	[sflag:s20] =	ssyncset.done $0x0  }
0x23a: {  	s31 =	rddreg [dreg:$0x8];
	[sflag:s20] =	ssyncadd.s32 $0xFFFFC000  }
0x23b: {  	[hbm4b:s31+s2] =	stream.linear.scatter [tilespmem:s12], [sflag:$0xB], $0x4000, $0x38;
	[tilespmem:$0x19000] =	vst v63  }
0x23c: {  	_ =	swait.ge [sflag:s16], $0x4000  }
0x23d: {  	s1 =	sld [smem:$0x7F3]  }
0x23e: {  	[sflag:s16] =	ssyncset.done $0x0  }
0x23f: {  	[sflag:s16] =	ssyncadd.s32 $0xFFFFC000  }
0x240: {  	[tilespmem:s11], [sflag:$0x4] =	stream.indirect.gather [hbm4b:s3+s8], $0x80, s1, s8, $0xb8;
	[tilespmem:$0x19000] =	vst v63  }
0x241: {  	_ =	swait.ge [sflag:s9], $0x4000  }
0x242: {  	[sflag:s9] =	ssyncset.done $0x0  }
0x243: {  	s30 =	rddreg [dreg:$0x9];
	[sflag:s9] =	ssyncadd.s32 $0xFFFFC000  }
0x244: {  	[hbm4b:s30+s2] =	stream.linear.scatter [tilespmem:s13], [sflag:$0xC], $0x4000, $0x38;
	[tilespmem:$0x19000] =	vst v63  }
0x245: {  	_ =	swait.ge [sflag:s17], $0x4000  }
0x246: {  	s31 =	sld [smem:$0x7F4]  }
0x247: {  	[sflag:s17] =	ssyncset.done $0x0  }
0x248: {  	[sflag:s17] =	ssyncadd.s32 $0xFFFFC000  }
0x249: {  	[tilespmem:s12], [sflag:$0x5] =	stream.indirect.gather [hbm4b:s3+s8], $0x80, s31, s8, $0xb8;
	[tilespmem:$0x19000] =	vst v63  }
0x24a: {  	_ =	swait.ge [sflag:s10], $0x4000  }
0x24b: {  	[sflag:s10] =	ssyncset.done $0x0  }
0x24c: {  	s1 =	rddreg [dreg:$0xa];
	[sflag:s10] =	ssyncadd.s32 $0xFFFFC000  }
0x24d: {  	[hbm4b:s1+s2] =	stream.linear.scatter [tilespmem:s4], [sflag:$0x7], $0x4000, $0x38;
	[tilespmem:$0x19000] =	vst v63  }
0x24e: {  	_ =	swait.ge [sflag:s18], $0x4000  }
0x24f: {  	s30 =	sld [smem:$0x7F5]  }
0x250: {  	[sflag:s18] =	ssyncset.done $0x0  }
0x251: {  	[sflag:s18] =	ssyncadd.s32 $0xFFFFC000  }
0x252: {  	[tilespmem:s13], [sflag:$0x6] =	stream.indirect.gather [hbm4b:s3+s8], $0x80, s30, s8, $0xb8;
	[tilespmem:$0x19000] =	vst v63  }
0x253: {  	_ =	swait.ge [sflag:s22], $0x4000  }
0x254: {  	[sflag:s22] =	ssyncset.done $0x0  }
0x255: {  	s31 =	rddreg [dreg:$0xb];
	[sflag:s22] =	ssyncadd.s32 $0xFFFFC000  }
0x256: {  	[hbm4b:s31+s2] =	stream.linear.scatter [tilespmem:s5], [sflag:$0x8], $0x4000, $0x38;
	[tilespmem:$0x19000] =	vst v63  }
0x257: {  	_ =	swait.ge [sflag:s6], $0x4000  }
0x258: {  	s1 =	sld [smem:$0x7F6]  }
0x259: {  	[sflag:s6] =	ssyncset.done $0x0  }
0x25a: {  	[sflag:s6] =	ssyncadd.s32 $0xFFFFC000  }
0x25b: {  	[tilespmem:s4], [sflag:$0x1] =	stream.indirect.gather [hbm4b:s3+s8], $0x80, s1, s8, $0xb8;
	[tilespmem:$0x19000] =	vst v63  }
0x25c: {  	_ =	swait.ge [sflag:s21], $0x4000  }
0x25d: {  	[sflag:s21] =	ssyncset.done $0x0  }
0x25e: {  	s30 =	rddreg [dreg:$0xc];
	[sflag:s21] =	ssyncadd.s32 $0xFFFFC000  }
0x25f: {  	[hbm4b:s30+s2] =	stream.linear.scatter [tilespmem:s14], [sflag:$0x9], $0x4000, $0x38;
	[tilespmem:$0x19000] =	vst v63  }
0x260: {  	_ =	swait.ge [sflag:s7], $0x4000  }
0x261: {  	s31 =	sld [smem:$0x7F7]  }
0x262: {  	[sflag:s7] =	ssyncset.done $0x0  }
0x263: {  	[sflag:s7] =	ssyncadd.s32 $0xFFFFC000  }
0x264: {  	[tilespmem:s5], [sflag:$0x2] =	stream.indirect.gather [hbm4b:s3+s8], $0x80, s31, s8, $0xb8;
	[tilespmem:$0x19000] =	vst v63  }
0x265: {  	_ =	swait.ge [sflag:s19], $0x4000  }
0x266: {  	[sflag:s19] =	ssyncset.done $0x0  }
0x267: {  	s1 =	rddreg [dreg:$0xd];
	[sflag:s19] =	ssyncadd.s32 $0xFFFFC000  }
0x268: {  	[hbm4b:s1+s2] =	stream.linear.scatter [tilespmem:s11], [sflag:$0xA], $0x4000, $0x38;
	[tilespmem:$0x19000] =	vst v63  }
0x269: {  	_ =	swait.ge [sflag:s15], $0x4000  }
0x26a: {  	s30 =	sld [smem:$0x7F8]  }
0x26b: {  	[sflag:s15] =	ssyncset.done $0x0  }
0x26c: {  	[sflag:s15] =	ssyncadd.s32 $0xFFFFC000  }
0x26d: {  	[tilespmem:s14], [sflag:$0x3] =	stream.indirect.gather [hbm4b:s3+s8], $0x80, s30, s8, $0xb8;
	[tilespmem:$0x19000] =	vst v63  }
0x26e: {  	_ =	swait.ge [sflag:s20], $0x4000  }
0x26f: {  	[sflag:s20] =	ssyncset.done $0x0  }
0x270: {  	s31 =	rddreg [dreg:$0xe];
	[sflag:s20] =	ssyncadd.s32 $0xFFFFC000  }
0x271: {  	[hbm4b:s31+s2] =	stream.linear.scatter [tilespmem:s12], [sflag:$0xB], $0x4000, $0x38;
	[tilespmem:$0x19000] =	vst v63  }
0x272: {  	_ =	swait.ge [sflag:s16], $0x4000  }
0x273: {  	s1 =	sld [smem:$0x7F9]  }
0x274: {  	[sflag:s16] =	ssyncset.done $0x0  }
0x275: {  	[sflag:s16] =	ssyncadd.s32 $0xFFFFC000  }
0x276: {  	[tilespmem:s11], [sflag:$0x4] =	stream.indirect.gather [hbm4b:s3+s8], $0x80, s1, s8, $0xb8;
	[tilespmem:$0x19000] =	vst v63  }
0x277: {  	_ =	swait.ge [sflag:s9], $0x4000  }
0x278: {  	[sflag:s9] =	ssyncset.done $0x0  }
0x279: {  	s30 =	rddreg [dreg:$0xf];
	[sflag:s9] =	ssyncadd.s32 $0xFFFFC000  }
0x27a: {  	[hbm4b:s30+s2] =	stream.linear.scatter [tilespmem:s13], [sflag:$0xC], $0x4000, $0x38;
	[tilespmem:$0x19000] =	vst v63  }
0x27b: {  	_ =	swait.ge [sflag:s17], $0x4000  }
0x27c: {  	s31 =	sld [smem:$0x7FA]  }
0x27d: {  	[sflag:s17] =	ssyncset.done $0x0  }
0x27e: {  	[sflag:s17] =	ssyncadd.s32 $0xFFFFC000  }
0x27f: {  	[tilespmem:s12], [sflag:$0x5] =	stream.indirect.gather [hbm4b:s3+s8], $0x80, s31, s8, $0xb8;
	[tilespmem:$0x19000] =	vst v63  }
0x280: {  	_ =	swait.ge [sflag:s10], $0x4000  }
0x281: {  	[sflag:s10] =	ssyncset.done $0x0  }
0x282: {  	s1 =	rddreg [dreg:$0x10];
	[sflag:s10] =	ssyncadd.s32 $0xFFFFC000  }
0x283: {  	[hbm4b:s1+s2] =	stream.linear.scatter [tilespmem:s4], [sflag:$0x7], $0x4000, $0x38;
	[tilespmem:$0x19000] =	vst v63  }
0x284: {  	_ =	swait.ge [sflag:s18], $0x4000  }
0x285: {  	s30 =	sld [smem:$0x7FB]  }
0x286: {  	[sflag:s18] =	ssyncset.done $0x0  }
0x287: {  	[sflag:s18] =	ssyncadd.s32 $0xFFFFC000  }
0x288: {  	[tilespmem:s13], [sflag:$0x6] =	stream.indirect.gather [hbm4b:s3+s8], $0x80, s30, s8, $0xb8;
	[tilespmem:$0x19000] =	vst v63  }
0x289: {  	_ =	swait.ge [sflag:s22], $0x4000  }
0x28a: {  	[sflag:s22] =	ssyncset.done $0x0  }
0x28b: {  	s31 =	rddreg [dreg:$0x11];
	[sflag:s22] =	ssyncadd.s32 $0xFFFFC000  }
0x28c: {  	[hbm4b:s31+s2] =	stream.linear.scatter [tilespmem:s5], [sflag:$0x8], $0x4000, $0x38;
	[tilespmem:$0x19000] =	vst v63  }
0x28d: {  	_ =	swait.ge [sflag:s6], $0x4000  }
0x28e: {  	s1 =	sld [smem:$0x7FC]  }
0x28f: {  	[sflag:s6] =	ssyncset.done $0x0  }
0x290: {  	[sflag:s6] =	ssyncadd.s32 $0xFFFFC000  }
0x291: {  	[tilespmem:s4], [sflag:$0x1] =	stream.indirect.gather [hbm4b:s3+s8], $0x80, s1, s8, $0xb8;
	[tilespmem:$0x19000] =	vst v63  }
0x292: {  	_ =	swait.ge [sflag:s21], $0x4000  }
0x293: {  	[sflag:s21] =	ssyncset.done $0x0  }
0x294: {  	s30 =	rddreg [dreg:$0x12];
	[sflag:s21] =	ssyncadd.s32 $0xFFFFC000  }
0x295: {  	[hbm4b:s30+s2] =	stream.linear.scatter [tilespmem:s14], [sflag:$0x9], $0x4000, $0x38;
	[tilespmem:$0x19000] =	vst v63  }
0x296: {  	_ =	swait.ge [sflag:s7], $0x4000  }
0x297: {  	s31 =	sld [smem:$0x7FD]  }
0x298: {  	[sflag:s7] =	ssyncset.done $0x0  }
0x299: {  	[sflag:s7] =	ssyncadd.s32 $0xFFFFC000  }
0x29a: {  	[tilespmem:s5], [sflag:$0x2] =	stream.indirect.gather [hbm4b:s3+s8], $0x80, s31, s8, $0xb8;
	[tilespmem:$0x19000] =	vst v63  }
0x29b: {  	_ =	swait.ge [sflag:s19], $0x4000  }
0x29c: {  	[sflag:s19] =	ssyncset.done $0x0  }
0x29d: {  	s1 =	rddreg [dreg:$0x13];
	[sflag:s19] =	ssyncadd.s32 $0xFFFFC000  }
0x29e: {  	[hbm4b:s1+s2] =	stream.linear.scatter [tilespmem:s11], [sflag:$0xA], $0x4000, $0x38;
	[tilespmem:$0x19000] =	vst v63  }
0x29f: {  	_ =	swait.ge [sflag:s15], $0x4000  }
0x2a0: {  	[sflag:s15] =	ssyncset.done $0x0  }
0x2a1: {  	[sflag:s15] =	ssyncadd.s32 $0xFFFFC000  }
0x2a2: {  	[tilespmem:s14], [sflag:$0x3] =	stream.indirect.gather [hbm4b:s3+s8], $0x80, s24, s8, $0xb8;
	[tilespmem:$0x19000] =	vst v63  }
0x2a3: {  	_ =	swait.ge [sflag:s20], $0x4000  }
0x2a4: {  	[sflag:s20] =	ssyncset.done $0x0  }
0x2a5: {  	s24 =	rddreg [dreg:$0x14];
	[sflag:s20] =	ssyncadd.s32 $0xFFFFC000  }
0x2a6: {  	[hbm4b:s24+s2] =	stream.linear.scatter [tilespmem:s12], [sflag:$0xB], $0x4000, $0x38;
	[tilespmem:$0x19000] =	vst v63  }
0x2a7: {  	_ =	swait.ge [sflag:s16], $0x4000  }
0x2a8: {  	[sflag:s16] =	ssyncset.done $0x0  }
0x2a9: {  	[sflag:s16] =	ssyncadd.s32 $0xFFFFC000  }
0x2aa: {  	[tilespmem:s11], [sflag:$0x4] =	stream.indirect.gather [hbm4b:s3+s8], $0x80, s29, s8, $0xb8;
	[tilespmem:$0x19000] =	vst v63  }
0x2ab: {  	_ =	swait.ge [sflag:s9], $0x4000  }
0x2ac: {  	[sflag:s9] =	ssyncset.done $0x0  }
0x2ad: {  	s30 =	rddreg [dreg:$0x15];
	[sflag:s9] =	ssyncadd.s32 $0xFFFFC000  }
0x2ae: {  	[hbm4b:s30+s2] =	stream.linear.scatter [tilespmem:s13], [sflag:$0xC], $0x4000, $0x38;
	[tilespmem:$0x19000] =	vst v63  }
0x2af: {  	_ =	swait.ge [sflag:s17], $0x4000  }
0x2b0: {  	[sflag:s17] =	ssyncset.done $0x0  }
0x2b1: {  	[sflag:s17] =	ssyncadd.s32 $0xFFFFC000  }
0x2b2: {  	[tilespmem:s12], [sflag:$0x5] =	stream.indirect.gather [hbm4b:s3+s8], $0x80, s28, s8, $0xb8;
	[tilespmem:$0x19000] =	vst v63  }
0x2b3: {  	_ =	swait.ge [sflag:s10], $0x4000  }
0x2b4: {  	[sflag:s10] =	ssyncset.done $0x0  }
0x2b5: {  	s31 =	rddreg [dreg:$0x16];
	[sflag:s10] =	ssyncadd.s32 $0xFFFFC000  }
0x2b6: {  	[hbm4b:s31+s2] =	stream.linear.scatter [tilespmem:s4], [sflag:$0x7], $0x4000, $0x38;
	[tilespmem:$0x19000] =	vst v63  }
0x2b7: {  	_ =	swait.ge [sflag:s18], $0x4000  }
0x2b8: {  	[sflag:s18] =	ssyncset.done $0x0  }
0x2b9: {  	[sflag:s18] =	ssyncadd.s32 $0xFFFFC000  }
0x2ba: {  	[tilespmem:s13], [sflag:$0x6] =	stream.indirect.gather [hbm4b:s3+s8], $0x80, s26, s8, $0xb8;
	[tilespmem:$0x19000] =	vst v63  }
0x2bb: {  	_ =	swait.ge [sflag:s22], $0x4000  }
0x2bc: {  	[sflag:s22] =	ssyncset.done $0x0  }
0x2bd: {  	s1 =	rddreg [dreg:$0x17];
	[sflag:s22] =	ssyncadd.s32 $0xFFFFC000  }
0x2be: {  	[hbm4b:s1+s2] =	stream.linear.scatter [tilespmem:s5], [sflag:$0x8], $0x4000, $0x38;
	[tilespmem:$0x19000] =	vst v63  }
0x2bf: {  	_ =	swait.ge [sflag:s6], $0x4000  }
0x2c0: {  	[sflag:s6] =	ssyncset.done $0x0  }
0x2c1: {  	[sflag:s6] =	ssyncadd.s32 $0xFFFFC000  }
0x2c2: {  	[tilespmem:s4], [sflag:$0x1] =	stream.indirect.gather [hbm4b:s3+s8], $0x80, s25, s8, $0xb8;
	[tilespmem:$0x19000] =	vst v63  }
0x2c3: {  	_ =	swait.ge [sflag:s21], $0x4000  }
0x2c4: {  	[sflag:s21] =	ssyncset.done $0x0  }
0x2c5: {  	s24 =	rddreg [dreg:$0x18];
	[sflag:s21] =	ssyncadd.s32 $0xFFFFC000  }
0x2c6: {  	[hbm4b:s24+s2] =	stream.linear.scatter [tilespmem:s14], [sflag:$0x9], $0x4000, $0x38;
	[tilespmem:$0x19000] =	vst v63  }
0x2c7: {  	_ =	swait.ge [sflag:s7], $0x4000  }
0x2c8: {  	[sflag:s7] =	ssyncset.done $0x0  }
0x2c9: {  	s25 =	simm.s32 $0xC80;
	[sflag:s7] =	ssyncadd.s32 $0xFFFFC000  }
0x2ca: {  	[tilespmem:s5], [sflag:$0x2] =	stream.indirect.gather [hbm4b:s3+s8], $0x80, s25, s8, $0xb8;
	[tilespmem:$0x19000] =	vst v63  }
0x2cb: {  	_ =	swait.ge [sflag:s19], $0x4000  }
0x2cc: {  	[sflag:s19] =	ssyncset.done $0x0  }
0x2cd: {  	s26 =	rddreg [dreg:$0x19];
	[sflag:s19] =	ssyncadd.s32 $0xFFFFC000  }
0x2ce: {  	[hbm4b:s26+s2] =	stream.linear.scatter [tilespmem:s11], [sflag:$0xA], $0x4000, $0x38;
	[tilespmem:$0x19000] =	vst v63  }
0x2cf: {  	_ =	swait.ge [sflag:s20], $0x4000  }
0x2d0: {  	[sflag:s20] =	ssyncset.done $0x0  }
0x2d1: {  	s28 =	rddreg [dreg:$0x1a];
	[sflag:s20] =	ssyncadd.s32 $0xFFFFC000  }
0x2d2: {  	[hbm4b:s28+s2] =	stream.linear.scatter [tilespmem:s12], [sflag:$0xB], $0x4000, $0x38;
	[tilespmem:$0x19000] =	vst v63  }
0x2d3: {  	_ =	swait.ge [sflag:s9], $0x4000  }
0x2d4: {  	[sflag:s9] =	ssyncset.done $0x0  }
0x2d5: {  	s29 =	rddreg [dreg:$0x1b];
	[sflag:s9] =	ssyncadd.s32 $0xFFFFC000  }
0x2d6: {  	[hbm4b:s29+s2] =	stream.linear.scatter [tilespmem:s13], [sflag:$0xC], $0x4000, $0x38;
	[tilespmem:$0x19000] =	vst v63  }
0x2d7: {  	_ =	swait.ge [sflag:s10], $0x4000  }
0x2d8: {  	[sflag:s10] =	ssyncset.done $0x0  }
0x2d9: {  	s30 =	rddreg [dreg:$0x1c];
	[sflag:s10] =	ssyncadd.s32 $0xFFFFC000  }
0x2da: {  	[hbm4b:s30+s2] =	stream.linear.scatter [tilespmem:s4], [sflag:$0x7], $0x4000, $0x38;
	[tilespmem:$0x19000] =	vst v63  }
0x2db: {  	s31 =	rddreg [dreg:$0x1d]  }
0x2dc: {  	[hbm4b:s31+s2] =	stream.linear.scatter [tilespmem:s5], [sflag:$0x8], $0x4000, $0x38;
	[tilespmem:$0x19000] =	vst v63  }
0x2dd: {  	_ =	swait.ge [sflag:s15], $0x4000  }
0x2de: {  	[sflag:s15] =	ssyncset.done $0x0  }
0x2df: {  	[sflag:s15] =	ssyncadd.s32 $0xFFFFC000  }
0x2e0: {  	_ =	swait.ge [sflag:s16], $0x4000  }
0x2e1: {  	[sflag:s16] =	ssyncset.done $0x0  }
0x2e2: {  	[sflag:s16] =	ssyncadd.s32 $0xFFFFC000  }
0x2e3: {  	_ =	swait.ge [sflag:s17], $0x4000  }
0x2e4: {  	[sflag:s17] =	ssyncset.done $0x0  }
0x2e5: {  	[sflag:s17] =	ssyncadd.s32 $0xFFFFC000  }
0x2e6: {  	_ =	swait.ge [sflag:s18], $0x4000  }
0x2e7: {  	[sflag:s18] =	ssyncset.done $0x0  }
0x2e8: {  	[sflag:s18] =	ssyncadd.s32 $0xFFFFC000  }
0x2e9: {  	_ =	swait.ge [sflag:s6], $0x4000  }
0x2ea: {  	[sflag:s6] =	ssyncset.done $0x0  }
0x2eb: {  	[sflag:s6] =	ssyncadd.s32 $0xFFFFC000  }
0x2ec: {  	_ =	swait.ge [sflag:s7], $0x4000  }
0x2ed: {  	[sflag:s7] =	ssyncset.done $0x0  }
0x2ee: {  	[sflag:s7] =	ssyncadd.s32 $0xFFFFC000  }
0x2ef: {  	_ =	sfence.sel $0x180000  }
0x2f0: {  	[bflag:$0x0] =	sbarrier.arrive $0xFFFF  }
0x2f1: {  	_ =	strace $0x90000047  }
0x2f2: {  	[bflag:$0x2] =	sbarrier.arrive $0xFFFF  }
0x2f3: {  	p0 =	sne.s32 s23, $0x0;
	s0 =	rddreg [dreg:$0x3]  }
0x2f4: {  	s0 =	sadd.s32 @!p0 $0x100000, s0  }
0x2f5: {  	[sflag:s0] =	ssyncadd.tile.s32 @!p0 $0x1;
	_ =	shalt  }
.LBB2_1:
.Ltmp3:
0x2f6: {  	(pc) =	sbr.rel .LBB2_6-.Ltmp3, $3  }
0x2f7: {  	_ =	sdelay $0x1  }
0x2f8: {  	s24 =	simm.s32 $0xA00;
	s29 =	simm.s32 $0xA80  }
0x2f9: {  	s28 =	simm.s32 $0xB00;
	s26 =	simm.s32 $0xB80;
	s25 =	simm.s32 $0xC00  }
.LBB2_3:
.Ltmp4:
0x2fa: {  	(pc) =	sbr.rel .LBB2_6-.Ltmp4, $3  }
0x2fb: {  	_ =	sdelay $0x1  }
0x2fc: {  	s24 =	simm.s32 $0xA00;
	s29 =	simm.s32 $0xA80;
	s28 =	simm.s32 $0xB00  }
0x2fd: {  	s26 =	simm.s32 $0xB80;
	s25 =	simm.s32 $0xC00;
	s23 =	stileid.u32  }
.Lfunc_end2:
_tile_overlayer_lowered:
.L_overlay_start_2:
0x2fe: {  	(tag) =	ssettag $0x2  }
0x2ff: {  	s0 =	rddreg [dreg:$0x0];
	s2 =	stileid.u32  }
0x300: {  	s1 =	rddreg [dreg:$0x1];
	p0 =	sne.s32 s2, $0x0  }
0x301: {  	s3 =	rddreg [dreg:$0x2];
	[bflag:$0x3] =	sbarrier.arrive $0xFFFF;
	s2 =	simm.s32 @!p0 $0x1C0D  }
0x302: {  	[timem:s3], [sflag:s2] =	dma.local @!p0 [hbm:s0], s1  }
0x303: {  	s0 =	simm.s32 @!p0 $0xD  }
0x304: {  	_ =	swait.ge @!p0 [sflag:s0], s1  }
0x305: {  	s1 =	ssub.s32 @!p0 $0x0, s1;
	[sflag:s0] =	ssyncset.done @!p0 $0x0  }
0x306: {  	[sflag:s0] =	ssyncadd.s32 @!p0 s1  }
0x307: {  	[bflag:$0x3] =	sbarrier.arrive $0xFFFF  }
0x308: {  	_ =	shalt  }

</sc_bundles>
